<compile_context>
chip_gen: v7x
topology: tpu7x:2x2x1
jax: 0.10.2.dev20260603
libtpu: 0.0.44.dev20260713+nightly
codegen_flags: <defaults>
</compile_context>

<pallas_src>
import functools
import jax
import jax.numpy as jnp
from jax import lax
from jax.experimental import pallas as pl
from jax.experimental.pallas import tpu as pltpu
from jax.experimental.pallas import tpu_sc as plsc

NW = 32
CHUNK = 128
N_PAD = 10240
R_TILE = N_PAD // 16
R_BLK = 1280

_mesh = plsc.VectorSubcoreMesh(core_axis_name="c", subcore_axis_name="s")
_sc_params = pltpu.CompilerParams(needs_layout_passes=False)
_sc_params_lin = pltpu.CompilerParams(needs_layout_passes=False,
                                      use_tc_tiling_on_sc=False)



@functools.lru_cache(maxsize=None)
def _make_deg_kernel(nch):
    @functools.partial(
        pl.kernel,
        out_type=jax.ShapeDtypeStruct((NW, N_PAD), jnp.float32),
        mesh=_mesh,
        compiler_params=_sc_params,
        scratch_types=[
            pltpu.VMEM((nch, CHUNK), jnp.int32),
            pltpu.VMEM((N_PAD,), jnp.float32),
        ],
    )
    def deg_kernel(e_hbm, out_hbm, dst_s, hist_s):
        c = lax.axis_index("c")
        s = lax.axis_index("s")
        wid = c * 16 + s
        pltpu.sync_copy(e_hbm.at[1, pl.ds(wid * nch, nch)], dst_s)
        zeros16 = jnp.zeros((16,), jnp.float32)
        ones16 = jnp.ones((16,), jnp.float32)

        def zbody(i, _):
            hist_s[pl.ds(i * 16, 16)] = zeros16
            return 0

        lax.fori_loop(0, N_PAD // 16, zbody, 0)

        def body(i, _):
            for g in range(CHUNK // 16):
                idx = dst_s[i, pl.ds(g * 16, 16)]
                plsc.addupdate_scatter(hist_s, [idx], ones16)
            return 0

        lax.fori_loop(0, nch, body, 0)
        pltpu.sync_copy(hist_s, out_hbm.at[wid])

    return deg_kernel



NBUF = 2
WIN = 40
NCHT = 80
TOTCH = NW * NCHT


@functools.lru_cache(maxsize=None)
def _make_scatter_kernel(feat):
    @functools.partial(
        pl.kernel,
        out_type=jax.ShapeDtypeStruct((2, N_PAD, feat), jnp.float32),
        mesh=_mesh,
        compiler_params=_sc_params if feat == HID_ else _sc_params_lin,
        scratch_types=[
            pltpu.VMEM((WIN, CHUNK), jnp.int32),
            pltpu.VMEM((WIN, CHUNK), jnp.int32),
            pltpu.VMEM((NBUF, CHUNK, feat), jnp.float32),
            pltpu.VMEM_SHARED((N_PAD, feat), jnp.float32),
            pltpu.SemaphoreType.DMA,
        ],
    )
    def scat_kernel(h_hbm, e_hbm, out_hbm, src_w, dst_w, buf, acc,
                    gsem):
        c = lax.axis_index("c")
        s = lax.axis_index("s")
        wid = c * 16 + s
        start = wid * NCHT

        zeros16 = jnp.zeros((16,), jnp.float32)

        def zbody(r, _):
            for g in range(feat // 16):
                buf[0, r, pl.ds(g * 16, 16)] = zeros16
            return 0

        lax.fori_loop(0, CHUNK, zbody, 0)
        base = s * R_TILE
        for k in range(R_TILE // CHUNK):
            pltpu.sync_copy(buf.at[0], acc.at[pl.ds(base + k * CHUNK, CHUNK)])
        plsc.subcore_barrier()

        def wait_gather():
            pltpu.make_async_copy(h_hbm.at[pl.ds(0, CHUNK)], buf.at[0],
                                  gsem).wait()

        def body(j, _):
            wait_gather()

            @pl.when(j + NBUF - 1 < WIN)
            def _():
                g = j + NBUF - 1
                pltpu.async_copy(h_hbm.at[src_w.at[g]],
                                 buf.at[g % NBUF], gsem)

            pltpu.sync_copy(buf.at[j % NBUF], acc.at[dst_w.at[j]],
                            add=True)
            return 0

        for w in range(NCHT // WIN):
            row = start + w * WIN
            pltpu.sync_copy(e_hbm.at[0, pl.ds(row, WIN)], src_w)
            pltpu.sync_copy(e_hbm.at[1, pl.ds(row, WIN)], dst_w)
            for i in range(NBUF - 1):
                pltpu.async_copy(h_hbm.at[src_w.at[i]], buf.at[i], gsem)
            lax.fori_loop(0, WIN, body, 0)

        plsc.subcore_barrier()
        for k in range(R_TILE // CHUNK):
            pltpu.sync_copy(acc.at[pl.ds(base + k * CHUNK, CHUNK)],
                            out_hbm.at[c, pl.ds(base + k * CHUNK, CHUNK)])

    return scat_kernel



def _dinv_from_hist(hist_blk):
    deg = jnp.sum(hist_blk, axis=0) + 1.0
    return lax.rsqrt(deg)


def _tc_a(hists, x_pad, w1):
    def body(hist_ref, x_ref, w_ref, o_ref):
        dinv = _dinv_from_hist(hist_ref[...])
        h = jnp.dot(x_ref[...], w_ref[...], preferred_element_type=jnp.float32)
        o_ref[...] = h * dinv[:, None]

    return pl.pallas_call(
        body,
        grid=(N_PAD // R_BLK,),
        in_specs=[
            pl.BlockSpec((NW, R_BLK), lambda i: (0, i)),
            pl.BlockSpec((R_BLK, IN_CH_), lambda i: (i, 0)),
            pl.BlockSpec((IN_CH_, HID_), lambda i: (0, 0)),
        ],
        out_specs=pl.BlockSpec((R_BLK, HID_), lambda i: (i, 0)),
        out_shape=jax.ShapeDtypeStruct((N_PAD, HID_), jnp.float32),
    )(hists, x_pad, w1)


def _tc_b(hists, acc, h1, b1, w2):
    def body(hist_ref, acc_ref, h1_ref, b1_ref, w_ref, o_ref):
        dinv = _dinv_from_hist(hist_ref[...])
        t = (acc_ref[0] + acc_ref[1] + h1_ref[...]) * dinv[:, None] + b1_ref[...]
        t = jnp.maximum(t, 0.0)
        h2 = jnp.dot(t, w_ref[...], preferred_element_type=jnp.float32)
        o_ref[...] = h2 * dinv[:, None]

    return pl.pallas_call(
        body,
        grid=(N_PAD // R_BLK,),
        in_specs=[
            pl.BlockSpec((NW, R_BLK), lambda i: (0, i)),
            pl.BlockSpec((2, R_BLK, HID_), lambda i: (0, i, 0)),
            pl.BlockSpec((R_BLK, HID_), lambda i: (i, 0)),
            pl.BlockSpec((1, HID_), lambda i: (0, 0)),
            pl.BlockSpec((HID_, OUT_CH_), lambda i: (0, 0)),
        ],
        out_specs=pl.BlockSpec((R_BLK, OUT_CH_), lambda i: (i, 0)),
        out_shape=jax.ShapeDtypeStruct((N_PAD, OUT_CH_), jnp.float32),
    )(hists, acc, h1, b1, w2)


def _tc_c(hists, acc, h2, b2):
    def body(hist_ref, acc_ref, h2_ref, b2_ref, o_ref):
        dinv = _dinv_from_hist(hist_ref[...])
        o_ref[...] = (acc_ref[0] + acc_ref[1] + h2_ref[...]) * dinv[:, None] + b2_ref[...]

    return pl.pallas_call(
        body,
        grid=(N_PAD // R_BLK,),
        in_specs=[
            pl.BlockSpec((NW, R_BLK), lambda i: (0, i)),
            pl.BlockSpec((2, R_BLK, OUT_CH_), lambda i: (0, i, 0)),
            pl.BlockSpec((R_BLK, OUT_CH_), lambda i: (i, 0)),
            pl.BlockSpec((1, OUT_CH_), lambda i: (0, 0)),
        ],
        out_specs=pl.BlockSpec((R_BLK, OUT_CH_), lambda i: (i, 0)),
        out_shape=jax.ShapeDtypeStruct((N_PAD, OUT_CH_), jnp.float32),
    )(hists, acc, h2, b2)


IN_CH_ = 128
HID_ = 128
OUT_CH_ = 64


def kernel(x, edge_index, W1, b1, W2, b2):
    n, in_ch = x.shape
    e = edge_index.shape[1]
    e_pad = TOTCH * CHUNK

    nreal = e // CHUNK
    pad_iota = n + jnp.arange(e_pad - e, dtype=jnp.int32) % (N_PAD - n)
    pad3 = jnp.broadcast_to(pad_iota.reshape(1, TOTCH - nreal, CHUNK),
                            (2, TOTCH - nreal, CHUNK))
    edges3 = jnp.concatenate(
        [edge_index.astype(jnp.int32).reshape(2, nreal, CHUNK), pad3], axis=1)

    b1r = b1.reshape(1, -1)
    out_ch = W2.shape[1]
    b2r = b2.reshape(1, -1)

    hists = _make_deg_kernel(NCHT)(edges3)
    h1 = _tc_a(hists, x, W1)
    acc1 = _make_scatter_kernel(HID_)(h1, edges3)
    h2 = _tc_b(hists, acc1, h1, b1r, W2)
    acc2 = _make_scatter_kernel(OUT_CH_)(h2, edges3)
    out = _tc_c(hists, acc2, h2, b2r)
    return out[:n]

# --- scband reference (transcript-rebuilt; emitter-appended) ---
"""Pipeline reference for scband-encoder-21534966022568 (READ-ONLY COPY).

The authoritative reference and input builder live on the scoring server;
editing this copy changes nothing except your own understanding.
"""

import jax, jax.numpy as jnp
import numpy as np

N_NODES = 10000
N_EDGES = 320000
IN_CH = 128
OUT_CH = 64
HID = 2 * OUT_CH  # 128


def setup_inputs(seed: int = 0) -> dict:
    key = jax.random.key(seed)
    k1, k2, k3, k4, k5, k6 = jax.random.split(key, 6)
    x = jax.random.normal(k1, (N_NODES, IN_CH), dtype=jnp.float32)
    edge_index = jax.random.randint(k2, (2, N_EDGES), 0, N_NODES, dtype=jnp.int64)
    # GCNConv weights (conv1: in -> 2*out, conv2: 2*out -> out)
    s1 = 1.0 / np.sqrt(IN_CH)
    s2 = 1.0 / np.sqrt(HID)
    W1 = jax.random.uniform(k3, (IN_CH, HID), dtype=jnp.float32, minval=-s1, maxval=s1)
    b1 = jnp.zeros((HID,), dtype=jnp.float32)
    W2 = jax.random.uniform(k4, (HID, OUT_CH), dtype=jnp.float32, minval=-s2, maxval=s2)
    b2 = jnp.zeros((OUT_CH,), dtype=jnp.float32)
    return {"x": x, "edge_index": edge_index, "W1": W1, "b1": b1, "W2": W2, "b2": b2}


def _gcn_conv(x, src, dst, W, b, n_nodes):
    # GCNConv with added self-loops and symmetric normalization (PyG semantics)
    loop = jnp.arange(n_nodes, dtype=src.dtype)
    src_full = jnp.concatenate([src, loop])
    dst_full = jnp.concatenate([dst, loop])
    deg = jnp.zeros((n_nodes,), dtype=x.dtype).at[dst_full].add(1.0)
    deg_inv_sqrt = jnp.where(deg > 0, deg ** -0.5, 0.0)
    norm = deg_inv_sqrt[src_full] * deg_inv_sqrt[dst_full]
    h = x @ W  # dense transform
    msg = jnp.take(h, src_full, axis=0) * norm[:, None]  # gather
    out = jnp.zeros((n_nodes, h.shape[1]), dtype=h.dtype).at[dst_full].add(msg)  # scatter-add
    return out + b


def reference(x, edge_index, W1, b1, W2, b2):
    # Encoder with args.encoder='GCN', args.model='GAE', eval mode (dropout inactive)
    src = edge_index[0]
    dst = edge_index[1]
    h = _gcn_conv(x, src, dst, W1, b1, N_NODES)
    h = jax.nn.relu(h)
    out = _gcn_conv(h, src, dst, W2, b2, N_NODES)
    return out

if __name__ == "__main__":
    import jax
    _d = setup_inputs()
    print(jax.jit(kernel)(*tuple(_d.values())))

</pallas_src>

<mosaic_0001>
#map = affine_map<(d0, d1) -> (0, 0)>
#map1 = affine_map<(d0, d1) -> (0, 0, 0)>
module attributes {stable_mosaic.version = 14 : i64} {
  func.func @scat_kernel(%arg0: i32, %arg1: i32, %arg2: memref<10240x128xf32, #tpu.memory_space<hbm>>, %arg3: memref<2x2560x128xi32, #tpu.memory_space<hbm>>, %arg4: memref<2x10240x128xf32, #tpu.memory_space<hbm>>, %arg5: memref<40x128xi32, #tpu.memory_space<vmem>>, %arg6: memref<40x128xi32, #tpu.memory_space<vmem>>, %arg7: memref<2x128x128xf32, #tpu.memory_space<vmem>>, %arg8: memref<10240x128xf32, #tpu.memory_space<vmem_shared>>, %arg9: memref<!tpu.dma_semaphore, #tpu.memory_space<semaphore_mem>>) attributes {dimension_semantics = [#tpu.dimension_semantics<core_parallel>, #tpu.dimension_semantics<subcore_parallel>], iteration_bounds = array<i64: 2, 16>, scalar_prefetch = 0 : i64, scratch_operands = 5 : i64, tpu.core_type = #tpu.core_type<sc_vector_subcore>, window_params = [{transform_indices = #map}, {transform_indices = #map1}, {transform_indices = #map1}]} {
    %mul3A = arith.constant 16 : i32
    %mul3A_0 = arith.muli %arg0, %mul3A : i32
    %add3A = arith.addi %mul3A_0, %arg1 : i32
    %mul3A_1 = arith.constant 80 : i32
    %mul3A_2 = arith.muli %add3A, %mul3A_1 : i32
    %broadcast_in_dim3A = arith.constant 0.000000e+00 : f32
    %broadcast_in_dim3A_3 = vector.broadcast %broadcast_in_dim3A : f32 to vector<16xf32>
    %scan3A = arith.constant 0 : i32
    %scan3A_4 = arith.constant 0 : i32
    %scan3A_5 = arith.constant 128 : i32
    %scan3A_6 = arith.addi %scan3A_4, %scan3A_5 : i32
    %scan3A_7 = arith.constant 1 : i32
    %scan3A_8 = scf.for %scan3A_92 = %scan3A_4 to %scan3A_6 step %scan3A_7 iter_args(%scan3A_93 = %scan3A) -> (i32)  : i32 {
      %swap3A = arith.constant 0 : i32
      %swap3A_94 = arith.index_cast %swap3A : i32 to index
      %swap3A_95 = arith.index_cast %scan3A_92 : i32 to index
      %swap3A_96 = arith.constant 0 : index
      %swap3A_97 = tpu.vector_load %arg7[%swap3A_94, %swap3A_95, %swap3A_96] {strides = array<i32>} : memref<2x128x128xf32, #tpu.memory_space<vmem>>, vector<16xf32>,
      tpu.vector_store %arg7[%swap3A_94, %swap3A_95, %swap3A_96], %broadcast_in_dim3A_3 {strides = array<i32>} : memref<2x128x128xf32, #tpu.memory_space<vmem>>, vector<16xf32>,
      %swap3A_98 = arith.constant 0 : i32
      %swap3A_99 = arith.index_cast %swap3A_98 : i32 to index
      %swap3A_100 = arith.index_cast %scan3A_92 : i32 to index
      %swap3A_101 = arith.constant 16 : index
      %swap3A_102 = tpu.vector_load %arg7[%swap3A_99, %swap3A_100, %swap3A_101] {strides = array<i32>} : memref<2x128x128xf32, #tpu.memory_space<vmem>>, vector<16xf32>,
      tpu.vector_store %arg7[%swap3A_99, %swap3A_100, %swap3A_101], %broadcast_in_dim3A_3 {strides = array<i32>} : memref<2x128x128xf32, #tpu.memory_space<vmem>>, vector<16xf32>,
      %swap3A_103 = arith.constant 0 : i32
      %swap3A_104 = arith.index_cast %swap3A_103 : i32 to index
      %swap3A_105 = arith.index_cast %scan3A_92 : i32 to index
      %swap3A_106 = arith.constant 32 : index
      %swap3A_107 = tpu.vector_load %arg7[%swap3A_104, %swap3A_105, %swap3A_106] {strides = array<i32>} : memref<2x128x128xf32, #tpu.memory_space<vmem>>, vector<16xf32>,
      tpu.vector_store %arg7[%swap3A_104, %swap3A_105, %swap3A_106], %broadcast_in_dim3A_3 {strides = array<i32>} : memref<2x128x128xf32, #tpu.memory_space<vmem>>, vector<16xf32>,
      %swap3A_108 = arith.constant 0 : i32
      %swap3A_109 = arith.index_cast %swap3A_108 : i32 to index
      %swap3A_110 = arith.index_cast %scan3A_92 : i32 to index
      %swap3A_111 = arith.constant 48 : index
      %swap3A_112 = tpu.vector_load %arg7[%swap3A_109, %swap3A_110, %swap3A_111] {strides = array<i32>} : memref<2x128x128xf32, #tpu.memory_space<vmem>>, vector<16xf32>,
      tpu.vector_store %arg7[%swap3A_109, %swap3A_110, %swap3A_111], %broadcast_in_dim3A_3 {strides = array<i32>} : memref<2x128x128xf32, #tpu.memory_space<vmem>>, vector<16xf32>,
      %swap3A_113 = arith.constant 0 : i32
      %swap3A_114 = arith.index_cast %swap3A_113 : i32 to index
      %swap3A_115 = arith.index_cast %scan3A_92 : i32 to index
      %swap3A_116 = arith.constant 64 : index
      %swap3A_117 = tpu.vector_load %arg7[%swap3A_114, %swap3A_115, %swap3A_116] {strides = array<i32>} : memref<2x128x128xf32, #tpu.memory_space<vmem>>, vector<16xf32>,
      tpu.vector_store %arg7[%swap3A_114, %swap3A_115, %swap3A_116], %broadcast_in_dim3A_3 {strides = array<i32>} : memref<2x128x128xf32, #tpu.memory_space<vmem>>, vector<16xf32>,
      %swap3A_118 = arith.constant 0 : i32
      %swap3A_119 = arith.index_cast %swap3A_118 : i32 to index
      %swap3A_120 = arith.index_cast %scan3A_92 : i32 to index
      %swap3A_121 = arith.constant 80 : index
      %swap3A_122 = tpu.vector_load %arg7[%swap3A_119, %swap3A_120, %swap3A_121] {strides = array<i32>} : memref<2x128x128xf32, #tpu.memory_space<vmem>>, vector<16xf32>,
      tpu.vector_store %arg7[%swap3A_119, %swap3A_120, %swap3A_121], %broadcast_in_dim3A_3 {strides = array<i32>} : memref<2x128x128xf32, #tpu.memory_space<vmem>>, vector<16xf32>,
      %swap3A_123 = arith.constant 0 : i32
      %swap3A_124 = arith.index_cast %swap3A_123 : i32 to index
      %swap3A_125 = arith.index_cast %scan3A_92 : i32 to index
      %swap3A_126 = arith.constant 96 : index
      %swap3A_127 = tpu.vector_load %arg7[%swap3A_124, %swap3A_125, %swap3A_126] {strides = array<i32>} : memref<2x128x128xf32, #tpu.memory_space<vmem>>, vector<16xf32>,
      tpu.vector_store %arg7[%swap3A_124, %swap3A_125, %swap3A_126], %broadcast_in_dim3A_3 {strides = array<i32>} : memref<2x128x128xf32, #tpu.memory_space<vmem>>, vector<16xf32>,
      %swap3A_128 = arith.constant 0 : i32
      %swap3A_129 = arith.index_cast %swap3A_128 : i32 to index
      %swap3A_130 = arith.index_cast %scan3A_92 : i32 to index
      %swap3A_131 = arith.constant 112 : index
      %swap3A_132 = tpu.vector_load %arg7[%swap3A_129, %swap3A_130, %swap3A_131] {strides = array<i32>} : memref<2x128x128xf32, #tpu.memory_space<vmem>>, vector<16xf32>,
      tpu.vector_store %arg7[%swap3A_129, %swap3A_130, %swap3A_131], %broadcast_in_dim3A_3 {strides = array<i32>} : memref<2x128x128xf32, #tpu.memory_space<vmem>>, vector<16xf32>,
      %scan3A_133 = arith.constant 0 : i32
      scf.yield %scan3A_133 : i32
    }
    %scan3A_9 = arith.constant 128 : i32
    %mul3A_10 = arith.constant 640 : i32
    %mul3A_11 = arith.muli %arg1, %mul3A_10 : i32
    %add3A_12 = arith.constant 0 : i32
    %add3A_13 = arith.addi %mul3A_11, %add3A_12 : i32
    %run_scoped3A = arith.constant 0 : i32
    "tpu.region"() ({
      %run_scoped3A_92 = tpu.sem_alloc : memref<!tpu.dma_semaphore, #tpu.memory_space<semaphore_mem>>
      %dma_start3A_93 = arith.constant 0 : i32
      %dma_start3A_94 = arith.constant 0 : i32
      %dma_start3A_95 = tpu.memref_slice %arg7[%run_scoped3A, %dma_start3A_93, %dma_start3A_94] : memref<2x128x128xf32, #tpu.memory_space<vmem>> -> memref<1x128x128xf32, #tpu.memory_space<vmem>>
      %dma_start3A_96 = tpu.memref_squeeze %dma_start3A_95 : memref<1x128x128xf32, #tpu.memory_space<vmem>> -> memref<128x128xf32, #tpu.memory_space<vmem>>
      %dma_start3A_97 = arith.constant 0 : i32
      %dma_start3A_98 = tpu.memref_slice %arg8[%add3A_13, %dma_start3A_97] : memref<10240x128xf32, #tpu.memory_space<vmem_shared>> -> memref<128x128xf32, #tpu.memory_space<vmem_shared>>
      %dma_start3A_99 = arith.constant 0 : i32
      %dma_start3A_100 = tpu.memref_slice %arg8[%add3A_13, %dma_start3A_99] : memref<10240x128xf32, #tpu.memory_space<vmem_shared>> -> memref<128x128xf32, #tpu.memory_space<vmem_shared>>
      %dma_start3A_101 = arith.constant 0 : i32
      %dma_start3A_102 = arith.constant 0 : i32
      %dma_start3A_103 = tpu.memref_slice %arg7[%run_scoped3A, %dma_start3A_101, %dma_start3A_102] : memref<2x128x128xf32, #tpu.memory_space<vmem>> -> memref<1x128x128xf32, #tpu.memory_space<vmem>>
      %dma_start3A_104 = tpu.memref_squeeze %dma_start3A_103 : memref<1x128x128xf32, #tpu.memory_space<vmem>> -> memref<128x128xf32, #tpu.memory_space<vmem>>
      tpu.enqueue_dma source(%dma_start3A_104 : memref<128x128xf32, #tpu.memory_space<vmem>>) target(%dma_start3A_100 : memref<128x128xf32, #tpu.memory_space<vmem_shared>>) target_semaphore(%run_scoped3A_92 : memref<!tpu.dma_semaphore, #tpu.memory_space<semaphore_mem>>)
      %dma_wait3A = arith.constant 0 : i32
      %dma_wait3A_105 = arith.constant 0 : i32
      %dma_wait3A_106 = tpu.memref_slice %arg7[%run_scoped3A, %dma_wait3A, %dma_wait3A_105] : memref<2x128x128xf32, #tpu.memory_space<vmem>> -> memref<1x128x128xf32, #tpu.memory_space<vmem>>
      %dma_wait3A_107 = tpu.memref_squeeze %dma_wait3A_106 : memref<1x128x128xf32, #tpu.memory_space<vmem>> -> memref<128x128xf32, #tpu.memory_space<vmem>>
      %dma_wait3A_108 = arith.constant 0 : i32
      %dma_wait3A_109 = tpu.memref_slice %arg8[%add3A_13, %dma_wait3A_108] : memref<10240x128xf32, #tpu.memory_space<vmem_shared>> -> memref<128x128xf32, #tpu.memory_space<vmem_shared>>
      %dma_wait3A_110 = arith.constant 0 : i32
      %dma_wait3A_111 = tpu.memref_slice %arg8[%add3A_13, %dma_wait3A_110] : memref<10240x128xf32, #tpu.memory_space<vmem_shared>> -> memref<128x128xf32, #tpu.memory_space<vmem_shared>>
      %dma_wait3A_112 = arith.constant 0 : i32
      %dma_wait3A_113 = arith.constant 0 : i32
      %dma_wait3A_114 = tpu.memref_slice %arg7[%run_scoped3A, %dma_wait3A_112, %dma_wait3A_113] : memref<2x128x128xf32, #tpu.memory_space<vmem>> -> memref<1x128x128xf32, #tpu.memory_space<vmem>>
      %dma_wait3A_115 = tpu.memref_squeeze %dma_wait3A_114 : memref<1x128x128xf32, #tpu.memory_space<vmem>> -> memref<128x128xf32, #tpu.memory_space<vmem>>
      tpu.wait_dma2 semaphore(%run_scoped3A_92 : memref<!tpu.dma_semaphore, #tpu.memory_space<semaphore_mem>>) src(%dma_wait3A_115 : memref<128x128xf32, #tpu.memory_space<vmem>>) dst(%dma_wait3A_111 : memref<128x128xf32, #tpu.memory_space<vmem_shared>>)
      tpu.yield
    }) : () -> ()
    %add3A_14 = arith.constant 128 : i32
    %add3A_15 = arith.addi %mul3A_11, %add3A_14 : i32
    %run_scoped3A_16 = arith.constant 0 : i32
    "tpu.region"() ({
      %run_scoped3A_92 = tpu.sem_alloc : memref<!tpu.dma_semaphore, #tpu.memory_space<semaphore_mem>>
      %dma_start3A_93 = arith.constant 0 : i32
      %dma_start3A_94 = arith.constant 0 : i32
      %dma_start3A_95 = tpu.memref_slice %arg7[%run_scoped3A_16, %dma_start3A_93, %dma_start3A_94] : memref<2x128x128xf32, #tpu.memory_space<vmem>> -> memref<1x128x128xf32, #tpu.memory_space<vmem>>
      %dma_start3A_96 = tpu.memref_squeeze %dma_start3A_95 : memref<1x128x128xf32, #tpu.memory_space<vmem>> -> memref<128x128xf32, #tpu.memory_space<vmem>>
      %dma_start3A_97 = arith.constant 0 : i32
      %dma_start3A_98 = tpu.memref_slice %arg8[%add3A_15, %dma_start3A_97] : memref<10240x128xf32, #tpu.memory_space<vmem_shared>> -> memref<128x128xf32, #tpu.memory_space<vmem_shared>>
      %dma_start3A_99 = arith.constant 0 : i32
      %dma_start3A_100 = tpu.memref_slice %arg8[%add3A_15, %dma_start3A_99] : memref<10240x128xf32, #tpu.memory_space<vmem_shared>> -> memref<128x128xf32, #tpu.memory_space<vmem_shared>>
      %dma_start3A_101 = arith.constant 0 : i32
      %dma_start3A_102 = arith.constant 0 : i32
      %dma_start3A_103 = tpu.memref_slice %arg7[%run_scoped3A_16, %dma_start3A_101, %dma_start3A_102] : memref<2x128x128xf32, #tpu.memory_space<vmem>> -> memref<1x128x128xf32, #tpu.memory_space<vmem>>
      %dma_start3A_104 = tpu.memref_squeeze %dma_start3A_103 : memref<1x128x128xf32, #tpu.memory_space<vmem>> -> memref<128x128xf32, #tpu.memory_space<vmem>>
      tpu.enqueue_dma source(%dma_start3A_104 : memref<128x128xf32, #tpu.memory_space<vmem>>) target(%dma_start3A_100 : memref<128x128xf32, #tpu.memory_space<vmem_shared>>) target_semaphore(%run_scoped3A_92 : memref<!tpu.dma_semaphore, #tpu.memory_space<semaphore_mem>>)
      %dma_wait3A = arith.constant 0 : i32
      %dma_wait3A_105 = arith.constant 0 : i32
      %dma_wait3A_106 = tpu.memref_slice %arg7[%run_scoped3A_16, %dma_wait3A, %dma_wait3A_105] : memref<2x128x128xf32, #tpu.memory_space<vmem>> -> memref<1x128x128xf32, #tpu.memory_space<vmem>>
      %dma_wait3A_107 = tpu.memref_squeeze %dma_wait3A_106 : memref<1x128x128xf32, #tpu.memory_space<vmem>> -> memref<128x128xf32, #tpu.memory_space<vmem>>
      %dma_wait3A_108 = arith.constant 0 : i32
      %dma_wait3A_109 = tpu.memref_slice %arg8[%add3A_15, %dma_wait3A_108] : memref<10240x128xf32, #tpu.memory_space<vmem_shared>> -> memref<128x128xf32, #tpu.memory_space<vmem_shared>>
      %dma_wait3A_110 = arith.constant 0 : i32
      %dma_wait3A_111 = tpu.memref_slice %arg8[%add3A_15, %dma_wait3A_110] : memref<10240x128xf32, #tpu.memory_space<vmem_shared>> -> memref<128x128xf32, #tpu.memory_space<vmem_shared>>
      %dma_wait3A_112 = arith.constant 0 : i32
      %dma_wait3A_113 = arith.constant 0 : i32
      %dma_wait3A_114 = tpu.memref_slice %arg7[%run_scoped3A_16, %dma_wait3A_112, %dma_wait3A_113] : memref<2x128x128xf32, #tpu.memory_space<vmem>> -> memref<1x128x128xf32, #tpu.memory_space<vmem>>
      %dma_wait3A_115 = tpu.memref_squeeze %dma_wait3A_114 : memref<1x128x128xf32, #tpu.memory_space<vmem>> -> memref<128x128xf32, #tpu.memory_space<vmem>>
      tpu.wait_dma2 semaphore(%run_scoped3A_92 : memref<!tpu.dma_semaphore, #tpu.memory_space<semaphore_mem>>) src(%dma_wait3A_115 : memref<128x128xf32, #tpu.memory_space<vmem>>) dst(%dma_wait3A_111 : memref<128x128xf32, #tpu.memory_space<vmem_shared>>)
      tpu.yield
    }) : () -> ()
    %add3A_17 = arith.constant 256 : i32
    %add3A_18 = arith.addi %mul3A_11, %add3A_17 : i32
    %run_scoped3A_19 = arith.constant 0 : i32
    "tpu.region"() ({
      %run_scoped3A_92 = tpu.sem_alloc : memref<!tpu.dma_semaphore, #tpu.memory_space<semaphore_mem>>
      %dma_start3A_93 = arith.constant 0 : i32
      %dma_start3A_94 = arith.constant 0 : i32
      %dma_start3A_95 = tpu.memref_slice %arg7[%run_scoped3A_19, %dma_start3A_93, %dma_start3A_94] : memref<2x128x128xf32, #tpu.memory_space<vmem>> -> memref<1x128x128xf32, #tpu.memory_space<vmem>>
      %dma_start3A_96 = tpu.memref_squeeze %dma_start3A_95 : memref<1x128x128xf32, #tpu.memory_space<vmem>> -> memref<128x128xf32, #tpu.memory_space<vmem>>
      %dma_start3A_97 = arith.constant 0 : i32
      %dma_start3A_98 = tpu.memref_slice %arg8[%add3A_18, %dma_start3A_97] : memref<10240x128xf32, #tpu.memory_space<vmem_shared>> -> memref<128x128xf32, #tpu.memory_space<vmem_shared>>
      %dma_start3A_99 = arith.constant 0 : i32
      %dma_start3A_100 = tpu.memref_slice %arg8[%add3A_18, %dma_start3A_99] : memref<10240x128xf32, #tpu.memory_space<vmem_shared>> -> memref<128x128xf32, #tpu.memory_space<vmem_shared>>
      %dma_start3A_101 = arith.constant 0 : i32
      %dma_start3A_102 = arith.constant 0 : i32
      %dma_start3A_103 = tpu.memref_slice %arg7[%run_scoped3A_19, %dma_start3A_101, %dma_start3A_102] : memref<2x128x128xf32, #tpu.memory_space<vmem>> -> memref<1x128x128xf32, #tpu.memory_space<vmem>>
      %dma_start3A_104 = tpu.memref_squeeze %dma_start3A_103 : memref<1x128x128xf32, #tpu.memory_space<vmem>> -> memref<128x128xf32, #tpu.memory_space<vmem>>
      tpu.enqueue_dma source(%dma_start3A_104 : memref<128x128xf32, #tpu.memory_space<vmem>>) target(%dma_start3A_100 : memref<128x128xf32, #tpu.memory_space<vmem_shared>>) target_semaphore(%run_scoped3A_92 : memref<!tpu.dma_semaphore, #tpu.memory_space<semaphore_mem>>)
      %dma_wait3A = arith.constant 0 : i32
      %dma_wait3A_105 = arith.constant 0 : i32
      %dma_wait3A_106 = tpu.memref_slice %arg7[%run_scoped3A_19, %dma_wait3A, %dma_wait3A_105] : memref<2x128x128xf32, #tpu.memory_space<vmem>> -> memref<1x128x128xf32, #tpu.memory_space<vmem>>
      %dma_wait3A_107 = tpu.memref_squeeze %dma_wait3A_106 : memref<1x128x128xf32, #tpu.memory_space<vmem>> -> memref<128x128xf32, #tpu.memory_space<vmem>>
      %dma_wait3A_108 = arith.constant 0 : i32
      %dma_wait3A_109 = tpu.memref_slice %arg8[%add3A_18, %dma_wait3A_108] : memref<10240x128xf32, #tpu.memory_space<vmem_shared>> -> memref<128x128xf32, #tpu.memory_space<vmem_shared>>
      %dma_wait3A_110 = arith.constant 0 : i32
      %dma_wait3A_111 = tpu.memref_slice %arg8[%add3A_18, %dma_wait3A_110] : memref<10240x128xf32, #tpu.memory_space<vmem_shared>> -> memref<128x128xf32, #tpu.memory_space<vmem_shared>>
      %dma_wait3A_112 = arith.constant 0 : i32
      %dma_wait3A_113 = arith.constant 0 : i32
      %dma_wait3A_114 = tpu.memref_slice %arg7[%run_scoped3A_19, %dma_wait3A_112, %dma_wait3A_113] : memref<2x128x128xf32, #tpu.memory_space<vmem>> -> memref<1x128x128xf32, #tpu.memory_space<vmem>>
      %dma_wait3A_115 = tpu.memref_squeeze %dma_wait3A_114 : memref<1x128x128xf32, #tpu.memory_space<vmem>> -> memref<128x128xf32, #tpu.memory_space<vmem>>
      tpu.wait_dma2 semaphore(%run_scoped3A_92 : memref<!tpu.dma_semaphore, #tpu.memory_space<semaphore_mem>>) src(%dma_wait3A_115 : memref<128x128xf32, #tpu.memory_space<vmem>>) dst(%dma_wait3A_111 : memref<128x128xf32, #tpu.memory_space<vmem_shared>>)
      tpu.yield
    }) : () -> ()
    %add3A_20 = arith.constant 384 : i32
    %add3A_21 = arith.addi %mul3A_11, %add3A_20 : i32
    %run_scoped3A_22 = arith.constant 0 : i32
    "tpu.region"() ({
      %run_scoped3A_92 = tpu.sem_alloc : memref<!tpu.dma_semaphore, #tpu.memory_space<semaphore_mem>>
      %dma_start3A_93 = arith.constant 0 : i32
      %dma_start3A_94 = arith.constant 0 : i32
      %dma_start3A_95 = tpu.memref_slice %arg7[%run_scoped3A_22, %dma_start3A_93, %dma_start3A_94] : memref<2x128x128xf32, #tpu.memory_space<vmem>> -> memref<1x128x128xf32, #tpu.memory_space<vmem>>
      %dma_start3A_96 = tpu.memref_squeeze %dma_start3A_95 : memref<1x128x128xf32, #tpu.memory_space<vmem>> -> memref<128x128xf32, #tpu.memory_space<vmem>>
      %dma_start3A_97 = arith.constant 0 : i32
      %dma_start3A_98 = tpu.memref_slice %arg8[%add3A_21, %dma_start3A_97] : memref<10240x128xf32, #tpu.memory_space<vmem_shared>> -> memref<128x128xf32, #tpu.memory_space<vmem_shared>>
      %dma_start3A_99 = arith.constant 0 : i32
      %dma_start3A_100 = tpu.memref_slice %arg8[%add3A_21, %dma_start3A_99] : memref<10240x128xf32, #tpu.memory_space<vmem_shared>> -> memref<128x128xf32, #tpu.memory_space<vmem_shared>>
      %dma_start3A_101 = arith.constant 0 : i32
      %dma_start3A_102 = arith.constant 0 : i32
      %dma_start3A_103 = tpu.memref_slice %arg7[%run_scoped3A_22, %dma_start3A_101, %dma_start3A_102] : memref<2x128x128xf32, #tpu.memory_space<vmem>> -> memref<1x128x128xf32, #tpu.memory_space<vmem>>
      %dma_start3A_104 = tpu.memref_squeeze %dma_start3A_103 : memref<1x128x128xf32, #tpu.memory_space<vmem>> -> memref<128x128xf32, #tpu.memory_space<vmem>>
      tpu.enqueue_dma source(%dma_start3A_104 : memref<128x128xf32, #tpu.memory_space<vmem>>) target(%dma_start3A_100 : memref<128x128xf32, #tpu.memory_space<vmem_shared>>) target_semaphore(%run_scoped3A_92 : memref<!tpu.dma_semaphore, #tpu.memory_space<semaphore_mem>>)
      %dma_wait3A = arith.constant 0 : i32
      %dma_wait3A_105 = arith.constant 0 : i32
      %dma_wait3A_106 = tpu.memref_slice %arg7[%run_scoped3A_22, %dma_wait3A, %dma_wait3A_105] : memref<2x128x128xf32, #tpu.memory_space<vmem>> -> memref<1x128x128xf32, #tpu.memory_space<vmem>>
      %dma_wait3A_107 = tpu.memref_squeeze %dma_wait3A_106 : memref<1x128x128xf32, #tpu.memory_space<vmem>> -> memref<128x128xf32, #tpu.memory_space<vmem>>
      %dma_wait3A_108 = arith.constant 0 : i32
      %dma_wait3A_109 = tpu.memref_slice %arg8[%add3A_21, %dma_wait3A_108] : memref<10240x128xf32, #tpu.memory_space<vmem_shared>> -> memref<128x128xf32, #tpu.memory_space<vmem_shared>>
      %dma_wait3A_110 = arith.constant 0 : i32
      %dma_wait3A_111 = tpu.memref_slice %arg8[%add3A_21, %dma_wait3A_110] : memref<10240x128xf32, #tpu.memory_space<vmem_shared>> -> memref<128x128xf32, #tpu.memory_space<vmem_shared>>
      %dma_wait3A_112 = arith.constant 0 : i32
      %dma_wait3A_113 = arith.constant 0 : i32
      %dma_wait3A_114 = tpu.memref_slice %arg7[%run_scoped3A_22, %dma_wait3A_112, %dma_wait3A_113] : memref<2x128x128xf32, #tpu.memory_space<vmem>> -> memref<1x128x128xf32, #tpu.memory_space<vmem>>
      %dma_wait3A_115 = tpu.memref_squeeze %dma_wait3A_114 : memref<1x128x128xf32, #tpu.memory_space<vmem>> -> memref<128x128xf32, #tpu.memory_space<vmem>>
      tpu.wait_dma2 semaphore(%run_scoped3A_92 : memref<!tpu.dma_semaphore, #tpu.memory_space<semaphore_mem>>) src(%dma_wait3A_115 : memref<128x128xf32, #tpu.memory_space<vmem>>) dst(%dma_wait3A_111 : memref<128x128xf32, #tpu.memory_space<vmem_shared>>)
      tpu.yield
    }) : () -> ()
    %add3A_23 = arith.constant 512 : i32
    %add3A_24 = arith.addi %mul3A_11, %add3A_23 : i32
    %run_scoped3A_25 = arith.constant 0 : i32
    "tpu.region"() ({
      %run_scoped3A_92 = tpu.sem_alloc : memref<!tpu.dma_semaphore, #tpu.memory_space<semaphore_mem>>
      %dma_start3A_93 = arith.constant 0 : i32
      %dma_start3A_94 = arith.constant 0 : i32
      %dma_start3A_95 = tpu.memref_slice %arg7[%run_scoped3A_25, %dma_start3A_93, %dma_start3A_94] : memref<2x128x128xf32, #tpu.memory_space<vmem>> -> memref<1x128x128xf32, #tpu.memory_space<vmem>>
      %dma_start3A_96 = tpu.memref_squeeze %dma_start3A_95 : memref<1x128x128xf32, #tpu.memory_space<vmem>> -> memref<128x128xf32, #tpu.memory_space<vmem>>
      %dma_start3A_97 = arith.constant 0 : i32
      %dma_start3A_98 = tpu.memref_slice %arg8[%add3A_24, %dma_start3A_97] : memref<10240x128xf32, #tpu.memory_space<vmem_shared>> -> memref<128x128xf32, #tpu.memory_space<vmem_shared>>
      %dma_start3A_99 = arith.constant 0 : i32
      %dma_start3A_100 = tpu.memref_slice %arg8[%add3A_24, %dma_start3A_99] : memref<10240x128xf32, #tpu.memory_space<vmem_shared>> -> memref<128x128xf32, #tpu.memory_space<vmem_shared>>
      %dma_start3A_101 = arith.constant 0 : i32
      %dma_start3A_102 = arith.constant 0 : i32
      %dma_start3A_103 = tpu.memref_slice %arg7[%run_scoped3A_25, %dma_start3A_101, %dma_start3A_102] : memref<2x128x128xf32, #tpu.memory_space<vmem>> -> memref<1x128x128xf32, #tpu.memory_space<vmem>>
      %dma_start3A_104 = tpu.memref_squeeze %dma_start3A_103 : memref<1x128x128xf32, #tpu.memory_space<vmem>> -> memref<128x128xf32, #tpu.memory_space<vmem>>
      tpu.enqueue_dma source(%dma_start3A_104 : memref<128x128xf32, #tpu.memory_space<vmem>>) target(%dma_start3A_100 : memref<128x128xf32, #tpu.memory_space<vmem_shared>>) target_semaphore(%run_scoped3A_92 : memref<!tpu.dma_semaphore, #tpu.memory_space<semaphore_mem>>)
      %dma_wait3A = arith.constant 0 : i32
      %dma_wait3A_105 = arith.constant 0 : i32
      %dma_wait3A_106 = tpu.memref_slice %arg7[%run_scoped3A_25, %dma_wait3A, %dma_wait3A_105] : memref<2x128x128xf32, #tpu.memory_space<vmem>> -> memref<1x128x128xf32, #tpu.memory_space<vmem>>
      %dma_wait3A_107 = tpu.memref_squeeze %dma_wait3A_106 : memref<1x128x128xf32, #tpu.memory_space<vmem>> -> memref<128x128xf32, #tpu.memory_space<vmem>>
      %dma_wait3A_108 = arith.constant 0 : i32
      %dma_wait3A_109 = tpu.memref_slice %arg8[%add3A_24, %dma_wait3A_108] : memref<10240x128xf32, #tpu.memory_space<vmem_shared>> -> memref<128x128xf32, #tpu.memory_space<vmem_shared>>
      %dma_wait3A_110 = arith.constant 0 : i32
      %dma_wait3A_111 = tpu.memref_slice %arg8[%add3A_24, %dma_wait3A_110] : memref<10240x128xf32, #tpu.memory_space<vmem_shared>> -> memref<128x128xf32, #tpu.memory_space<vmem_shared>>
      %dma_wait3A_112 = arith.constant 0 : i32
      %dma_wait3A_113 = arith.constant 0 : i32
      %dma_wait3A_114 = tpu.memref_slice %arg7[%run_scoped3A_25, %dma_wait3A_112, %dma_wait3A_113] : memref<2x128x128xf32, #tpu.memory_space<vmem>> -> memref<1x128x128xf32, #tpu.memory_space<vmem>>
      %dma_wait3A_115 = tpu.memref_squeeze %dma_wait3A_114 : memref<1x128x128xf32, #tpu.memory_space<vmem>> -> memref<128x128xf32, #tpu.memory_space<vmem>>
      tpu.wait_dma2 semaphore(%run_scoped3A_92 : memref<!tpu.dma_semaphore, #tpu.memory_space<semaphore_mem>>) src(%dma_wait3A_115 : memref<128x128xf32, #tpu.memory_space<vmem>>) dst(%dma_wait3A_111 : memref<128x128xf32, #tpu.memory_space<vmem_shared>>)
      tpu.yield
    }) : () -> ()
    %barrier3A = arith.constant 0 : index
    tpu.barrier barrier_id(%barrier3A)
    %add3A_26 = arith.constant 0 : i32
    %add3A_27 = arith.addi %mul3A_2, %add3A_26 : i32
    %run_scoped3A_28 = arith.constant 0 : i32
    "tpu.region"() ({
      %run_scoped3A_92 = tpu.sem_alloc : memref<!tpu.dma_semaphore, #tpu.memory_space<semaphore_mem>>
      %dma_start3A_93 = arith.constant 0 : i32
      %dma_start3A_94 = tpu.memref_slice %arg3[%run_scoped3A_28, %add3A_27, %dma_start3A_93] : memref<2x2560x128xi32, #tpu.memory_space<hbm>> -> memref<1x40x128xi32, #tpu.memory_space<hbm>>
      %dma_start3A_95 = tpu.memref_squeeze %dma_start3A_94 : memref<1x40x128xi32, #tpu.memory_space<hbm>> -> memref<40x128xi32, #tpu.memory_space<hbm>>
      %dma_start3A_96 = arith.constant 0 : i32
      %dma_start3A_97 = tpu.memref_slice %arg3[%run_scoped3A_28, %add3A_27, %dma_start3A_96] : memref<2x2560x128xi32, #tpu.memory_space<hbm>> -> memref<1x40x128xi32, #tpu.memory_space<hbm>>
      %dma_start3A_98 = tpu.memref_squeeze %dma_start3A_97 : memref<1x40x128xi32, #tpu.memory_space<hbm>> -> memref<40x128xi32, #tpu.memory_space<hbm>>
      tpu.enqueue_dma source(%dma_start3A_98 : memref<40x128xi32, #tpu.memory_space<hbm>>) target(%arg5 : memref<40x128xi32, #tpu.memory_space<vmem>>) target_semaphore(%run_scoped3A_92 : memref<!tpu.dma_semaphore, #tpu.memory_space<semaphore_mem>>)
      %dma_wait3A = arith.constant 0 : i32
      %dma_wait3A_99 = tpu.memref_slice %arg3[%run_scoped3A_28, %add3A_27, %dma_wait3A] : memref<2x2560x128xi32, #tpu.memory_space<hbm>> -> memref<1x40x128xi32, #tpu.memory_space<hbm>>
      %dma_wait3A_100 = tpu.memref_squeeze %dma_wait3A_99 : memref<1x40x128xi32, #tpu.memory_space<hbm>> -> memref<40x128xi32, #tpu.memory_space<hbm>>
      %dma_wait3A_101 = arith.constant 0 : i32
      %dma_wait3A_102 = tpu.memref_slice %arg3[%run_scoped3A_28, %add3A_27, %dma_wait3A_101] : memref<2x2560x128xi32, #tpu.memory_space<hbm>> -> memref<1x40x128xi32, #tpu.memory_space<hbm>>
      %dma_wait3A_103 = tpu.memref_squeeze %dma_wait3A_102 : memref<1x40x128xi32, #tpu.memory_space<hbm>> -> memref<40x128xi32, #tpu.memory_space<hbm>>
      tpu.wait_dma2 semaphore(%run_scoped3A_92 : memref<!tpu.dma_semaphore, #tpu.memory_space<semaphore_mem>>) src(%dma_wait3A_103 : memref<40x128xi32, #tpu.memory_space<hbm>>) dst(%arg5 : memref<40x128xi32, #tpu.memory_space<vmem>>)
      tpu.yield
    }) : () -> ()
    %run_scoped3A_29 = arith.constant 1 : i32
    "tpu.region"() ({
      %run_scoped3A_92 = tpu.sem_alloc : memref<!tpu.dma_semaphore, #tpu.memory_space<semaphore_mem>>
      %dma_start3A_93 = arith.constant 0 : i32
      %dma_start3A_94 = tpu.memref_slice %arg3[%run_scoped3A_29, %add3A_27, %dma_start3A_93] : memref<2x2560x128xi32, #tpu.memory_space<hbm>> -> memref<1x40x128xi32, #tpu.memory_space<hbm>>
      %dma_start3A_95 = tpu.memref_squeeze %dma_start3A_94 : memref<1x40x128xi32, #tpu.memory_space<hbm>> -> memref<40x128xi32, #tpu.memory_space<hbm>>
      %dma_start3A_96 = arith.constant 0 : i32
      %dma_start3A_97 = tpu.memref_slice %arg3[%run_scoped3A_29, %add3A_27, %dma_start3A_96] : memref<2x2560x128xi32, #tpu.memory_space<hbm>> -> memref<1x40x128xi32, #tpu.memory_space<hbm>>
      %dma_start3A_98 = tpu.memref_squeeze %dma_start3A_97 : memref<1x40x128xi32, #tpu.memory_space<hbm>> -> memref<40x128xi32, #tpu.memory_space<hbm>>
      tpu.enqueue_dma source(%dma_start3A_98 : memref<40x128xi32, #tpu.memory_space<hbm>>) target(%arg6 : memref<40x128xi32, #tpu.memory_space<vmem>>) target_semaphore(%run_scoped3A_92 : memref<!tpu.dma_semaphore, #tpu.memory_space<semaphore_mem>>)
      %dma_wait3A = arith.constant 0 : i32
      %dma_wait3A_99 = tpu.memref_slice %arg3[%run_scoped3A_29, %add3A_27, %dma_wait3A] : memref<2x2560x128xi32, #tpu.memory_space<hbm>> -> memref<1x40x128xi32, #tpu.memory_space<hbm>>
      %dma_wait3A_100 = tpu.memref_squeeze %dma_wait3A_99 : memref<1x40x128xi32, #tpu.memory_space<hbm>> -> memref<40x128xi32, #tpu.memory_space<hbm>>
      %dma_wait3A_101 = arith.constant 0 : i32
      %dma_wait3A_102 = tpu.memref_slice %arg3[%run_scoped3A_29, %add3A_27, %dma_wait3A_101] : memref<2x2560x128xi32, #tpu.memory_space<hbm>> -> memref<1x40x128xi32, #tpu.memory_space<hbm>>
      %dma_wait3A_103 = tpu.memref_squeeze %dma_wait3A_102 : memref<1x40x128xi32, #tpu.memory_space<hbm>> -> memref<40x128xi32, #tpu.memory_space<hbm>>
      tpu.wait_dma2 semaphore(%run_scoped3A_92 : memref<!tpu.dma_semaphore, #tpu.memory_space<semaphore_mem>>) src(%dma_wait3A_103 : memref<40x128xi32, #tpu.memory_space<hbm>>) dst(%arg6 : memref<40x128xi32, #tpu.memory_space<vmem>>)
      tpu.yield
    }) : () -> ()
    %dma_start3A = arith.constant 0 : i32
    %dma_start3A_30 = arith.constant 0 : i32
    %dma_start3A_31 = arith.constant 0 : i32
    %dma_start3A_32 = arith.constant 0 : i32
    %dma_start3A_33 = tpu.memref_slice %arg7[%dma_start3A_30, %dma_start3A_31, %dma_start3A_32] : memref<2x128x128xf32, #tpu.memory_space<vmem>> -> memref<1x128x128xf32, #tpu.memory_space<vmem>>
    %dma_start3A_34 = tpu.memref_squeeze %dma_start3A_33 : memref<1x128x128xf32, #tpu.memory_space<vmem>> -> memref<128x128xf32, #tpu.memory_space<vmem>>
    %dma_start3A_35 = arith.constant 0 : i32
    %dma_start3A_36 = tpu.memref_slice %arg5[%dma_start3A, %dma_start3A_35] : memref<40x128xi32, #tpu.memory_space<vmem>> -> memref<1x128xi32, #tpu.memory_space<vmem>>
    %dma_start3A_37 = tpu.memref_squeeze %dma_start3A_36 : memref<1x128xi32, #tpu.memory_space<vmem>> -> memref<128xi32, #tpu.memory_space<vmem>>
    %dma_start3A_38 = arith.constant 0 : i32
    %dma_start3A_39 = arith.constant 0 : i32
    %dma_start3A_40 = tpu.memref_slice %arg2[%dma_start3A_38, %dma_start3A_39] : memref<10240x128xf32, #tpu.memory_space<hbm>> -> memref<10240x128xf32, #tpu.memory_space<hbm>>
    tpu.enqueue_indirect_dma source(%dma_start3A_40 : memref<10240x128xf32, #tpu.memory_space<hbm>>) target(%dma_start3A_34 : memref<128x128xf32, #tpu.memory_space<vmem>>) offsets(%dma_start3A_37 : memref<128xi32, #tpu.memory_space<vmem>>) semaphore(%arg9 : memref<!tpu.dma_semaphore, #tpu.memory_space<semaphore_mem>>)
    %scan3A_41 = arith.constant 0 : i32
    %scan3A_42 = arith.constant 0 : i32
    %scan3A_43 = arith.constant 40 : i32
    %scan3A_44 = arith.addi %scan3A_42, %scan3A_43 : i32
    %scan3A_45 = arith.constant 1 : i32
    %scan3A_46 = scf.for %scan3A_92 = %scan3A_42 to %scan3A_44 step %scan3A_45 iter_args(%scan3A_93 = %scan3A_41) -> (i32)  : i32 {
      %dma_wait3A = arith.constant 0 : i32
      %dma_wait3A_94 = arith.constant 0 : i32
      %dma_wait3A_95 = arith.constant 0 : i32
      %dma_wait3A_96 = tpu.memref_slice %arg7[%dma_wait3A, %dma_wait3A_94, %dma_wait3A_95] : memref<2x128x128xf32, #tpu.memory_space<vmem>> -> memref<1x128x128xf32, #tpu.memory_space<vmem>>
      %dma_wait3A_97 = tpu.memref_squeeze %dma_wait3A_96 : memref<1x128x128xf32, #tpu.memory_space<vmem>> -> memref<128x128xf32, #tpu.memory_space<vmem>>
      %dma_wait3A_98 = arith.constant 0 : i32
      %dma_wait3A_99 = arith.constant 0 : i32
      %dma_wait3A_100 = tpu.memref_slice %arg2[%dma_wait3A_98, %dma_wait3A_99] : memref<10240x128xf32, #tpu.memory_space<hbm>> -> memref<128x128xf32, #tpu.memory_space<hbm>>
      %dma_wait3A_101 = arith.constant 0 : i32
      %dma_wait3A_102 = arith.constant 0 : i32
      %dma_wait3A_103 = tpu.memref_slice %arg7[%dma_wait3A, %dma_wait3A_101, %dma_wait3A_102] : memref<2x128x128xf32, #tpu.memory_space<vmem>> -> memref<1x128x128xf32, #tpu.memory_space<vmem>>
      %dma_wait3A_104 = tpu.memref_squeeze %dma_wait3A_103 : memref<1x128x128xf32, #tpu.memory_space<vmem>> -> memref<128x128xf32, #tpu.memory_space<vmem>>
      %dma_wait3A_105 = arith.constant 0 : i32
      %dma_wait3A_106 = arith.constant 0 : i32
      %dma_wait3A_107 = tpu.memref_slice %arg2[%dma_wait3A_105, %dma_wait3A_106] : memref<10240x128xf32, #tpu.memory_space<hbm>> -> memref<128x128xf32, #tpu.memory_space<hbm>>
      tpu.wait_dma2 semaphore(%arg9 : memref<!tpu.dma_semaphore, #tpu.memory_space<semaphore_mem>>) src(%dma_wait3A_107 : memref<128x128xf32, #tpu.memory_space<hbm>>) dst(%dma_wait3A_104 : memref<128x128xf32, #tpu.memory_space<vmem>>)
      %add3A_108 = arith.constant 2 : i32
      %add3A_109 = arith.addi %scan3A_92, %add3A_108 : i32
      %sub3A = arith.constant 1 : i32
      %sub3A_110 = arith.subi %add3A_109, %sub3A : i32
      %lt3A = arith.constant 40 : i32
      %lt3A_111 = arith.cmpi slt, %sub3A_110, %lt3A : i32
      %convert_element_type3A = arith.extui %lt3A_111 : i1 to i32
      %cond3A = arith.constant 0 : i32
      %cond3A_112 = arith.cmpi ne, %convert_element_type3A, %cond3A : i32
      scf.if %cond3A_112 {
        %add3A_124 = arith.constant 2 : i32
        %add3A_125 = arith.addi %scan3A_92, %add3A_124 : i32
        %sub3A_126 = arith.constant 1 : i32
        %sub3A_127 = arith.subi %add3A_125, %sub3A_126 : i32
        %jit3A_128 = arith.constant 2 : i32
        %eq3A_129 = arith.constant 0 : i32
        %eq3A_130 = arith.cmpi eq, %jit3A_128, %eq3A_129 : i32
        %jit3A_131 = arith.constant 1 : i32
        %select_n3A_132 = arith.select %eq3A_130, %jit3A_131, %jit3A_128 : i32
        %rem3A_133 = arith.remsi %sub3A_127, %select_n3A_132 : i32
        %ne3A_134 = arith.constant 0 : i32
        %ne3A_135 = arith.cmpi ne, %rem3A_133, %ne3A_134 : i32
        %lt3A_136 = arith.constant 0 : i32
        %lt3A_137 = arith.cmpi slt, %rem3A_133, %lt3A_136 : i32
        %lt3A_138 = arith.constant 0 : i32
        %lt3A_139 = arith.cmpi slt, %select_n3A_132, %lt3A_138 : i32
        %ne3A_140 = arith.xori %lt3A_137, %lt3A_139 : i1
        %and3A_141 = arith.andi %ne3A_140, %ne3A_135 : i1
        %add3A_142 = arith.addi %rem3A_133, %select_n3A_132 : i32
        %select_n3A_143 = arith.select %and3A_141, %add3A_142, %rem3A_133 : i32
        %dma_start3A_144 = arith.constant 0 : i32
        %dma_start3A_145 = arith.constant 0 : i32
        %dma_start3A_146 = tpu.memref_slice %arg7[%select_n3A_143, %dma_start3A_144, %dma_start3A_145] : memref<2x128x128xf32, #tpu.memory_space<vmem>> -> memref<1x128x128xf32, #tpu.memory_space<vmem>>
        %dma_start3A_147 = tpu.memref_squeeze %dma_start3A_146 : memref<1x128x128xf32, #tpu.memory_space<vmem>> -> memref<128x128xf32, #tpu.memory_space<vmem>>
        %dma_start3A_148 = arith.constant 0 : i32
        %dma_start3A_149 = tpu.memref_slice %arg5[%sub3A_127, %dma_start3A_148] : memref<40x128xi32, #tpu.memory_space<vmem>> -> memref<1x128xi32, #tpu.memory_space<vmem>>
        %dma_start3A_150 = tpu.memref_squeeze %dma_start3A_149 : memref<1x128xi32, #tpu.memory_space<vmem>> -> memref<128xi32, #tpu.memory_space<vmem>>
        %dma_start3A_151 = arith.constant 0 : i32
        %dma_start3A_152 = arith.constant 0 : i32
        %dma_start3A_153 = tpu.memref_slice %arg2[%dma_start3A_151, %dma_start3A_152] : memref<10240x128xf32, #tpu.memory_space<hbm>> -> memref<10240x128xf32, #tpu.memory_space<hbm>>
        tpu.enqueue_indirect_dma source(%dma_start3A_153 : memref<10240x128xf32, #tpu.memory_space<hbm>>) target(%dma_start3A_147 : memref<128x128xf32, #tpu.memory_space<vmem>>) offsets(%dma_start3A_150 : memref<128xi32, #tpu.memory_space<vmem>>) semaphore(%arg9 : memref<!tpu.dma_semaphore, #tpu.memory_space<semaphore_mem>>)
      } else {
      }
      %jit3A = arith.constant 2 : i32
      %eq3A = arith.constant 0 : i32
      %eq3A_113 = arith.cmpi eq, %jit3A, %eq3A : i32
      %jit3A_114 = arith.constant 1 : i32
      %select_n3A = arith.select %eq3A_113, %jit3A_114, %jit3A : i32
      %rem3A = arith.remsi %scan3A_92, %select_n3A : i32
      %ne3A = arith.constant 0 : i32
      %ne3A_115 = arith.cmpi ne, %rem3A, %ne3A : i32
      %lt3A_116 = arith.constant 0 : i32
      %lt3A_117 = arith.cmpi slt, %rem3A, %lt3A_116 : i32
      %lt3A_118 = arith.constant 0 : i32
      %lt3A_119 = arith.cmpi slt, %select_n3A, %lt3A_118 : i32
      %ne3A_120 = arith.xori %lt3A_117, %lt3A_119 : i1
      %and3A = arith.andi %ne3A_120, %ne3A_115 : i1
      %add3A_121 = arith.addi %rem3A, %select_n3A : i32
      %select_n3A_122 = arith.select %and3A, %add3A_121, %rem3A : i32
      "tpu.region"() ({
        %run_scoped3A_124 = tpu.sem_alloc : memref<!tpu.dma_semaphore, #tpu.memory_space<semaphore_mem>>
        %dma_start3A_125 = arith.constant 0 : i32
        %dma_start3A_126 = arith.constant 0 : i32
        %dma_start3A_127 = tpu.memref_slice %arg7[%select_n3A_122, %dma_start3A_125, %dma_start3A_126] : memref<2x128x128xf32, #tpu.memory_space<vmem>> -> memref<1x128x128xf32, #tpu.memory_space<vmem>>
        %dma_start3A_128 = tpu.memref_squeeze %dma_start3A_127 : memref<1x128x128xf32, #tpu.memory_space<vmem>> -> memref<128x128xf32, #tpu.memory_space<vmem>>
        %dma_start3A_129 = arith.constant 0 : i32
        %dma_start3A_130 = tpu.memref_slice %arg6[%scan3A_92, %dma_start3A_129] : memref<40x128xi32, #tpu.memory_space<vmem>> -> memref<1x128xi32, #tpu.memory_space<vmem>>
        %dma_start3A_131 = tpu.memref_squeeze %dma_start3A_130 : memref<1x128xi32, #tpu.memory_space<vmem>> -> memref<128xi32, #tpu.memory_space<vmem>>
        %dma_start3A_132 = arith.constant 0 : i32
        %dma_start3A_133 = arith.constant 0 : i32
        %dma_start3A_134 = tpu.memref_slice %arg8[%dma_start3A_132, %dma_start3A_133] : memref<10240x128xf32, #tpu.memory_space<vmem_shared>> -> memref<10240x128xf32, #tpu.memory_space<vmem_shared>>
        tpu.enqueue_indirect_dma source(%dma_start3A_128 : memref<128x128xf32, #tpu.memory_space<vmem>>) target(%dma_start3A_134 : memref<10240x128xf32, #tpu.memory_space<vmem_shared>>) offsets(%dma_start3A_131 : memref<128xi32, #tpu.memory_space<vmem>>) semaphore(%run_scoped3A_124 : memref<!tpu.dma_semaphore, #tpu.memory_space<semaphore_mem>>) {add = true}
        %dma_wait3A_135 = arith.constant 0 : i32
        %dma_wait3A_136 = arith.constant 0 : i32
        %dma_wait3A_137 = tpu.memref_slice %arg7[%select_n3A_122, %dma_wait3A_135, %dma_wait3A_136] : memref<2x128x128xf32, #tpu.memory_space<vmem>> -> memref<1x128x128xf32, #tpu.memory_space<vmem>>
        %dma_wait3A_138 = tpu.memref_squeeze %dma_wait3A_137 : memref<1x128x128xf32, #tpu.memory_space<vmem>> -> memref<128x128xf32, #tpu.memory_space<vmem>>
        %dma_wait3A_139 = arith.constant 0 : i32
        %dma_wait3A_140 = tpu.memref_slice %arg6[%scan3A_92, %dma_wait3A_139] : memref<40x128xi32, #tpu.memory_space<vmem>> -> memref<1x128xi32, #tpu.memory_space<vmem>>
        %dma_wait3A_141 = tpu.memref_squeeze %dma_wait3A_140 : memref<1x128xi32, #tpu.memory_space<vmem>> -> memref<128xi32, #tpu.memory_space<vmem>>
        %dma_wait3A_142 = arith.constant 0 : i32
        %dma_wait3A_143 = arith.constant 0 : i32
        %dma_wait3A_144 = tpu.memref_slice %arg8[%dma_wait3A_142, %dma_wait3A_143] : memref<10240x128xf32, #tpu.memory_space<vmem_shared>> -> memref<10240x128xf32, #tpu.memory_space<vmem_shared>>
        tpu.wait_indirect_dma semaphore(%run_scoped3A_124 : memref<!tpu.dma_semaphore, #tpu.memory_space<semaphore_mem>>) src(%dma_wait3A_138 : memref<128x128xf32, #tpu.memory_space<vmem>>) dst(%dma_wait3A_144 : memref<10240x128xf32, #tpu.memory_space<vmem_shared>>)
        tpu.yield
      }) : () -> ()
      %scan3A_123 = arith.constant 0 : i32
      scf.yield %scan3A_123 : i32
    }
    %scan3A_47 = arith.constant 40 : i32
    %add3A_48 = arith.constant 40 : i32
    %add3A_49 = arith.addi %mul3A_2, %add3A_48 : i32
    %run_scoped3A_50 = arith.constant 0 : i32
    "tpu.region"() ({
      %run_scoped3A_92 = tpu.sem_alloc : memref<!tpu.dma_semaphore, #tpu.memory_space<semaphore_mem>>
      %dma_start3A_93 = arith.constant 0 : i32
      %dma_start3A_94 = tpu.memref_slice %arg3[%run_scoped3A_50, %add3A_49, %dma_start3A_93] : memref<2x2560x128xi32, #tpu.memory_space<hbm>> -> memref<1x40x128xi32, #tpu.memory_space<hbm>>
      %dma_start3A_95 = tpu.memref_squeeze %dma_start3A_94 : memref<1x40x128xi32, #tpu.memory_space<hbm>> -> memref<40x128xi32, #tpu.memory_space<hbm>>
      %dma_start3A_96 = arith.constant 0 : i32
      %dma_start3A_97 = tpu.memref_slice %arg3[%run_scoped3A_50, %add3A_49, %dma_start3A_96] : memref<2x2560x128xi32, #tpu.memory_space<hbm>> -> memref<1x40x128xi32, #tpu.memory_space<hbm>>
      %dma_start3A_98 = tpu.memref_squeeze %dma_start3A_97 : memref<1x40x128xi32, #tpu.memory_space<hbm>> -> memref<40x128xi32, #tpu.memory_space<hbm>>
      tpu.enqueue_dma source(%dma_start3A_98 : memref<40x128xi32, #tpu.memory_space<hbm>>) target(%arg5 : memref<40x128xi32, #tpu.memory_space<vmem>>) target_semaphore(%run_scoped3A_92 : memref<!tpu.dma_semaphore, #tpu.memory_space<semaphore_mem>>)
      %dma_wait3A = arith.constant 0 : i32
      %dma_wait3A_99 = tpu.memref_slice %arg3[%run_scoped3A_50, %add3A_49, %dma_wait3A] : memref<2x2560x128xi32, #tpu.memory_space<hbm>> -> memref<1x40x128xi32, #tpu.memory_space<hbm>>
      %dma_wait3A_100 = tpu.memref_squeeze %dma_wait3A_99 : memref<1x40x128xi32, #tpu.memory_space<hbm>> -> memref<40x128xi32, #tpu.memory_space<hbm>>
      %dma_wait3A_101 = arith.constant 0 : i32
      %dma_wait3A_102 = tpu.memref_slice %arg3[%run_scoped3A_50, %add3A_49, %dma_wait3A_101] : memref<2x2560x128xi32, #tpu.memory_space<hbm>> -> memref<1x40x128xi32, #tpu.memory_space<hbm>>
      %dma_wait3A_103 = tpu.memref_squeeze %dma_wait3A_102 : memref<1x40x128xi32, #tpu.memory_space<hbm>> -> memref<40x128xi32, #tpu.memory_space<hbm>>
      tpu.wait_dma2 semaphore(%run_scoped3A_92 : memref<!tpu.dma_semaphore, #tpu.memory_space<semaphore_mem>>) src(%dma_wait3A_103 : memref<40x128xi32, #tpu.memory_space<hbm>>) dst(%arg5 : memref<40x128xi32, #tpu.memory_space<vmem>>)
      tpu.yield
    }) : () -> ()
    %run_scoped3A_51 = arith.constant 1 : i32
    "tpu.region"() ({
      %run_scoped3A_92 = tpu.sem_alloc : memref<!tpu.dma_semaphore, #tpu.memory_space<semaphore_mem>>
      %dma_start3A_93 = arith.constant 0 : i32
      %dma_start3A_94 = tpu.memref_slice %arg3[%run_scoped3A_51, %add3A_49, %dma_start3A_93] : memref<2x2560x128xi32, #tpu.memory_space<hbm>> -> memref<1x40x128xi32, #tpu.memory_space<hbm>>
      %dma_start3A_95 = tpu.memref_squeeze %dma_start3A_94 : memref<1x40x128xi32, #tpu.memory_space<hbm>> -> memref<40x128xi32, #tpu.memory_space<hbm>>
      %dma_start3A_96 = arith.constant 0 : i32
      %dma_start3A_97 = tpu.memref_slice %arg3[%run_scoped3A_51, %add3A_49, %dma_start3A_96] : memref<2x2560x128xi32, #tpu.memory_space<hbm>> -> memref<1x40x128xi32, #tpu.memory_space<hbm>>
      %dma_start3A_98 = tpu.memref_squeeze %dma_start3A_97 : memref<1x40x128xi32, #tpu.memory_space<hbm>> -> memref<40x128xi32, #tpu.memory_space<hbm>>
      tpu.enqueue_dma source(%dma_start3A_98 : memref<40x128xi32, #tpu.memory_space<hbm>>) target(%arg6 : memref<40x128xi32, #tpu.memory_space<vmem>>) target_semaphore(%run_scoped3A_92 : memref<!tpu.dma_semaphore, #tpu.memory_space<semaphore_mem>>)
      %dma_wait3A = arith.constant 0 : i32
      %dma_wait3A_99 = tpu.memref_slice %arg3[%run_scoped3A_51, %add3A_49, %dma_wait3A] : memref<2x2560x128xi32, #tpu.memory_space<hbm>> -> memref<1x40x128xi32, #tpu.memory_space<hbm>>
      %dma_wait3A_100 = tpu.memref_squeeze %dma_wait3A_99 : memref<1x40x128xi32, #tpu.memory_space<hbm>> -> memref<40x128xi32, #tpu.memory_space<hbm>>
      %dma_wait3A_101 = arith.constant 0 : i32
      %dma_wait3A_102 = tpu.memref_slice %arg3[%run_scoped3A_51, %add3A_49, %dma_wait3A_101] : memref<2x2560x128xi32, #tpu.memory_space<hbm>> -> memref<1x40x128xi32, #tpu.memory_space<hbm>>
      %dma_wait3A_103 = tpu.memref_squeeze %dma_wait3A_102 : memref<1x40x128xi32, #tpu.memory_space<hbm>> -> memref<40x128xi32, #tpu.memory_space<hbm>>
      tpu.wait_dma2 semaphore(%run_scoped3A_92 : memref<!tpu.dma_semaphore, #tpu.memory_space<semaphore_mem>>) src(%dma_wait3A_103 : memref<40x128xi32, #tpu.memory_space<hbm>>) dst(%arg6 : memref<40x128xi32, #tpu.memory_space<vmem>>)
      tpu.yield
    }) : () -> ()
    %dma_start3A_52 = arith.constant 0 : i32
    %dma_start3A_53 = arith.constant 0 : i32
    %dma_start3A_54 = arith.constant 0 : i32
    %dma_start3A_55 = arith.constant 0 : i32
    %dma_start3A_56 = tpu.memref_slice %arg7[%dma_start3A_53, %dma_start3A_54, %dma_start3A_55] : memref<2x128x128xf32, #tpu.memory_space<vmem>> -> memref<1x128x128xf32, #tpu.memory_space<vmem>>
    %dma_start3A_57 = tpu.memref_squeeze %dma_start3A_56 : memref<1x128x128xf32, #tpu.memory_space<vmem>> -> memref<128x128xf32, #tpu.memory_space<vmem>>
    %dma_start3A_58 = arith.constant 0 : i32
    %dma_start3A_59 = tpu.memref_slice %arg5[%dma_start3A_52, %dma_start3A_58] : memref<40x128xi32, #tpu.memory_space<vmem>> -> memref<1x128xi32, #tpu.memory_space<vmem>>
    %dma_start3A_60 = tpu.memref_squeeze %dma_start3A_59 : memref<1x128xi32, #tpu.memory_space<vmem>> -> memref<128xi32, #tpu.memory_space<vmem>>
    %dma_start3A_61 = arith.constant 0 : i32
    %dma_start3A_62 = arith.constant 0 : i32
    %dma_start3A_63 = tpu.memref_slice %arg2[%dma_start3A_61, %dma_start3A_62] : memref<10240x128xf32, #tpu.memory_space<hbm>> -> memref<10240x128xf32, #tpu.memory_space<hbm>>
    tpu.enqueue_indirect_dma source(%dma_start3A_63 : memref<10240x128xf32, #tpu.memory_space<hbm>>) target(%dma_start3A_57 : memref<128x128xf32, #tpu.memory_space<vmem>>) offsets(%dma_start3A_60 : memref<128xi32, #tpu.memory_space<vmem>>) semaphore(%arg9 : memref<!tpu.dma_semaphore, #tpu.memory_space<semaphore_mem>>)
    %scan3A_64 = arith.constant 0 : i32
    %scan3A_65 = arith.constant 0 : i32
    %scan3A_66 = arith.constant 40 : i32
    %scan3A_67 = arith.addi %scan3A_65, %scan3A_66 : i32
    %scan3A_68 = arith.constant 1 : i32
    %scan3A_69 = scf.for %scan3A_92 = %scan3A_65 to %scan3A_67 step %scan3A_68 iter_args(%scan3A_93 = %scan3A_64) -> (i32)  : i32 {
      %dma_wait3A = arith.constant 0 : i32
      %dma_wait3A_94 = arith.constant 0 : i32
      %dma_wait3A_95 = arith.constant 0 : i32
      %dma_wait3A_96 = tpu.memref_slice %arg7[%dma_wait3A, %dma_wait3A_94, %dma_wait3A_95] : memref<2x128x128xf32, #tpu.memory_space<vmem>> -> memref<1x128x128xf32, #tpu.memory_space<vmem>>
      %dma_wait3A_97 = tpu.memref_squeeze %dma_wait3A_96 : memref<1x128x128xf32, #tpu.memory_space<vmem>> -> memref<128x128xf32, #tpu.memory_space<vmem>>
      %dma_wait3A_98 = arith.constant 0 : i32
      %dma_wait3A_99 = arith.constant 0 : i32
      %dma_wait3A_100 = tpu.memref_slice %arg2[%dma_wait3A_98, %dma_wait3A_99] : memref<10240x128xf32, #tpu.memory_space<hbm>> -> memref<128x128xf32, #tpu.memory_space<hbm>>
      %dma_wait3A_101 = arith.constant 0 : i32
      %dma_wait3A_102 = arith.constant 0 : i32
      %dma_wait3A_103 = tpu.memref_slice %arg7[%dma_wait3A, %dma_wait3A_101, %dma_wait3A_102] : memref<2x128x128xf32, #tpu.memory_space<vmem>> -> memref<1x128x128xf32, #tpu.memory_space<vmem>>
      %dma_wait3A_104 = tpu.memref_squeeze %dma_wait3A_103 : memref<1x128x128xf32, #tpu.memory_space<vmem>> -> memref<128x128xf32, #tpu.memory_space<vmem>>
      %dma_wait3A_105 = arith.constant 0 : i32
      %dma_wait3A_106 = arith.constant 0 : i32
      %dma_wait3A_107 = tpu.memref_slice %arg2[%dma_wait3A_105, %dma_wait3A_106] : memref<10240x128xf32, #tpu.memory_space<hbm>> -> memref<128x128xf32, #tpu.memory_space<hbm>>
      tpu.wait_dma2 semaphore(%arg9 : memref<!tpu.dma_semaphore, #tpu.memory_space<semaphore_mem>>) src(%dma_wait3A_107 : memref<128x128xf32, #tpu.memory_space<hbm>>) dst(%dma_wait3A_104 : memref<128x128xf32, #tpu.memory_space<vmem>>)
      %add3A_108 = arith.constant 2 : i32
      %add3A_109 = arith.addi %scan3A_92, %add3A_108 : i32
      %sub3A = arith.constant 1 : i32
      %sub3A_110 = arith.subi %add3A_109, %sub3A : i32
      %lt3A = arith.constant 40 : i32
      %lt3A_111 = arith.cmpi slt, %sub3A_110, %lt3A : i32
      %convert_element_type3A = arith.extui %lt3A_111 : i1 to i32
      %cond3A = arith.constant 0 : i32
      %cond3A_112 = arith.cmpi ne, %convert_element_type3A, %cond3A : i32
      scf.if %cond3A_112 {
        %add3A_124 = arith.constant 2 : i32
        %add3A_125 = arith.addi %scan3A_92, %add3A_124 : i32
        %sub3A_126 = arith.constant 1 : i32
        %sub3A_127 = arith.subi %add3A_125, %sub3A_126 : i32
        %jit3A_128 = arith.constant 2 : i32
        %eq3A_129 = arith.constant 0 : i32
        %eq3A_130 = arith.cmpi eq, %jit3A_128, %eq3A_129 : i32
        %jit3A_131 = arith.constant 1 : i32
        %select_n3A_132 = arith.select %eq3A_130, %jit3A_131, %jit3A_128 : i32
        %rem3A_133 = arith.remsi %sub3A_127, %select_n3A_132 : i32
        %ne3A_134 = arith.constant 0 : i32
        %ne3A_135 = arith.cmpi ne, %rem3A_133, %ne3A_134 : i32
        %lt3A_136 = arith.constant 0 : i32
        %lt3A_137 = arith.cmpi slt, %rem3A_133, %lt3A_136 : i32
        %lt3A_138 = arith.constant 0 : i32
        %lt3A_139 = arith.cmpi slt, %select_n3A_132, %lt3A_138 : i32
        %ne3A_140 = arith.xori %lt3A_137, %lt3A_139 : i1
        %and3A_141 = arith.andi %ne3A_140, %ne3A_135 : i1
        %add3A_142 = arith.addi %rem3A_133, %select_n3A_132 : i32
        %select_n3A_143 = arith.select %and3A_141, %add3A_142, %rem3A_133 : i32
        %dma_start3A_144 = arith.constant 0 : i32
        %dma_start3A_145 = arith.constant 0 : i32
        %dma_start3A_146 = tpu.memref_slice %arg7[%select_n3A_143, %dma_start3A_144, %dma_start3A_145] : memref<2x128x128xf32, #tpu.memory_space<vmem>> -> memref<1x128x128xf32, #tpu.memory_space<vmem>>
        %dma_start3A_147 = tpu.memref_squeeze %dma_start3A_146 : memref<1x128x128xf32, #tpu.memory_space<vmem>> -> memref<128x128xf32, #tpu.memory_space<vmem>>
        %dma_start3A_148 = arith.constant 0 : i32
        %dma_start3A_149 = tpu.memref_slice %arg5[%sub3A_127, %dma_start3A_148] : memref<40x128xi32, #tpu.memory_space<vmem>> -> memref<1x128xi32, #tpu.memory_space<vmem>>
        %dma_start3A_150 = tpu.memref_squeeze %dma_start3A_149 : memref<1x128xi32, #tpu.memory_space<vmem>> -> memref<128xi32, #tpu.memory_space<vmem>>
        %dma_start3A_151 = arith.constant 0 : i32
        %dma_start3A_152 = arith.constant 0 : i32
        %dma_start3A_153 = tpu.memref_slice %arg2[%dma_start3A_151, %dma_start3A_152] : memref<10240x128xf32, #tpu.memory_space<hbm>> -> memref<10240x128xf32, #tpu.memory_space<hbm>>
        tpu.enqueue_indirect_dma source(%dma_start3A_153 : memref<10240x128xf32, #tpu.memory_space<hbm>>) target(%dma_start3A_147 : memref<128x128xf32, #tpu.memory_space<vmem>>) offsets(%dma_start3A_150 : memref<128xi32, #tpu.memory_space<vmem>>) semaphore(%arg9 : memref<!tpu.dma_semaphore, #tpu.memory_space<semaphore_mem>>)
      } else {
      }
      %jit3A = arith.constant 2 : i32
      %eq3A = arith.constant 0 : i32
      %eq3A_113 = arith.cmpi eq, %jit3A, %eq3A : i32
      %jit3A_114 = arith.constant 1 : i32
      %select_n3A = arith.select %eq3A_113, %jit3A_114, %jit3A : i32
      %rem3A = arith.remsi %scan3A_92, %select_n3A : i32
      %ne3A = arith.constant 0 : i32
      %ne3A_115 = arith.cmpi ne, %rem3A, %ne3A : i32
      %lt3A_116 = arith.constant 0 : i32
      %lt3A_117 = arith.cmpi slt, %rem3A, %lt3A_116 : i32
      %lt3A_118 = arith.constant 0 : i32
      %lt3A_119 = arith.cmpi slt, %select_n3A, %lt3A_118 : i32
      %ne3A_120 = arith.xori %lt3A_117, %lt3A_119 : i1
      %and3A = arith.andi %ne3A_120, %ne3A_115 : i1
      %add3A_121 = arith.addi %rem3A, %select_n3A : i32
      %select_n3A_122 = arith.select %and3A, %add3A_121, %rem3A : i32
      "tpu.region"() ({
        %run_scoped3A_124 = tpu.sem_alloc : memref<!tpu.dma_semaphore, #tpu.memory_space<semaphore_mem>>
        %dma_start3A_125 = arith.constant 0 : i32
        %dma_start3A_126 = arith.constant 0 : i32
        %dma_start3A_127 = tpu.memref_slice %arg7[%select_n3A_122, %dma_start3A_125, %dma_start3A_126] : memref<2x128x128xf32, #tpu.memory_space<vmem>> -> memref<1x128x128xf32, #tpu.memory_space<vmem>>
        %dma_start3A_128 = tpu.memref_squeeze %dma_start3A_127 : memref<1x128x128xf32, #tpu.memory_space<vmem>> -> memref<128x128xf32, #tpu.memory_space<vmem>>
        %dma_start3A_129 = arith.constant 0 : i32
        %dma_start3A_130 = tpu.memref_slice %arg6[%scan3A_92, %dma_start3A_129] : memref<40x128xi32, #tpu.memory_space<vmem>> -> memref<1x128xi32, #tpu.memory_space<vmem>>
        %dma_start3A_131 = tpu.memref_squeeze %dma_start3A_130 : memref<1x128xi32, #tpu.memory_space<vmem>> -> memref<128xi32, #tpu.memory_space<vmem>>
        %dma_start3A_132 = arith.constant 0 : i32
        %dma_start3A_133 = arith.constant 0 : i32
        %dma_start3A_134 = tpu.memref_slice %arg8[%dma_start3A_132, %dma_start3A_133] : memref<10240x128xf32, #tpu.memory_space<vmem_shared>> -> memref<10240x128xf32, #tpu.memory_space<vmem_shared>>
        tpu.enqueue_indirect_dma source(%dma_start3A_128 : memref<128x128xf32, #tpu.memory_space<vmem>>) target(%dma_start3A_134 : memref<10240x128xf32, #tpu.memory_space<vmem_shared>>) offsets(%dma_start3A_131 : memref<128xi32, #tpu.memory_space<vmem>>) semaphore(%run_scoped3A_124 : memref<!tpu.dma_semaphore, #tpu.memory_space<semaphore_mem>>) {add = true}
        %dma_wait3A_135 = arith.constant 0 : i32
        %dma_wait3A_136 = arith.constant 0 : i32
        %dma_wait3A_137 = tpu.memref_slice %arg7[%select_n3A_122, %dma_wait3A_135, %dma_wait3A_136] : memref<2x128x128xf32, #tpu.memory_space<vmem>> -> memref<1x128x128xf32, #tpu.memory_space<vmem>>
        %dma_wait3A_138 = tpu.memref_squeeze %dma_wait3A_137 : memref<1x128x128xf32, #tpu.memory_space<vmem>> -> memref<128x128xf32, #tpu.memory_space<vmem>>
        %dma_wait3A_139 = arith.constant 0 : i32
        %dma_wait3A_140 = tpu.memref_slice %arg6[%scan3A_92, %dma_wait3A_139] : memref<40x128xi32, #tpu.memory_space<vmem>> -> memref<1x128xi32, #tpu.memory_space<vmem>>
        %dma_wait3A_141 = tpu.memref_squeeze %dma_wait3A_140 : memref<1x128xi32, #tpu.memory_space<vmem>> -> memref<128xi32, #tpu.memory_space<vmem>>
        %dma_wait3A_142 = arith.constant 0 : i32
        %dma_wait3A_143 = arith.constant 0 : i32
        %dma_wait3A_144 = tpu.memref_slice %arg8[%dma_wait3A_142, %dma_wait3A_143] : memref<10240x128xf32, #tpu.memory_space<vmem_shared>> -> memref<10240x128xf32, #tpu.memory_space<vmem_shared>>
        tpu.wait_indirect_dma semaphore(%run_scoped3A_124 : memref<!tpu.dma_semaphore, #tpu.memory_space<semaphore_mem>>) src(%dma_wait3A_138 : memref<128x128xf32, #tpu.memory_space<vmem>>) dst(%dma_wait3A_144 : memref<10240x128xf32, #tpu.memory_space<vmem_shared>>)
        tpu.yield
      }) : () -> ()
      %scan3A_123 = arith.constant 0 : i32
      scf.yield %scan3A_123 : i32
    }
    %scan3A_70 = arith.constant 40 : i32
    %barrier3A_71 = arith.constant 0 : index
    tpu.barrier barrier_id(%barrier3A_71)
    %add3A_72 = arith.constant 0 : i32
    %add3A_73 = arith.addi %mul3A_11, %add3A_72 : i32
    %add3A_74 = arith.constant 0 : i32
    %add3A_75 = arith.addi %mul3A_11, %add3A_74 : i32
    "tpu.region"() ({
      %run_scoped3A_92 = tpu.sem_alloc : memref<!tpu.dma_semaphore, #tpu.memory_space<semaphore_mem>>
      %dma_start3A_93 = arith.constant 0 : i32
      %dma_start3A_94 = tpu.memref_slice %arg4[%arg0, %add3A_75, %dma_start3A_93] : memref<2x10240x128xf32, #tpu.memory_space<hbm>> -> memref<1x128x128xf32, #tpu.memory_space<hbm>>
      %dma_start3A_95 = tpu.memref_squeeze %dma_start3A_94 : memref<1x128x128xf32, #tpu.memory_space<hbm>> -> memref<128x128xf32, #tpu.memory_space<hbm>>
      %dma_start3A_96 = arith.constant 0 : i32
      %dma_start3A_97 = tpu.memref_slice %arg8[%add3A_73, %dma_start3A_96] : memref<10240x128xf32, #tpu.memory_space<vmem_shared>> -> memref<128x128xf32, #tpu.memory_space<vmem_shared>>
      tpu.enqueue_dma source(%dma_start3A_97 : memref<128x128xf32, #tpu.memory_space<vmem_shared>>) target(%dma_start3A_95 : memref<128x128xf32, #tpu.memory_space<hbm>>) target_semaphore(%run_scoped3A_92 : memref<!tpu.dma_semaphore, #tpu.memory_space<semaphore_mem>>)
      %dma_wait3A = arith.constant 0 : i32
      %dma_wait3A_98 = tpu.memref_slice %arg4[%arg0, %add3A_75, %dma_wait3A] : memref<2x10240x128xf32, #tpu.memory_space<hbm>> -> memref<1x128x128xf32, #tpu.memory_space<hbm>>
      %dma_wait3A_99 = tpu.memref_squeeze %dma_wait3A_98 : memref<1x128x128xf32, #tpu.memory_space<hbm>> -> memref<128x128xf32, #tpu.memory_space<hbm>>
      %dma_wait3A_100 = arith.constant 0 : i32
      %dma_wait3A_101 = tpu.memref_slice %arg8[%add3A_73, %dma_wait3A_100] : memref<10240x128xf32, #tpu.memory_space<vmem_shared>> -> memref<128x128xf32, #tpu.memory_space<vmem_shared>>
      tpu.wait_dma2 semaphore(%run_scoped3A_92 : memref<!tpu.dma_semaphore, #tpu.memory_space<semaphore_mem>>) src(%dma_wait3A_101 : memref<128x128xf32, #tpu.memory_space<vmem_shared>>) dst(%dma_wait3A_99 : memref<128x128xf32, #tpu.memory_space<hbm>>)
      tpu.yield
    }) : () -> ()
    %add3A_76 = arith.constant 128 : i32
    %add3A_77 = arith.addi %mul3A_11, %add3A_76 : i32
    %add3A_78 = arith.constant 128 : i32
    %add3A_79 = arith.addi %mul3A_11, %add3A_78 : i32
    "tpu.region"() ({
      %run_scoped3A_92 = tpu.sem_alloc : memref<!tpu.dma_semaphore, #tpu.memory_space<semaphore_mem>>
      %dma_start3A_93 = arith.constant 0 : i32
      %dma_start3A_94 = tpu.memref_slice %arg4[%arg0, %add3A_79, %dma_start3A_93] : memref<2x10240x128xf32, #tpu.memory_space<hbm>> -> memref<1x128x128xf32, #tpu.memory_space<hbm>>
      %dma_start3A_95 = tpu.memref_squeeze %dma_start3A_94 : memref<1x128x128xf32, #tpu.memory_space<hbm>> -> memref<128x128xf32, #tpu.memory_space<hbm>>
      %dma_start3A_96 = arith.constant 0 : i32
      %dma_start3A_97 = tpu.memref_slice %arg8[%add3A_77, %dma_start3A_96] : memref<10240x128xf32, #tpu.memory_space<vmem_shared>> -> memref<128x128xf32, #tpu.memory_space<vmem_shared>>
      tpu.enqueue_dma source(%dma_start3A_97 : memref<128x128xf32, #tpu.memory_space<vmem_shared>>) target(%dma_start3A_95 : memref<128x128xf32, #tpu.memory_space<hbm>>) target_semaphore(%run_scoped3A_92 : memref<!tpu.dma_semaphore, #tpu.memory_space<semaphore_mem>>)
      %dma_wait3A = arith.constant 0 : i32
      %dma_wait3A_98 = tpu.memref_slice %arg4[%arg0, %add3A_79, %dma_wait3A] : memref<2x10240x128xf32, #tpu.memory_space<hbm>> -> memref<1x128x128xf32, #tpu.memory_space<hbm>>
      %dma_wait3A_99 = tpu.memref_squeeze %dma_wait3A_98 : memref<1x128x128xf32, #tpu.memory_space<hbm>> -> memref<128x128xf32, #tpu.memory_space<hbm>>
      %dma_wait3A_100 = arith.constant 0 : i32
      %dma_wait3A_101 = tpu.memref_slice %arg8[%add3A_77, %dma_wait3A_100] : memref<10240x128xf32, #tpu.memory_space<vmem_shared>> -> memref<128x128xf32, #tpu.memory_space<vmem_shared>>
      tpu.wait_dma2 semaphore(%run_scoped3A_92 : memref<!tpu.dma_semaphore, #tpu.memory_space<semaphore_mem>>) src(%dma_wait3A_101 : memref<128x128xf32, #tpu.memory_space<vmem_shared>>) dst(%dma_wait3A_99 : memref<128x128xf32, #tpu.memory_space<hbm>>)
      tpu.yield
    }) : () -> ()
    %add3A_80 = arith.constant 256 : i32
    %add3A_81 = arith.addi %mul3A_11, %add3A_80 : i32
    %add3A_82 = arith.constant 256 : i32
    %add3A_83 = arith.addi %mul3A_11, %add3A_82 : i32
    "tpu.region"() ({
      %run_scoped3A_92 = tpu.sem_alloc : memref<!tpu.dma_semaphore, #tpu.memory_space<semaphore_mem>>
      %dma_start3A_93 = arith.constant 0 : i32
      %dma_start3A_94 = tpu.memref_slice %arg4[%arg0, %add3A_83, %dma_start3A_93] : memref<2x10240x128xf32, #tpu.memory_space<hbm>> -> memref<1x128x128xf32, #tpu.memory_space<hbm>>
      %dma_start3A_95 = tpu.memref_squeeze %dma_start3A_94 : memref<1x128x128xf32, #tpu.memory_space<hbm>> -> memref<128x128xf32, #tpu.memory_space<hbm>>
      %dma_start3A_96 = arith.constant 0 : i32
      %dma_start3A_97 = tpu.memref_slice %arg8[%add3A_81, %dma_start3A_96] : memref<10240x128xf32, #tpu.memory_space<vmem_shared>> -> memref<128x128xf32, #tpu.memory_space<vmem_shared>>
      tpu.enqueue_dma source(%dma_start3A_97 : memref<128x128xf32, #tpu.memory_space<vmem_shared>>) target(%dma_start3A_95 : memref<128x128xf32, #tpu.memory_space<hbm>>) target_semaphore(%run_scoped3A_92 : memref<!tpu.dma_semaphore, #tpu.memory_space<semaphore_mem>>)
      %dma_wait3A = arith.constant 0 : i32
      %dma_wait3A_98 = tpu.memref_slice %arg4[%arg0, %add3A_83, %dma_wait3A] : memref<2x10240x128xf32, #tpu.memory_space<hbm>> -> memref<1x128x128xf32, #tpu.memory_space<hbm>>
      %dma_wait3A_99 = tpu.memref_squeeze %dma_wait3A_98 : memref<1x128x128xf32, #tpu.memory_space<hbm>> -> memref<128x128xf32, #tpu.memory_space<hbm>>
      %dma_wait3A_100 = arith.constant 0 : i32
      %dma_wait3A_101 = tpu.memref_slice %arg8[%add3A_81, %dma_wait3A_100] : memref<10240x128xf32, #tpu.memory_space<vmem_shared>> -> memref<128x128xf32, #tpu.memory_space<vmem_shared>>
      tpu.wait_dma2 semaphore(%run_scoped3A_92 : memref<!tpu.dma_semaphore, #tpu.memory_space<semaphore_mem>>) src(%dma_wait3A_101 : memref<128x128xf32, #tpu.memory_space<vmem_shared>>) dst(%dma_wait3A_99 : memref<128x128xf32, #tpu.memory_space<hbm>>)
      tpu.yield
    }) : () -> ()
    %add3A_84 = arith.constant 384 : i32
    %add3A_85 = arith.addi %mul3A_11, %add3A_84 : i32
    %add3A_86 = arith.constant 384 : i32
    %add3A_87 = arith.addi %mul3A_11, %add3A_86 : i32
    "tpu.region"() ({
      %run_scoped3A_92 = tpu.sem_alloc : memref<!tpu.dma_semaphore, #tpu.memory_space<semaphore_mem>>
      %dma_start3A_93 = arith.constant 0 : i32
      %dma_start3A_94 = tpu.memref_slice %arg4[%arg0, %add3A_87, %dma_start3A_93] : memref<2x10240x128xf32, #tpu.memory_space<hbm>> -> memref<1x128x128xf32, #tpu.memory_space<hbm>>
      %dma_start3A_95 = tpu.memref_squeeze %dma_start3A_94 : memref<1x128x128xf32, #tpu.memory_space<hbm>> -> memref<128x128xf32, #tpu.memory_space<hbm>>
      %dma_start3A_96 = arith.constant 0 : i32
      %dma_start3A_97 = tpu.memref_slice %arg8[%add3A_85, %dma_start3A_96] : memref<10240x128xf32, #tpu.memory_space<vmem_shared>> -> memref<128x128xf32, #tpu.memory_space<vmem_shared>>
      tpu.enqueue_dma source(%dma_start3A_97 : memref<128x128xf32, #tpu.memory_space<vmem_shared>>) target(%dma_start3A_95 : memref<128x128xf32, #tpu.memory_space<hbm>>) target_semaphore(%run_scoped3A_92 : memref<!tpu.dma_semaphore, #tpu.memory_space<semaphore_mem>>)
      %dma_wait3A = arith.constant 0 : i32
      %dma_wait3A_98 = tpu.memref_slice %arg4[%arg0, %add3A_87, %dma_wait3A] : memref<2x10240x128xf32, #tpu.memory_space<hbm>> -> memref<1x128x128xf32, #tpu.memory_space<hbm>>
      %dma_wait3A_99 = tpu.memref_squeeze %dma_wait3A_98 : memref<1x128x128xf32, #tpu.memory_space<hbm>> -> memref<128x128xf32, #tpu.memory_space<hbm>>
      %dma_wait3A_100 = arith.constant 0 : i32
      %dma_wait3A_101 = tpu.memref_slice %arg8[%add3A_85, %dma_wait3A_100] : memref<10240x128xf32, #tpu.memory_space<vmem_shared>> -> memref<128x128xf32, #tpu.memory_space<vmem_shared>>
      tpu.wait_dma2 semaphore(%run_scoped3A_92 : memref<!tpu.dma_semaphore, #tpu.memory_space<semaphore_mem>>) src(%dma_wait3A_101 : memref<128x128xf32, #tpu.memory_space<vmem_shared>>) dst(%dma_wait3A_99 : memref<128x128xf32, #tpu.memory_space<hbm>>)
      tpu.yield
    }) : () -> ()
    %add3A_88 = arith.constant 512 : i32
    %add3A_89 = arith.addi %mul3A_11, %add3A_88 : i32
    %add3A_90 = arith.constant 512 : i32
    %add3A_91 = arith.addi %mul3A_11, %add3A_90 : i32
    "tpu.region"() ({
      %run_scoped3A_92 = tpu.sem_alloc : memref<!tpu.dma_semaphore, #tpu.memory_space<semaphore_mem>>
      %dma_start3A_93 = arith.constant 0 : i32
      %dma_start3A_94 = tpu.memref_slice %arg4[%arg0, %add3A_91, %dma_start3A_93] : memref<2x10240x128xf32, #tpu.memory_space<hbm>> -> memref<1x128x128xf32, #tpu.memory_space<hbm>>
      %dma_start3A_95 = tpu.memref_squeeze %dma_start3A_94 : memref<1x128x128xf32, #tpu.memory_space<hbm>> -> memref<128x128xf32, #tpu.memory_space<hbm>>
      %dma_start3A_96 = arith.constant 0 : i32
      %dma_start3A_97 = tpu.memref_slice %arg8[%add3A_89, %dma_start3A_96] : memref<10240x128xf32, #tpu.memory_space<vmem_shared>> -> memref<128x128xf32, #tpu.memory_space<vmem_shared>>
      tpu.enqueue_dma source(%dma_start3A_97 : memref<128x128xf32, #tpu.memory_space<vmem_shared>>) target(%dma_start3A_95 : memref<128x128xf32, #tpu.memory_space<hbm>>) target_semaphore(%run_scoped3A_92 : memref<!tpu.dma_semaphore, #tpu.memory_space<semaphore_mem>>)
      %dma_wait3A = arith.constant 0 : i32
      %dma_wait3A_98 = tpu.memref_slice %arg4[%arg0, %add3A_91, %dma_wait3A] : memref<2x10240x128xf32, #tpu.memory_space<hbm>> -> memref<1x128x128xf32, #tpu.memory_space<hbm>>
      %dma_wait3A_99 = tpu.memref_squeeze %dma_wait3A_98 : memref<1x128x128xf32, #tpu.memory_space<hbm>> -> memref<128x128xf32, #tpu.memory_space<hbm>>
      %dma_wait3A_100 = arith.constant 0 : i32
      %dma_wait3A_101 = tpu.memref_slice %arg8[%add3A_89, %dma_wait3A_100] : memref<10240x128xf32, #tpu.memory_space<vmem_shared>> -> memref<128x128xf32, #tpu.memory_space<vmem_shared>>
      tpu.wait_dma2 semaphore(%run_scoped3A_92 : memref<!tpu.dma_semaphore, #tpu.memory_space<semaphore_mem>>) src(%dma_wait3A_101 : memref<128x128xf32, #tpu.memory_space<vmem_shared>>) dst(%dma_wait3A_99 : memref<128x128xf32, #tpu.memory_space<hbm>>)
      tpu.yield
    }) : () -> ()
    return
  }
}

#map = affine_map<(d0, d1) -> (0, 0, 0)>
#map1 = affine_map<(d0, d1) -> (0, 0)>
module attributes {stable_mosaic.version = 14 : i64} {
  func.func @deg_kernel(%arg0: i32, %arg1: i32, %arg2: memref<2x2560x128xi32, #tpu.memory_space<hbm>>, %arg3: memref<32x10240xf32, #tpu.memory_space<hbm>>, %arg4: memref<80x128xi32, #tpu.memory_space<vmem>>, %arg5: memref<10240xf32, #tpu.memory_space<vmem>>) attributes {dimension_semantics = [#tpu.dimension_semantics<core_parallel>, #tpu.dimension_semantics<subcore_parallel>], iteration_bounds = array<i64: 2, 16>, scalar_prefetch = 0 : i64, scratch_operands = 2 : i64, tpu.core_type = #tpu.core_type<sc_vector_subcore>, window_params = [{transform_indices = #map}, {transform_indices = #map1}]} {
    %mul3A = arith.constant 16 : i32
    %mul3A_0 = arith.muli %arg0, %mul3A : i32
    %add3A = arith.addi %mul3A_0, %arg1 : i32
    %mul3A_1 = arith.constant 80 : i32
    %mul3A_2 = arith.muli %add3A, %mul3A_1 : i32
    %run_scoped3A = arith.constant 1 : i32
    "tpu.region"() ({
      %run_scoped3A_19 = tpu.sem_alloc : memref<!tpu.dma_semaphore, #tpu.memory_space<semaphore_mem>>
      %dma_start3A = arith.constant 0 : i32
      %dma_start3A_20 = tpu.memref_slice %arg2[%run_scoped3A, %mul3A_2, %dma_start3A] : memref<2x2560x128xi32, #tpu.memory_space<hbm>> -> memref<1x80x128xi32, #tpu.memory_space<hbm>>
      %dma_start3A_21 = tpu.memref_squeeze %dma_start3A_20 : memref<1x80x128xi32, #tpu.memory_space<hbm>> -> memref<80x128xi32, #tpu.memory_space<hbm>>
      %dma_start3A_22 = arith.constant 0 : i32
      %dma_start3A_23 = tpu.memref_slice %arg2[%run_scoped3A, %mul3A_2, %dma_start3A_22] : memref<2x2560x128xi32, #tpu.memory_space<hbm>> -> memref<1x80x128xi32, #tpu.memory_space<hbm>>
      %dma_start3A_24 = tpu.memref_squeeze %dma_start3A_23 : memref<1x80x128xi32, #tpu.memory_space<hbm>> -> memref<80x128xi32, #tpu.memory_space<hbm>>
      tpu.enqueue_dma source(%dma_start3A_24 : memref<80x128xi32, #tpu.memory_space<hbm>>) target(%arg4 : memref<80x128xi32, #tpu.memory_space<vmem>>) target_semaphore(%run_scoped3A_19 : memref<!tpu.dma_semaphore, #tpu.memory_space<semaphore_mem>>)
      %dma_wait3A = arith.constant 0 : i32
      %dma_wait3A_25 = tpu.memref_slice %arg2[%run_scoped3A, %mul3A_2, %dma_wait3A] : memref<2x2560x128xi32, #tpu.memory_space<hbm>> -> memref<1x80x128xi32, #tpu.memory_space<hbm>>
      %dma_wait3A_26 = tpu.memref_squeeze %dma_wait3A_25 : memref<1x80x128xi32, #tpu.memory_space<hbm>> -> memref<80x128xi32, #tpu.memory_space<hbm>>
      %dma_wait3A_27 = arith.constant 0 : i32
      %dma_wait3A_28 = tpu.memref_slice %arg2[%run_scoped3A, %mul3A_2, %dma_wait3A_27] : memref<2x2560x128xi32, #tpu.memory_space<hbm>> -> memref<1x80x128xi32, #tpu.memory_space<hbm>>
      %dma_wait3A_29 = tpu.memref_squeeze %dma_wait3A_28 : memref<1x80x128xi32, #tpu.memory_space<hbm>> -> memref<80x128xi32, #tpu.memory_space<hbm>>
      tpu.wait_dma2 semaphore(%run_scoped3A_19 : memref<!tpu.dma_semaphore, #tpu.memory_space<semaphore_mem>>) src(%dma_wait3A_29 : memref<80x128xi32, #tpu.memory_space<hbm>>) dst(%arg4 : memref<80x128xi32, #tpu.memory_space<vmem>>)
      tpu.yield
    }) : () -> ()
    %broadcast_in_dim3A = arith.constant 0.000000e+00 : f32
    %broadcast_in_dim3A_3 = vector.broadcast %broadcast_in_dim3A : f32 to vector<16xf32>
    %broadcast_in_dim3A_4 = arith.constant 1.000000e+00 : f32
    %broadcast_in_dim3A_5 = vector.broadcast %broadcast_in_dim3A_4 : f32 to vector<16xf32>
    %scan3A = arith.constant 0 : i32
    %scan3A_6 = arith.constant 0 : i32
    %scan3A_7 = arith.constant 640 : i32
    %scan3A_8 = arith.addi %scan3A_6, %scan3A_7 : i32
    %scan3A_9 = arith.constant 1 : i32
    %scan3A_10 = scf.for %scan3A_19 = %scan3A_6 to %scan3A_8 step %scan3A_9 iter_args(%scan3A_20 = %scan3A) -> (i32)  : i32 {
      %mul3A_21 = arith.constant 16 : i32
      %mul3A_22 = arith.muli %scan3A_19, %mul3A_21 : i32
      %swap3A = arith.index_cast %mul3A_22 : i32 to index
      %swap3A_23 = tpu.vector_load %arg5[%swap3A] {strides = array<i32>} : memref<10240xf32, #tpu.memory_space<vmem>>, vector<16xf32>,
      tpu.vector_store %arg5[%swap3A], %broadcast_in_dim3A_3 {strides = array<i32>} : memref<10240xf32, #tpu.memory_space<vmem>>, vector<16xf32>,
      %scan3A_24 = arith.constant 0 : i32
      scf.yield %scan3A_24 : i32
    }
    %scan3A_11 = arith.constant 640 : i32
    %scan3A_12 = arith.constant 0 : i32
    %scan3A_13 = arith.constant 0 : i32
    %scan3A_14 = arith.constant 80 : i32
    %scan3A_15 = arith.addi %scan3A_13, %scan3A_14 : i32
    %scan3A_16 = arith.constant 1 : i32
    %scan3A_17 = scf.for %scan3A_19 = %scan3A_13 to %scan3A_15 step %scan3A_16 iter_args(%scan3A_20 = %scan3A_12) -> (i32)  : i32 {
      %get3A = arith.index_cast %scan3A_19 : i32 to index
      %get3A_21 = arith.constant 0 : index
      %get3A_22 = tpu.vector_load %arg4[%get3A, %get3A_21] {strides = array<i32>} : memref<80x128xi32, #tpu.memory_space<vmem>>, vector<16xi32>,
      tpu.vector_store_idx %arg5[%get3A_22], %broadcast_in_dim3A_5 {add = true} : memref<10240xf32, #tpu.memory_space<vmem>>[vector<16xi32>], vector<16xf32>,
      %get3A_23 = arith.index_cast %scan3A_19 : i32 to index
      %get3A_24 = arith.constant 16 : index
      %get3A_25 = tpu.vector_load %arg4[%get3A_23, %get3A_24] {strides = array<i32>} : memref<80x128xi32, #tpu.memory_space<vmem>>, vector<16xi32>,
      tpu.vector_store_idx %arg5[%get3A_25], %broadcast_in_dim3A_5 {add = true} : memref<10240xf32, #tpu.memory_space<vmem>>[vector<16xi32>], vector<16xf32>,
      %get3A_26 = arith.index_cast %scan3A_19 : i32 to index
      %get3A_27 = arith.constant 32 : index
      %get3A_28 = tpu.vector_load %arg4[%get3A_26, %get3A_27] {strides = array<i32>} : memref<80x128xi32, #tpu.memory_space<vmem>>, vector<16xi32>,
      tpu.vector_store_idx %arg5[%get3A_28], %broadcast_in_dim3A_5 {add = true} : memref<10240xf32, #tpu.memory_space<vmem>>[vector<16xi32>], vector<16xf32>,
      %get3A_29 = arith.index_cast %scan3A_19 : i32 to index
      %get3A_30 = arith.constant 48 : index
      %get3A_31 = tpu.vector_load %arg4[%get3A_29, %get3A_30] {strides = array<i32>} : memref<80x128xi32, #tpu.memory_space<vmem>>, vector<16xi32>,
      tpu.vector_store_idx %arg5[%get3A_31], %broadcast_in_dim3A_5 {add = true} : memref<10240xf32, #tpu.memory_space<vmem>>[vector<16xi32>], vector<16xf32>,
      %get3A_32 = arith.index_cast %scan3A_19 : i32 to index
      %get3A_33 = arith.constant 64 : index
      %get3A_34 = tpu.vector_load %arg4[%get3A_32, %get3A_33] {strides = array<i32>} : memref<80x128xi32, #tpu.memory_space<vmem>>, vector<16xi32>,
      tpu.vector_store_idx %arg5[%get3A_34], %broadcast_in_dim3A_5 {add = true} : memref<10240xf32, #tpu.memory_space<vmem>>[vector<16xi32>], vector<16xf32>,
      %get3A_35 = arith.index_cast %scan3A_19 : i32 to index
      %get3A_36 = arith.constant 80 : index
      %get3A_37 = tpu.vector_load %arg4[%get3A_35, %get3A_36] {strides = array<i32>} : memref<80x128xi32, #tpu.memory_space<vmem>>, vector<16xi32>,
      tpu.vector_store_idx %arg5[%get3A_37], %broadcast_in_dim3A_5 {add = true} : memref<10240xf32, #tpu.memory_space<vmem>>[vector<16xi32>], vector<16xf32>,
      %get3A_38 = arith.index_cast %scan3A_19 : i32 to index
      %get3A_39 = arith.constant 96 : index
      %get3A_40 = tpu.vector_load %arg4[%get3A_38, %get3A_39] {strides = array<i32>} : memref<80x128xi32, #tpu.memory_space<vmem>>, vector<16xi32>,
      tpu.vector_store_idx %arg5[%get3A_40], %broadcast_in_dim3A_5 {add = true} : memref<10240xf32, #tpu.memory_space<vmem>>[vector<16xi32>], vector<16xf32>,
      %get3A_41 = arith.index_cast %scan3A_19 : i32 to index
      %get3A_42 = arith.constant 112 : index
      %get3A_43 = tpu.vector_load %arg4[%get3A_41, %get3A_42] {strides = array<i32>} : memref<80x128xi32, #tpu.memory_space<vmem>>, vector<16xi32>,
      tpu.vector_store_idx %arg5[%get3A_43], %broadcast_in_dim3A_5 {add = true} : memref<10240xf32, #tpu.memory_space<vmem>>[vector<16xi32>], vector<16xf32>,
      %scan3A_44 = arith.constant 0 : i32
      scf.yield %scan3A_44 : i32
    }
    %scan3A_18 = arith.constant 80 : i32
    "tpu.region"() ({
      %run_scoped3A_19 = tpu.sem_alloc : memref<!tpu.dma_semaphore, #tpu.memory_space<semaphore_mem>>
      %dma_start3A = arith.constant 0 : i32
      %dma_start3A_20 = tpu.memref_slice %arg3[%add3A, %dma_start3A] : memref<32x10240xf32, #tpu.memory_space<hbm>> -> memref<1x10240xf32, #tpu.memory_space<hbm>>
      %dma_start3A_21 = tpu.memref_squeeze %dma_start3A_20 : memref<1x10240xf32, #tpu.memory_space<hbm>> -> memref<10240xf32, #tpu.memory_space<hbm>>
      %dma_start3A_22 = arith.constant 0 : i32
      %dma_start3A_23 = tpu.memref_slice %arg3[%add3A, %dma_start3A_22] : memref<32x10240xf32, #tpu.memory_space<hbm>> -> memref<1x10240xf32, #tpu.memory_space<hbm>>
      %dma_start3A_24 = tpu.memref_squeeze %dma_start3A_23 : memref<1x10240xf32, #tpu.memory_space<hbm>> -> memref<10240xf32, #tpu.memory_space<hbm>>
      tpu.enqueue_dma source(%arg5 : memref<10240xf32, #tpu.memory_space<vmem>>) target(%dma_start3A_24 : memref<10240xf32, #tpu.memory_space<hbm>>) target_semaphore(%run_scoped3A_19 : memref<!tpu.dma_semaphore, #tpu.memory_space<semaphore_mem>>)
      %dma_wait3A = arith.constant 0 : i32
      %dma_wait3A_25 = tpu.memref_slice %arg3[%add3A, %dma_wait3A] : memref<32x10240xf32, #tpu.memory_space<hbm>> -> memref<1x10240xf32, #tpu.memory_space<hbm>>
      %dma_wait3A_26 = tpu.memref_squeeze %dma_wait3A_25 : memref<1x10240xf32, #tpu.memory_space<hbm>> -> memref<10240xf32, #tpu.memory_space<hbm>>
      %dma_wait3A_27 = arith.constant 0 : i32
      %dma_wait3A_28 = tpu.memref_slice %arg3[%add3A, %dma_wait3A_27] : memref<32x10240xf32, #tpu.memory_space<hbm>> -> memref<1x10240xf32, #tpu.memory_space<hbm>>
      %dma_wait3A_29 = tpu.memref_squeeze %dma_wait3A_28 : memref<1x10240xf32, #tpu.memory_space<hbm>> -> memref<10240xf32, #tpu.memory_space<hbm>>
      tpu.wait_dma2 semaphore(%run_scoped3A_19 : memref<!tpu.dma_semaphore, #tpu.memory_space<semaphore_mem>>) src(%arg5 : memref<10240xf32, #tpu.memory_space<vmem>>) dst(%dma_wait3A_29 : memref<10240xf32, #tpu.memory_space<hbm>>)
      tpu.yield
    }) : () -> ()
    return
  }
}

#map = affine_map<(d0, d1) -> (0, 0)>
#map1 = affine_map<(d0, d1) -> (0, 0, 0)>
module attributes {stable_mosaic.version = 14 : i64} {
  func.func @scat_kernel(%arg0: i32, %arg1: i32, %arg2: memref<10240x64xf32, #tpu.memory_space<hbm>>, %arg3: memref<2x2560x128xi32, #tpu.memory_space<hbm>>, %arg4: memref<2x10240x64xf32, #tpu.memory_space<hbm>>, %arg5: memref<40x128xi32, #tpu.memory_space<vmem>>, %arg6: memref<40x128xi32, #tpu.memory_space<vmem>>, %arg7: memref<2x128x64xf32, #tpu.memory_space<vmem>>, %arg8: memref<10240x64xf32, #tpu.memory_space<vmem_shared>>, %arg9: memref<!tpu.dma_semaphore, #tpu.memory_space<semaphore_mem>>) attributes {dimension_semantics = [#tpu.dimension_semantics<core_parallel>, #tpu.dimension_semantics<subcore_parallel>], iteration_bounds = array<i64: 2, 16>, scalar_prefetch = 0 : i64, scratch_operands = 5 : i64, tpu.core_type = #tpu.core_type<sc_vector_subcore>, window_params = [{transform_indices = #map}, {transform_indices = #map1}, {transform_indices = #map1}]} {
    %mul3A = arith.constant 16 : i32
    %mul3A_0 = arith.muli %arg0, %mul3A : i32
    %add3A = arith.addi %mul3A_0, %arg1 : i32
    %mul3A_1 = arith.constant 80 : i32
    %mul3A_2 = arith.muli %add3A, %mul3A_1 : i32
    %broadcast_in_dim3A = arith.constant 0.000000e+00 : f32
    %broadcast_in_dim3A_3 = vector.broadcast %broadcast_in_dim3A : f32 to vector<16xf32>
    %scan3A = arith.constant 0 : i32
    %scan3A_4 = arith.constant 0 : i32
    %scan3A_5 = arith.constant 128 : i32
    %scan3A_6 = arith.addi %scan3A_4, %scan3A_5 : i32
    %scan3A_7 = arith.constant 1 : i32
    %scan3A_8 = scf.for %scan3A_92 = %scan3A_4 to %scan3A_6 step %scan3A_7 iter_args(%scan3A_93 = %scan3A) -> (i32)  : i32 {
      %swap3A = arith.constant 0 : i32
      %swap3A_94 = arith.index_cast %swap3A : i32 to index
      %swap3A_95 = arith.index_cast %scan3A_92 : i32 to index
      %swap3A_96 = arith.constant 0 : index
      %swap3A_97 = tpu.vector_load %arg7[%swap3A_94, %swap3A_95, %swap3A_96] {strides = array<i32>} : memref<2x128x64xf32, #tpu.memory_space<vmem>>, vector<16xf32>,
      tpu.vector_store %arg7[%swap3A_94, %swap3A_95, %swap3A_96], %broadcast_in_dim3A_3 {strides = array<i32>} : memref<2x128x64xf32, #tpu.memory_space<vmem>>, vector<16xf32>,
      %swap3A_98 = arith.constant 0 : i32
      %swap3A_99 = arith.index_cast %swap3A_98 : i32 to index
      %swap3A_100 = arith.index_cast %scan3A_92 : i32 to index
      %swap3A_101 = arith.constant 16 : index
      %swap3A_102 = tpu.vector_load %arg7[%swap3A_99, %swap3A_100, %swap3A_101] {strides = array<i32>} : memref<2x128x64xf32, #tpu.memory_space<vmem>>, vector<16xf32>,
      tpu.vector_store %arg7[%swap3A_99, %swap3A_100, %swap3A_101], %broadcast_in_dim3A_3 {strides = array<i32>} : memref<2x128x64xf32, #tpu.memory_space<vmem>>, vector<16xf32>,
      %swap3A_103 = arith.constant 0 : i32
      %swap3A_104 = arith.index_cast %swap3A_103 : i32 to index
      %swap3A_105 = arith.index_cast %scan3A_92 : i32 to index
      %swap3A_106 = arith.constant 32 : index
      %swap3A_107 = tpu.vector_load %arg7[%swap3A_104, %swap3A_105, %swap3A_106] {strides = array<i32>} : memref<2x128x64xf32, #tpu.memory_space<vmem>>, vector<16xf32>,
      tpu.vector_store %arg7[%swap3A_104, %swap3A_105, %swap3A_106], %broadcast_in_dim3A_3 {strides = array<i32>} : memref<2x128x64xf32, #tpu.memory_space<vmem>>, vector<16xf32>,
      %swap3A_108 = arith.constant 0 : i32
      %swap3A_109 = arith.index_cast %swap3A_108 : i32 to index
      %swap3A_110 = arith.index_cast %scan3A_92 : i32 to index
      %swap3A_111 = arith.constant 48 : index
      %swap3A_112 = tpu.vector_load %arg7[%swap3A_109, %swap3A_110, %swap3A_111] {strides = array<i32>} : memref<2x128x64xf32, #tpu.memory_space<vmem>>, vector<16xf32>,
      tpu.vector_store %arg7[%swap3A_109, %swap3A_110, %swap3A_111], %broadcast_in_dim3A_3 {strides = array<i32>} : memref<2x128x64xf32, #tpu.memory_space<vmem>>, vector<16xf32>,
      %scan3A_113 = arith.constant 0 : i32
      scf.yield %scan3A_113 : i32
    }
    %scan3A_9 = arith.constant 128 : i32
    %mul3A_10 = arith.constant 640 : i32
    %mul3A_11 = arith.muli %arg1, %mul3A_10 : i32
    %add3A_12 = arith.constant 0 : i32
    %add3A_13 = arith.addi %mul3A_11, %add3A_12 : i32
    %run_scoped3A = arith.constant 0 : i32
    "tpu.region"() ({
      %run_scoped3A_92 = tpu.sem_alloc : memref<!tpu.dma_semaphore, #tpu.memory_space<semaphore_mem>>
      %dma_start3A_93 = arith.constant 0 : i32
      %dma_start3A_94 = arith.constant 0 : i32
      %dma_start3A_95 = tpu.memref_slice %arg7[%run_scoped3A, %dma_start3A_93, %dma_start3A_94] : memref<2x128x64xf32, #tpu.memory_space<vmem>> -> memref<1x128x64xf32, #tpu.memory_space<vmem>>
      %dma_start3A_96 = tpu.memref_squeeze %dma_start3A_95 : memref<1x128x64xf32, #tpu.memory_space<vmem>> -> memref<128x64xf32, #tpu.memory_space<vmem>>
      %dma_start3A_97 = arith.constant 0 : i32
      %dma_start3A_98 = tpu.memref_slice %arg8[%add3A_13, %dma_start3A_97] : memref<10240x64xf32, #tpu.memory_space<vmem_shared>> -> memref<128x64xf32, #tpu.memory_space<vmem_shared>>
      %dma_start3A_99 = arith.constant 0 : i32
      %dma_start3A_100 = tpu.memref_slice %arg8[%add3A_13, %dma_start3A_99] : memref<10240x64xf32, #tpu.memory_space<vmem_shared>> -> memref<128x64xf32, #tpu.memory_space<vmem_shared>>
      %dma_start3A_101 = arith.constant 0 : i32
      %dma_start3A_102 = arith.constant 0 : i32
      %dma_start3A_103 = tpu.memref_slice %arg7[%run_scoped3A, %dma_start3A_101, %dma_start3A_102] : memref<2x128x64xf32, #tpu.memory_space<vmem>> -> memref<1x128x64xf32, #tpu.memory_space<vmem>>
      %dma_start3A_104 = tpu.memref_squeeze %dma_start3A_103 : memref<1x128x64xf32, #tpu.memory_space<vmem>> -> memref<128x64xf32, #tpu.memory_space<vmem>>
      tpu.enqueue_dma source(%dma_start3A_104 : memref<128x64xf32, #tpu.memory_space<vmem>>) target(%dma_start3A_100 : memref<128x64xf32, #tpu.memory_space<vmem_shared>>) target_semaphore(%run_scoped3A_92 : memref<!tpu.dma_semaphore, #tpu.memory_space<semaphore_mem>>)
      %dma_wait3A = arith.constant 0 : i32
      %dma_wait3A_105 = arith.constant 0 : i32
      %dma_wait3A_106 = tpu.memref_slice %arg7[%run_scoped3A, %dma_wait3A, %dma_wait3A_105] : memref<2x128x64xf32, #tpu.memory_space<vmem>> -> memref<1x128x64xf32, #tpu.memory_space<vmem>>
      %dma_wait3A_107 = tpu.memref_squeeze %dma_wait3A_106 : memref<1x128x64xf32, #tpu.memory_space<vmem>> -> memref<128x64xf32, #tpu.memory_space<vmem>>
      %dma_wait3A_108 = arith.constant 0 : i32
      %dma_wait3A_109 = tpu.memref_slice %arg8[%add3A_13, %dma_wait3A_108] : memref<10240x64xf32, #tpu.memory_space<vmem_shared>> -> memref<128x64xf32, #tpu.memory_space<vmem_shared>>
      %dma_wait3A_110 = arith.constant 0 : i32
      %dma_wait3A_111 = tpu.memref_slice %arg8[%add3A_13, %dma_wait3A_110] : memref<10240x64xf32, #tpu.memory_space<vmem_shared>> -> memref<128x64xf32, #tpu.memory_space<vmem_shared>>
      %dma_wait3A_112 = arith.constant 0 : i32
      %dma_wait3A_113 = arith.constant 0 : i32
      %dma_wait3A_114 = tpu.memref_slice %arg7[%run_scoped3A, %dma_wait3A_112, %dma_wait3A_113] : memref<2x128x64xf32, #tpu.memory_space<vmem>> -> memref<1x128x64xf32, #tpu.memory_space<vmem>>
      %dma_wait3A_115 = tpu.memref_squeeze %dma_wait3A_114 : memref<1x128x64xf32, #tpu.memory_space<vmem>> -> memref<128x64xf32, #tpu.memory_space<vmem>>
      tpu.wait_dma2 semaphore(%run_scoped3A_92 : memref<!tpu.dma_semaphore, #tpu.memory_space<semaphore_mem>>) src(%dma_wait3A_115 : memref<128x64xf32, #tpu.memory_space<vmem>>) dst(%dma_wait3A_111 : memref<128x64xf32, #tpu.memory_space<vmem_shared>>)
      tpu.yield
    }) : () -> ()
    %add3A_14 = arith.constant 128 : i32
    %add3A_15 = arith.addi %mul3A_11, %add3A_14 : i32
    %run_scoped3A_16 = arith.constant 0 : i32
    "tpu.region"() ({
      %run_scoped3A_92 = tpu.sem_alloc : memref<!tpu.dma_semaphore, #tpu.memory_space<semaphore_mem>>
      %dma_start3A_93 = arith.constant 0 : i32
      %dma_start3A_94 = arith.constant 0 : i32
      %dma_start3A_95 = tpu.memref_slice %arg7[%run_scoped3A_16, %dma_start3A_93, %dma_start3A_94] : memref<2x128x64xf32, #tpu.memory_space<vmem>> -> memref<1x128x64xf32, #tpu.memory_space<vmem>>
      %dma_start3A_96 = tpu.memref_squeeze %dma_start3A_95 : memref<1x128x64xf32, #tpu.memory_space<vmem>> -> memref<128x64xf32, #tpu.memory_space<vmem>>
      %dma_start3A_97 = arith.constant 0 : i32
      %dma_start3A_98 = tpu.memref_slice %arg8[%add3A_15, %dma_start3A_97] : memref<10240x64xf32, #tpu.memory_space<vmem_shared>> -> memref<128x64xf32, #tpu.memory_space<vmem_shared>>
      %dma_start3A_99 = arith.constant 0 : i32
      %dma_start3A_100 = tpu.memref_slice %arg8[%add3A_15, %dma_start3A_99] : memref<10240x64xf32, #tpu.memory_space<vmem_shared>> -> memref<128x64xf32, #tpu.memory_space<vmem_shared>>
      %dma_start3A_101 = arith.constant 0 : i32
      %dma_start3A_102 = arith.constant 0 : i32
      %dma_start3A_103 = tpu.memref_slice %arg7[%run_scoped3A_16, %dma_start3A_101, %dma_start3A_102] : memref<2x128x64xf32, #tpu.memory_space<vmem>> -> memref<1x128x64xf32, #tpu.memory_space<vmem>>
      %dma_start3A_104 = tpu.memref_squeeze %dma_start3A_103 : memref<1x128x64xf32, #tpu.memory_space<vmem>> -> memref<128x64xf32, #tpu.memory_space<vmem>>
      tpu.enqueue_dma source(%dma_start3A_104 : memref<128x64xf32, #tpu.memory_space<vmem>>) target(%dma_start3A_100 : memref<128x64xf32, #tpu.memory_space<vmem_shared>>) target_semaphore(%run_scoped3A_92 : memref<!tpu.dma_semaphore, #tpu.memory_space<semaphore_mem>>)
      %dma_wait3A = arith.constant 0 : i32
      %dma_wait3A_105 = arith.constant 0 : i32
      %dma_wait3A_106 = tpu.memref_slice %arg7[%run_scoped3A_16, %dma_wait3A, %dma_wait3A_105] : memref<2x128x64xf32, #tpu.memory_space<vmem>> -> memref<1x128x64xf32, #tpu.memory_space<vmem>>
      %dma_wait3A_107 = tpu.memref_squeeze %dma_wait3A_106 : memref<1x128x64xf32, #tpu.memory_space<vmem>> -> memref<128x64xf32, #tpu.memory_space<vmem>>
      %dma_wait3A_108 = arith.constant 0 : i32
      %dma_wait3A_109 = tpu.memref_slice %arg8[%add3A_15, %dma_wait3A_108] : memref<10240x64xf32, #tpu.memory_space<vmem_shared>> -> memref<128x64xf32, #tpu.memory_space<vmem_shared>>
      %dma_wait3A_110 = arith.constant 0 : i32
      %dma_wait3A_111 = tpu.memref_slice %arg8[%add3A_15, %dma_wait3A_110] : memref<10240x64xf32, #tpu.memory_space<vmem_shared>> -> memref<128x64xf32, #tpu.memory_space<vmem_shared>>
      %dma_wait3A_112 = arith.constant 0 : i32
      %dma_wait3A_113 = arith.constant 0 : i32
      %dma_wait3A_114 = tpu.memref_slice %arg7[%run_scoped3A_16, %dma_wait3A_112, %dma_wait3A_113] : memref<2x128x64xf32, #tpu.memory_space<vmem>> -> memref<1x128x64xf32, #tpu.memory_space<vmem>>
      %dma_wait3A_115 = tpu.memref_squeeze %dma_wait3A_114 : memref<1x128x64xf32, #tpu.memory_space<vmem>> -> memref<128x64xf32, #tpu.memory_space<vmem>>
      tpu.wait_dma2 semaphore(%run_scoped3A_92 : memref<!tpu.dma_semaphore, #tpu.memory_space<semaphore_mem>>) src(%dma_wait3A_115 : memref<128x64xf32, #tpu.memory_space<vmem>>) dst(%dma_wait3A_111 : memref<128x64xf32, #tpu.memory_space<vmem_shared>>)
      tpu.yield
    }) : () -> ()
    %add3A_17 = arith.constant 256 : i32
    %add3A_18 = arith.addi %mul3A_11, %add3A_17 : i32
    %run_scoped3A_19 = arith.constant 0 : i32
    "tpu.region"() ({
      %run_scoped3A_92 = tpu.sem_alloc : memref<!tpu.dma_semaphore, #tpu.memory_space<semaphore_mem>>
      %dma_start3A_93 = arith.constant 0 : i32
      %dma_start3A_94 = arith.constant 0 : i32
      %dma_start3A_95 = tpu.memref_slice %arg7[%run_scoped3A_19, %dma_start3A_93, %dma_start3A_94] : memref<2x128x64xf32, #tpu.memory_space<vmem>> -> memref<1x128x64xf32, #tpu.memory_space<vmem>>
      %dma_start3A_96 = tpu.memref_squeeze %dma_start3A_95 : memref<1x128x64xf32, #tpu.memory_space<vmem>> -> memref<128x64xf32, #tpu.memory_space<vmem>>
      %dma_start3A_97 = arith.constant 0 : i32
      %dma_start3A_98 = tpu.memref_slice %arg8[%add3A_18, %dma_start3A_97] : memref<10240x64xf32, #tpu.memory_space<vmem_shared>> -> memref<128x64xf32, #tpu.memory_space<vmem_shared>>
      %dma_start3A_99 = arith.constant 0 : i32
      %dma_start3A_100 = tpu.memref_slice %arg8[%add3A_18, %dma_start3A_99] : memref<10240x64xf32, #tpu.memory_space<vmem_shared>> -> memref<128x64xf32, #tpu.memory_space<vmem_shared>>
      %dma_start3A_101 = arith.constant 0 : i32
      %dma_start3A_102 = arith.constant 0 : i32
      %dma_start3A_103 = tpu.memref_slice %arg7[%run_scoped3A_19, %dma_start3A_101, %dma_start3A_102] : memref<2x128x64xf32, #tpu.memory_space<vmem>> -> memref<1x128x64xf32, #tpu.memory_space<vmem>>
      %dma_start3A_104 = tpu.memref_squeeze %dma_start3A_103 : memref<1x128x64xf32, #tpu.memory_space<vmem>> -> memref<128x64xf32, #tpu.memory_space<vmem>>
      tpu.enqueue_dma source(%dma_start3A_104 : memref<128x64xf32, #tpu.memory_space<vmem>>) target(%dma_start3A_100 : memref<128x64xf32, #tpu.memory_space<vmem_shared>>) target_semaphore(%run_scoped3A_92 : memref<!tpu.dma_semaphore, #tpu.memory_space<semaphore_mem>>)
      %dma_wait3A = arith.constant 0 : i32
      %dma_wait3A_105 = arith.constant 0 : i32
      %dma_wait3A_106 = tpu.memref_slice %arg7[%run_scoped3A_19, %dma_wait3A, %dma_wait3A_105] : memref<2x128x64xf32, #tpu.memory_space<vmem>> -> memref<1x128x64xf32, #tpu.memory_space<vmem>>
      %dma_wait3A_107 = tpu.memref_squeeze %dma_wait3A_106 : memref<1x128x64xf32, #tpu.memory_space<vmem>> -> memref<128x64xf32, #tpu.memory_space<vmem>>
      %dma_wait3A_108 = arith.constant 0 : i32
      %dma_wait3A_109 = tpu.memref_slice %arg8[%add3A_18, %dma_wait3A_108] : memref<10240x64xf32, #tpu.memory_space<vmem_shared>> -> memref<128x64xf32, #tpu.memory_space<vmem_shared>>
      %dma_wait3A_110 = arith.constant 0 : i32
      %dma_wait3A_111 = tpu.memref_slice %arg8[%add3A_18, %dma_wait3A_110] : memref<10240x64xf32, #tpu.memory_space<vmem_shared>> -> memref<128x64xf32, #tpu.memory_space<vmem_shared>>
      %dma_wait3A_112 = arith.constant 0 : i32
      %dma_wait3A_113 = arith.constant 0 : i32
      %dma_wait3A_114 = tpu.memref_slice %arg7[%run_scoped3A_19, %dma_wait3A_112, %dma_wait3A_113] : memref<2x128x64xf32, #tpu.memory_space<vmem>> -> memref<1x128x64xf32, #tpu.memory_space<vmem>>
      %dma_wait3A_115 = tpu.memref_squeeze %dma_wait3A_114 : memref<1x128x64xf32, #tpu.memory_space<vmem>> -> memref<128x64xf32, #tpu.memory_space<vmem>>
      tpu.wait_dma2 semaphore(%run_scoped3A_92 : memref<!tpu.dma_semaphore, #tpu.memory_space<semaphore_mem>>) src(%dma_wait3A_115 : memref<128x64xf32, #tpu.memory_space<vmem>>) dst(%dma_wait3A_111 : memref<128x64xf32, #tpu.memory_space<vmem_shared>>)
      tpu.yield
    }) : () -> ()
    %add3A_20 = arith.constant 384 : i32
    %add3A_21 = arith.addi %mul3A_11, %add3A_20 : i32
    %run_scoped3A_22 = arith.constant 0 : i32
    "tpu.region"() ({
      %run_scoped3A_92 = tpu.sem_alloc : memref<!tpu.dma_semaphore, #tpu.memory_space<semaphore_mem>>
      %dma_start3A_93 = arith.constant 0 : i32
      %dma_start3A_94 = arith.constant 0 : i32
      %dma_start3A_95 = tpu.memref_slice %arg7[%run_scoped3A_22, %dma_start3A_93, %dma_start3A_94] : memref<2x128x64xf32, #tpu.memory_space<vmem>> -> memref<1x128x64xf32, #tpu.memory_space<vmem>>
      %dma_start3A_96 = tpu.memref_squeeze %dma_start3A_95 : memref<1x128x64xf32, #tpu.memory_space<vmem>> -> memref<128x64xf32, #tpu.memory_space<vmem>>
      %dma_start3A_97 = arith.constant 0 : i32
      %dma_start3A_98 = tpu.memref_slice %arg8[%add3A_21, %dma_start3A_97] : memref<10240x64xf32, #tpu.memory_space<vmem_shared>> -> memref<128x64xf32, #tpu.memory_space<vmem_shared>>
      %dma_start3A_99 = arith.constant 0 : i32
      %dma_start3A_100 = tpu.memref_slice %arg8[%add3A_21, %dma_start3A_99] : memref<10240x64xf32, #tpu.memory_space<vmem_shared>> -> memref<128x64xf32, #tpu.memory_space<vmem_shared>>
      %dma_start3A_101 = arith.constant 0 : i32
      %dma_start3A_102 = arith.constant 0 : i32
      %dma_start3A_103 = tpu.memref_slice %arg7[%run_scoped3A_22, %dma_start3A_101, %dma_start3A_102] : memref<2x128x64xf32, #tpu.memory_space<vmem>> -> memref<1x128x64xf32, #tpu.memory_space<vmem>>
      %dma_start3A_104 = tpu.memref_squeeze %dma_start3A_103 : memref<1x128x64xf32, #tpu.memory_space<vmem>> -> memref<128x64xf32, #tpu.memory_space<vmem>>
      tpu.enqueue_dma source(%dma_start3A_104 : memref<128x64xf32, #tpu.memory_space<vmem>>) target(%dma_start3A_100 : memref<128x64xf32, #tpu.memory_space<vmem_shared>>) target_semaphore(%run_scoped3A_92 : memref<!tpu.dma_semaphore, #tpu.memory_space<semaphore_mem>>)
      %dma_wait3A = arith.constant 0 : i32
      %dma_wait3A_105 = arith.constant 0 : i32
      %dma_wait3A_106 = tpu.memref_slice %arg7[%run_scoped3A_22, %dma_wait3A, %dma_wait3A_105] : memref<2x128x64xf32, #tpu.memory_space<vmem>> -> memref<1x128x64xf32, #tpu.memory_space<vmem>>
      %dma_wait3A_107 = tpu.memref_squeeze %dma_wait3A_106 : memref<1x128x64xf32, #tpu.memory_space<vmem>> -> memref<128x64xf32, #tpu.memory_space<vmem>>
      %dma_wait3A_108 = arith.constant 0 : i32
      %dma_wait3A_109 = tpu.memref_slice %arg8[%add3A_21, %dma_wait3A_108] : memref<10240x64xf32, #tpu.memory_space<vmem_shared>> -> memref<128x64xf32, #tpu.memory_space<vmem_shared>>
      %dma_wait3A_110 = arith.constant 0 : i32
      %dma_wait3A_111 = tpu.memref_slice %arg8[%add3A_21, %dma_wait3A_110] : memref<10240x64xf32, #tpu.memory_space<vmem_shared>> -> memref<128x64xf32, #tpu.memory_space<vmem_shared>>
      %dma_wait3A_112 = arith.constant 0 : i32
      %dma_wait3A_113 = arith.constant 0 : i32
      %dma_wait3A_114 = tpu.memref_slice %arg7[%run_scoped3A_22, %dma_wait3A_112, %dma_wait3A_113] : memref<2x128x64xf32, #tpu.memory_space<vmem>> -> memref<1x128x64xf32, #tpu.memory_space<vmem>>
      %dma_wait3A_115 = tpu.memref_squeeze %dma_wait3A_114 : memref<1x128x64xf32, #tpu.memory_space<vmem>> -> memref<128x64xf32, #tpu.memory_space<vmem>>
      tpu.wait_dma2 semaphore(%run_scoped3A_92 : memref<!tpu.dma_semaphore, #tpu.memory_space<semaphore_mem>>) src(%dma_wait3A_115 : memref<128x64xf32, #tpu.memory_space<vmem>>) dst(%dma_wait3A_111 : memref<128x64xf32, #tpu.memory_space<vmem_shared>>)
      tpu.yield
    }) : () -> ()
    %add3A_23 = arith.constant 512 : i32
    %add3A_24 = arith.addi %mul3A_11, %add3A_23 : i32
    %run_scoped3A_25 = arith.constant 0 : i32
    "tpu.region"() ({
      %run_scoped3A_92 = tpu.sem_alloc : memref<!tpu.dma_semaphore, #tpu.memory_space<semaphore_mem>>
      %dma_start3A_93 = arith.constant 0 : i32
      %dma_start3A_94 = arith.constant 0 : i32
      %dma_start3A_95 = tpu.memref_slice %arg7[%run_scoped3A_25, %dma_start3A_93, %dma_start3A_94] : memref<2x128x64xf32, #tpu.memory_space<vmem>> -> memref<1x128x64xf32, #tpu.memory_space<vmem>>
      %dma_start3A_96 = tpu.memref_squeeze %dma_start3A_95 : memref<1x128x64xf32, #tpu.memory_space<vmem>> -> memref<128x64xf32, #tpu.memory_space<vmem>>
      %dma_start3A_97 = arith.constant 0 : i32
      %dma_start3A_98 = tpu.memref_slice %arg8[%add3A_24, %dma_start3A_97] : memref<10240x64xf32, #tpu.memory_space<vmem_shared>> -> memref<128x64xf32, #tpu.memory_space<vmem_shared>>
      %dma_start3A_99 = arith.constant 0 : i32
      %dma_start3A_100 = tpu.memref_slice %arg8[%add3A_24, %dma_start3A_99] : memref<10240x64xf32, #tpu.memory_space<vmem_shared>> -> memref<128x64xf32, #tpu.memory_space<vmem_shared>>
      %dma_start3A_101 = arith.constant 0 : i32
      %dma_start3A_102 = arith.constant 0 : i32
      %dma_start3A_103 = tpu.memref_slice %arg7[%run_scoped3A_25, %dma_start3A_101, %dma_start3A_102] : memref<2x128x64xf32, #tpu.memory_space<vmem>> -> memref<1x128x64xf32, #tpu.memory_space<vmem>>
      %dma_start3A_104 = tpu.memref_squeeze %dma_start3A_103 : memref<1x128x64xf32, #tpu.memory_space<vmem>> -> memref<128x64xf32, #tpu.memory_space<vmem>>
      tpu.enqueue_dma source(%dma_start3A_104 : memref<128x64xf32, #tpu.memory_space<vmem>>) target(%dma_start3A_100 : memref<128x64xf32, #tpu.memory_space<vmem_shared>>) target_semaphore(%run_scoped3A_92 : memref<!tpu.dma_semaphore, #tpu.memory_space<semaphore_mem>>)
      %dma_wait3A = arith.constant 0 : i32
      %dma_wait3A_105 = arith.constant 0 : i32
      %dma_wait3A_106 = tpu.memref_slice %arg7[%run_scoped3A_25, %dma_wait3A, %dma_wait3A_105] : memref<2x128x64xf32, #tpu.memory_space<vmem>> -> memref<1x128x64xf32, #tpu.memory_space<vmem>>
      %dma_wait3A_107 = tpu.memref_squeeze %dma_wait3A_106 : memref<1x128x64xf32, #tpu.memory_space<vmem>> -> memref<128x64xf32, #tpu.memory_space<vmem>>
      %dma_wait3A_108 = arith.constant 0 : i32
      %dma_wait3A_109 = tpu.memref_slice %arg8[%add3A_24, %dma_wait3A_108] : memref<10240x64xf32, #tpu.memory_space<vmem_shared>> -> memref<128x64xf32, #tpu.memory_space<vmem_shared>>
      %dma_wait3A_110 = arith.constant 0 : i32
      %dma_wait3A_111 = tpu.memref_slice %arg8[%add3A_24, %dma_wait3A_110] : memref<10240x64xf32, #tpu.memory_space<vmem_shared>> -> memref<128x64xf32, #tpu.memory_space<vmem_shared>>
      %dma_wait3A_112 = arith.constant 0 : i32
      %dma_wait3A_113 = arith.constant 0 : i32
      %dma_wait3A_114 = tpu.memref_slice %arg7[%run_scoped3A_25, %dma_wait3A_112, %dma_wait3A_113] : memref<2x128x64xf32, #tpu.memory_space<vmem>> -> memref<1x128x64xf32, #tpu.memory_space<vmem>>
      %dma_wait3A_115 = tpu.memref_squeeze %dma_wait3A_114 : memref<1x128x64xf32, #tpu.memory_space<vmem>> -> memref<128x64xf32, #tpu.memory_space<vmem>>
      tpu.wait_dma2 semaphore(%run_scoped3A_92 : memref<!tpu.dma_semaphore, #tpu.memory_space<semaphore_mem>>) src(%dma_wait3A_115 : memref<128x64xf32, #tpu.memory_space<vmem>>) dst(%dma_wait3A_111 : memref<128x64xf32, #tpu.memory_space<vmem_shared>>)
      tpu.yield
    }) : () -> ()
    %barrier3A = arith.constant 0 : index
    tpu.barrier barrier_id(%barrier3A)
    %add3A_26 = arith.constant 0 : i32
    %add3A_27 = arith.addi %mul3A_2, %add3A_26 : i32
    %run_scoped3A_28 = arith.constant 0 : i32
    "tpu.region"() ({
      %run_scoped3A_92 = tpu.sem_alloc : memref<!tpu.dma_semaphore, #tpu.memory_space<semaphore_mem>>
      %dma_start3A_93 = arith.constant 0 : i32
      %dma_start3A_94 = tpu.memref_slice %arg3[%run_scoped3A_28, %add3A_27, %dma_start3A_93] : memref<2x2560x128xi32, #tpu.memory_space<hbm>> -> memref<1x40x128xi32, #tpu.memory_space<hbm>>
      %dma_start3A_95 = tpu.memref_squeeze %dma_start3A_94 : memref<1x40x128xi32, #tpu.memory_space<hbm>> -> memref<40x128xi32, #tpu.memory_space<hbm>>
      %dma_start3A_96 = arith.constant 0 : i32
      %dma_start3A_97 = tpu.memref_slice %arg3[%run_scoped3A_28, %add3A_27, %dma_start3A_96] : memref<2x2560x128xi32, #tpu.memory_space<hbm>> -> memref<1x40x128xi32, #tpu.memory_space<hbm>>
      %dma_start3A_98 = tpu.memref_squeeze %dma_start3A_97 : memref<1x40x128xi32, #tpu.memory_space<hbm>> -> memref<40x128xi32, #tpu.memory_space<hbm>>
      tpu.enqueue_dma source(%dma_start3A_98 : memref<40x128xi32, #tpu.memory_space<hbm>>) target(%arg5 : memref<40x128xi32, #tpu.memory_space<vmem>>) target_semaphore(%run_scoped3A_92 : memref<!tpu.dma_semaphore, #tpu.memory_space<semaphore_mem>>)
      %dma_wait3A = arith.constant 0 : i32
      %dma_wait3A_99 = tpu.memref_slice %arg3[%run_scoped3A_28, %add3A_27, %dma_wait3A] : memref<2x2560x128xi32, #tpu.memory_space<hbm>> -> memref<1x40x128xi32, #tpu.memory_space<hbm>>
      %dma_wait3A_100 = tpu.memref_squeeze %dma_wait3A_99 : memref<1x40x128xi32, #tpu.memory_space<hbm>> -> memref<40x128xi32, #tpu.memory_space<hbm>>
      %dma_wait3A_101 = arith.constant 0 : i32
      %dma_wait3A_102 = tpu.memref_slice %arg3[%run_scoped3A_28, %add3A_27, %dma_wait3A_101] : memref<2x2560x128xi32, #tpu.memory_space<hbm>> -> memref<1x40x128xi32, #tpu.memory_space<hbm>>
      %dma_wait3A_103 = tpu.memref_squeeze %dma_wait3A_102 : memref<1x40x128xi32, #tpu.memory_space<hbm>> -> memref<40x128xi32, #tpu.memory_space<hbm>>
      tpu.wait_dma2 semaphore(%run_scoped3A_92 : memref<!tpu.dma_semaphore, #tpu.memory_space<semaphore_mem>>) src(%dma_wait3A_103 : memref<40x128xi32, #tpu.memory_space<hbm>>) dst(%arg5 : memref<40x128xi32, #tpu.memory_space<vmem>>)
      tpu.yield
    }) : () -> ()
    %run_scoped3A_29 = arith.constant 1 : i32
    "tpu.region"() ({
      %run_scoped3A_92 = tpu.sem_alloc : memref<!tpu.dma_semaphore, #tpu.memory_space<semaphore_mem>>
      %dma_start3A_93 = arith.constant 0 : i32
      %dma_start3A_94 = tpu.memref_slice %arg3[%run_scoped3A_29, %add3A_27, %dma_start3A_93] : memref<2x2560x128xi32, #tpu.memory_space<hbm>> -> memref<1x40x128xi32, #tpu.memory_space<hbm>>
      %dma_start3A_95 = tpu.memref_squeeze %dma_start3A_94 : memref<1x40x128xi32, #tpu.memory_space<hbm>> -> memref<40x128xi32, #tpu.memory_space<hbm>>
      %dma_start3A_96 = arith.constant 0 : i32
      %dma_start3A_97 = tpu.memref_slice %arg3[%run_scoped3A_29, %add3A_27, %dma_start3A_96] : memref<2x2560x128xi32, #tpu.memory_space<hbm>> -> memref<1x40x128xi32, #tpu.memory_space<hbm>>
      %dma_start3A_98 = tpu.memref_squeeze %dma_start3A_97 : memref<1x40x128xi32, #tpu.memory_space<hbm>> -> memref<40x128xi32, #tpu.memory_space<hbm>>
      tpu.enqueue_dma source(%dma_start3A_98 : memref<40x128xi32, #tpu.memory_space<hbm>>) target(%arg6 : memref<40x128xi32, #tpu.memory_space<vmem>>) target_semaphore(%run_scoped3A_92 : memref<!tpu.dma_semaphore, #tpu.memory_space<semaphore_mem>>)
      %dma_wait3A = arith.constant 0 : i32
      %dma_wait3A_99 = tpu.memref_slice %arg3[%run_scoped3A_29, %add3A_27, %dma_wait3A] : memref<2x2560x128xi32, #tpu.memory_space<hbm>> -> memref<1x40x128xi32, #tpu.memory_space<hbm>>
      %dma_wait3A_100 = tpu.memref_squeeze %dma_wait3A_99 : memref<1x40x128xi32, #tpu.memory_space<hbm>> -> memref<40x128xi32, #tpu.memory_space<hbm>>
      %dma_wait3A_101 = arith.constant 0 : i32
      %dma_wait3A_102 = tpu.memref_slice %arg3[%run_scoped3A_29, %add3A_27, %dma_wait3A_101] : memref<2x2560x128xi32, #tpu.memory_space<hbm>> -> memref<1x40x128xi32, #tpu.memory_space<hbm>>
      %dma_wait3A_103 = tpu.memref_squeeze %dma_wait3A_102 : memref<1x40x128xi32, #tpu.memory_space<hbm>> -> memref<40x128xi32, #tpu.memory_space<hbm>>
      tpu.wait_dma2 semaphore(%run_scoped3A_92 : memref<!tpu.dma_semaphore, #tpu.memory_space<semaphore_mem>>) src(%dma_wait3A_103 : memref<40x128xi32, #tpu.memory_space<hbm>>) dst(%arg6 : memref<40x128xi32, #tpu.memory_space<vmem>>)
      tpu.yield
    }) : () -> ()
    %dma_start3A = arith.constant 0 : i32
    %dma_start3A_30 = arith.constant 0 : i32
    %dma_start3A_31 = arith.constant 0 : i32
    %dma_start3A_32 = arith.constant 0 : i32
    %dma_start3A_33 = tpu.memref_slice %arg7[%dma_start3A_30, %dma_start3A_31, %dma_start3A_32] : memref<2x128x64xf32, #tpu.memory_space<vmem>> -> memref<1x128x64xf32, #tpu.memory_space<vmem>>
    %dma_start3A_34 = tpu.memref_squeeze %dma_start3A_33 : memref<1x128x64xf32, #tpu.memory_space<vmem>> -> memref<128x64xf32, #tpu.memory_space<vmem>>
    %dma_start3A_35 = arith.constant 0 : i32
    %dma_start3A_36 = tpu.memref_slice %arg5[%dma_start3A, %dma_start3A_35] : memref<40x128xi32, #tpu.memory_space<vmem>> -> memref<1x128xi32, #tpu.memory_space<vmem>>
    %dma_start3A_37 = tpu.memref_squeeze %dma_start3A_36 : memref<1x128xi32, #tpu.memory_space<vmem>> -> memref<128xi32, #tpu.memory_space<vmem>>
    %dma_start3A_38 = arith.constant 0 : i32
    %dma_start3A_39 = arith.constant 0 : i32
    %dma_start3A_40 = tpu.memref_slice %arg2[%dma_start3A_38, %dma_start3A_39] : memref<10240x64xf32, #tpu.memory_space<hbm>> -> memref<10240x64xf32, #tpu.memory_space<hbm>>
    tpu.enqueue_indirect_dma source(%dma_start3A_40 : memref<10240x64xf32, #tpu.memory_space<hbm>>) target(%dma_start3A_34 : memref<128x64xf32, #tpu.memory_space<vmem>>) offsets(%dma_start3A_37 : memref<128xi32, #tpu.memory_space<vmem>>) semaphore(%arg9 : memref<!tpu.dma_semaphore, #tpu.memory_space<semaphore_mem>>)
    %scan3A_41 = arith.constant 0 : i32
    %scan3A_42 = arith.constant 0 : i32
    %scan3A_43 = arith.constant 40 : i32
    %scan3A_44 = arith.addi %scan3A_42, %scan3A_43 : i32
    %scan3A_45 = arith.constant 1 : i32
    %scan3A_46 = scf.for %scan3A_92 = %scan3A_42 to %scan3A_44 step %scan3A_45 iter_args(%scan3A_93 = %scan3A_41) -> (i32)  : i32 {
      %dma_wait3A = arith.constant 0 : i32
      %dma_wait3A_94 = arith.constant 0 : i32
      %dma_wait3A_95 = arith.constant 0 : i32
      %dma_wait3A_96 = tpu.memref_slice %arg7[%dma_wait3A, %dma_wait3A_94, %dma_wait3A_95] : memref<2x128x64xf32, #tpu.memory_space<vmem>> -> memref<1x128x64xf32, #tpu.memory_space<vmem>>
      %dma_wait3A_97 = tpu.memref_squeeze %dma_wait3A_96 : memref<1x128x64xf32, #tpu.memory_space<vmem>> -> memref<128x64xf32, #tpu.memory_space<vmem>>
      %dma_wait3A_98 = arith.constant 0 : i32
      %dma_wait3A_99 = arith.constant 0 : i32
      %dma_wait3A_100 = tpu.memref_slice %arg2[%dma_wait3A_98, %dma_wait3A_99] : memref<10240x64xf32, #tpu.memory_space<hbm>> -> memref<128x64xf32, #tpu.memory_space<hbm>>
      %dma_wait3A_101 = arith.constant 0 : i32
      %dma_wait3A_102 = arith.constant 0 : i32
      %dma_wait3A_103 = tpu.memref_slice %arg7[%dma_wait3A, %dma_wait3A_101, %dma_wait3A_102] : memref<2x128x64xf32, #tpu.memory_space<vmem>> -> memref<1x128x64xf32, #tpu.memory_space<vmem>>
      %dma_wait3A_104 = tpu.memref_squeeze %dma_wait3A_103 : memref<1x128x64xf32, #tpu.memory_space<vmem>> -> memref<128x64xf32, #tpu.memory_space<vmem>>
      %dma_wait3A_105 = arith.constant 0 : i32
      %dma_wait3A_106 = arith.constant 0 : i32
      %dma_wait3A_107 = tpu.memref_slice %arg2[%dma_wait3A_105, %dma_wait3A_106] : memref<10240x64xf32, #tpu.memory_space<hbm>> -> memref<128x64xf32, #tpu.memory_space<hbm>>
      tpu.wait_dma2 semaphore(%arg9 : memref<!tpu.dma_semaphore, #tpu.memory_space<semaphore_mem>>) src(%dma_wait3A_107 : memref<128x64xf32, #tpu.memory_space<hbm>>) dst(%dma_wait3A_104 : memref<128x64xf32, #tpu.memory_space<vmem>>)
      %add3A_108 = arith.constant 2 : i32
      %add3A_109 = arith.addi %scan3A_92, %add3A_108 : i32
      %sub3A = arith.constant 1 : i32
      %sub3A_110 = arith.subi %add3A_109, %sub3A : i32
      %lt3A = arith.constant 40 : i32
      %lt3A_111 = arith.cmpi slt, %sub3A_110, %lt3A : i32
      %convert_element_type3A = arith.extui %lt3A_111 : i1 to i32
      %cond3A = arith.constant 0 : i32
      %cond3A_112 = arith.cmpi ne, %convert_element_type3A, %cond3A : i32
      scf.if %cond3A_112 {
        %add3A_124 = arith.constant 2 : i32
        %add3A_125 = arith.addi %scan3A_92, %add3A_124 : i32
        %sub3A_126 = arith.constant 1 : i32
        %sub3A_127 = arith.subi %add3A_125, %sub3A_126 : i32
        %jit3A_128 = arith.constant 2 : i32
        %eq3A_129 = arith.constant 0 : i32
        %eq3A_130 = arith.cmpi eq, %jit3A_128, %eq3A_129 : i32
        %jit3A_131 = arith.constant 1 : i32
        %select_n3A_132 = arith.select %eq3A_130, %jit3A_131, %jit3A_128 : i32
        %rem3A_133 = arith.remsi %sub3A_127, %select_n3A_132 : i32
        %ne3A_134 = arith.constant 0 : i32
        %ne3A_135 = arith.cmpi ne, %rem3A_133, %ne3A_134 : i32
        %lt3A_136 = arith.constant 0 : i32
        %lt3A_137 = arith.cmpi slt, %rem3A_133, %lt3A_136 : i32
        %lt3A_138 = arith.constant 0 : i32
        %lt3A_139 = arith.cmpi slt, %select_n3A_132, %lt3A_138 : i32
        %ne3A_140 = arith.xori %lt3A_137, %lt3A_139 : i1
        %and3A_141 = arith.andi %ne3A_140, %ne3A_135 : i1
        %add3A_142 = arith.addi %rem3A_133, %select_n3A_132 : i32
        %select_n3A_143 = arith.select %and3A_141, %add3A_142, %rem3A_133 : i32
        %dma_start3A_144 = arith.constant 0 : i32
        %dma_start3A_145 = arith.constant 0 : i32
        %dma_start3A_146 = tpu.memref_slice %arg7[%select_n3A_143, %dma_start3A_144, %dma_start3A_145] : memref<2x128x64xf32, #tpu.memory_space<vmem>> -> memref<1x128x64xf32, #tpu.memory_space<vmem>>
        %dma_start3A_147 = tpu.memref_squeeze %dma_start3A_146 : memref<1x128x64xf32, #tpu.memory_space<vmem>> -> memref<128x64xf32, #tpu.memory_space<vmem>>
        %dma_start3A_148 = arith.constant 0 : i32
        %dma_start3A_149 = tpu.memref_slice %arg5[%sub3A_127, %dma_start3A_148] : memref<40x128xi32, #tpu.memory_space<vmem>> -> memref<1x128xi32, #tpu.memory_space<vmem>>
        %dma_start3A_150 = tpu.memref_squeeze %dma_start3A_149 : memref<1x128xi32, #tpu.memory_space<vmem>> -> memref<128xi32, #tpu.memory_space<vmem>>
        %dma_start3A_151 = arith.constant 0 : i32
        %dma_start3A_152 = arith.constant 0 : i32
        %dma_start3A_153 = tpu.memref_slice %arg2[%dma_start3A_151, %dma_start3A_152] : memref<10240x64xf32, #tpu.memory_space<hbm>> -> memref<10240x64xf32, #tpu.memory_space<hbm>>
        tpu.enqueue_indirect_dma source(%dma_start3A_153 : memref<10240x64xf32, #tpu.memory_space<hbm>>) target(%dma_start3A_147 : memref<128x64xf32, #tpu.memory_space<vmem>>) offsets(%dma_start3A_150 : memref<128xi32, #tpu.memory_space<vmem>>) semaphore(%arg9 : memref<!tpu.dma_semaphore, #tpu.memory_space<semaphore_mem>>)
      } else {
      }
      %jit3A = arith.constant 2 : i32
      %eq3A = arith.constant 0 : i32
      %eq3A_113 = arith.cmpi eq, %jit3A, %eq3A : i32
      %jit3A_114 = arith.constant 1 : i32
      %select_n3A = arith.select %eq3A_113, %jit3A_114, %jit3A : i32
      %rem3A = arith.remsi %scan3A_92, %select_n3A : i32
      %ne3A = arith.constant 0 : i32
      %ne3A_115 = arith.cmpi ne, %rem3A, %ne3A : i32
      %lt3A_116 = arith.constant 0 : i32
      %lt3A_117 = arith.cmpi slt, %rem3A, %lt3A_116 : i32
      %lt3A_118 = arith.constant 0 : i32
      %lt3A_119 = arith.cmpi slt, %select_n3A, %lt3A_118 : i32
      %ne3A_120 = arith.xori %lt3A_117, %lt3A_119 : i1
      %and3A = arith.andi %ne3A_120, %ne3A_115 : i1
      %add3A_121 = arith.addi %rem3A, %select_n3A : i32
      %select_n3A_122 = arith.select %and3A, %add3A_121, %rem3A : i32
      "tpu.region"() ({
        %run_scoped3A_124 = tpu.sem_alloc : memref<!tpu.dma_semaphore, #tpu.memory_space<semaphore_mem>>
        %dma_start3A_125 = arith.constant 0 : i32
        %dma_start3A_126 = arith.constant 0 : i32
        %dma_start3A_127 = tpu.memref_slice %arg7[%select_n3A_122, %dma_start3A_125, %dma_start3A_126] : memref<2x128x64xf32, #tpu.memory_space<vmem>> -> memref<1x128x64xf32, #tpu.memory_space<vmem>>
        %dma_start3A_128 = tpu.memref_squeeze %dma_start3A_127 : memref<1x128x64xf32, #tpu.memory_space<vmem>> -> memref<128x64xf32, #tpu.memory_space<vmem>>
        %dma_start3A_129 = arith.constant 0 : i32
        %dma_start3A_130 = tpu.memref_slice %arg6[%scan3A_92, %dma_start3A_129] : memref<40x128xi32, #tpu.memory_space<vmem>> -> memref<1x128xi32, #tpu.memory_space<vmem>>
        %dma_start3A_131 = tpu.memref_squeeze %dma_start3A_130 : memref<1x128xi32, #tpu.memory_space<vmem>> -> memref<128xi32, #tpu.memory_space<vmem>>
        %dma_start3A_132 = arith.constant 0 : i32
        %dma_start3A_133 = arith.constant 0 : i32
        %dma_start3A_134 = tpu.memref_slice %arg8[%dma_start3A_132, %dma_start3A_133] : memref<10240x64xf32, #tpu.memory_space<vmem_shared>> -> memref<10240x64xf32, #tpu.memory_space<vmem_shared>>
        tpu.enqueue_indirect_dma source(%dma_start3A_128 : memref<128x64xf32, #tpu.memory_space<vmem>>) target(%dma_start3A_134 : memref<10240x64xf32, #tpu.memory_space<vmem_shared>>) offsets(%dma_start3A_131 : memref<128xi32, #tpu.memory_space<vmem>>) semaphore(%run_scoped3A_124 : memref<!tpu.dma_semaphore, #tpu.memory_space<semaphore_mem>>) {add = true}
        %dma_wait3A_135 = arith.constant 0 : i32
        %dma_wait3A_136 = arith.constant 0 : i32
        %dma_wait3A_137 = tpu.memref_slice %arg7[%select_n3A_122, %dma_wait3A_135, %dma_wait3A_136] : memref<2x128x64xf32, #tpu.memory_space<vmem>> -> memref<1x128x64xf32, #tpu.memory_space<vmem>>
        %dma_wait3A_138 = tpu.memref_squeeze %dma_wait3A_137 : memref<1x128x64xf32, #tpu.memory_space<vmem>> -> memref<128x64xf32, #tpu.memory_space<vmem>>
        %dma_wait3A_139 = arith.constant 0 : i32
        %dma_wait3A_140 = tpu.memref_slice %arg6[%scan3A_92, %dma_wait3A_139] : memref<40x128xi32, #tpu.memory_space<vmem>> -> memref<1x128xi32, #tpu.memory_space<vmem>>
        %dma_wait3A_141 = tpu.memref_squeeze %dma_wait3A_140 : memref<1x128xi32, #tpu.memory_space<vmem>> -> memref<128xi32, #tpu.memory_space<vmem>>
        %dma_wait3A_142 = arith.constant 0 : i32
        %dma_wait3A_143 = arith.constant 0 : i32
        %dma_wait3A_144 = tpu.memref_slice %arg8[%dma_wait3A_142, %dma_wait3A_143] : memref<10240x64xf32, #tpu.memory_space<vmem_shared>> -> memref<10240x64xf32, #tpu.memory_space<vmem_shared>>
        tpu.wait_indirect_dma semaphore(%run_scoped3A_124 : memref<!tpu.dma_semaphore, #tpu.memory_space<semaphore_mem>>) src(%dma_wait3A_138 : memref<128x64xf32, #tpu.memory_space<vmem>>) dst(%dma_wait3A_144 : memref<10240x64xf32, #tpu.memory_space<vmem_shared>>)
        tpu.yield
      }) : () -> ()
      %scan3A_123 = arith.constant 0 : i32
      scf.yield %scan3A_123 : i32
    }
    %scan3A_47 = arith.constant 40 : i32
    %add3A_48 = arith.constant 40 : i32
    %add3A_49 = arith.addi %mul3A_2, %add3A_48 : i32
    %run_scoped3A_50 = arith.constant 0 : i32
    "tpu.region"() ({
      %run_scoped3A_92 = tpu.sem_alloc : memref<!tpu.dma_semaphore, #tpu.memory_space<semaphore_mem>>
      %dma_start3A_93 = arith.constant 0 : i32
      %dma_start3A_94 = tpu.memref_slice %arg3[%run_scoped3A_50, %add3A_49, %dma_start3A_93] : memref<2x2560x128xi32, #tpu.memory_space<hbm>> -> memref<1x40x128xi32, #tpu.memory_space<hbm>>
      %dma_start3A_95 = tpu.memref_squeeze %dma_start3A_94 : memref<1x40x128xi32, #tpu.memory_space<hbm>> -> memref<40x128xi32, #tpu.memory_space<hbm>>
      %dma_start3A_96 = arith.constant 0 : i32
      %dma_start3A_97 = tpu.memref_slice %arg3[%run_scoped3A_50, %add3A_49, %dma_start3A_96] : memref<2x2560x128xi32, #tpu.memory_space<hbm>> -> memref<1x40x128xi32, #tpu.memory_space<hbm>>
      %dma_start3A_98 = tpu.memref_squeeze %dma_start3A_97 : memref<1x40x128xi32, #tpu.memory_space<hbm>> -> memref<40x128xi32, #tpu.memory_space<hbm>>
      tpu.enqueue_dma source(%dma_start3A_98 : memref<40x128xi32, #tpu.memory_space<hbm>>) target(%arg5 : memref<40x128xi32, #tpu.memory_space<vmem>>) target_semaphore(%run_scoped3A_92 : memref<!tpu.dma_semaphore, #tpu.memory_space<semaphore_mem>>)
      %dma_wait3A = arith.constant 0 : i32
      %dma_wait3A_99 = tpu.memref_slice %arg3[%run_scoped3A_50, %add3A_49, %dma_wait3A] : memref<2x2560x128xi32, #tpu.memory_space<hbm>> -> memref<1x40x128xi32, #tpu.memory_space<hbm>>
      %dma_wait3A_100 = tpu.memref_squeeze %dma_wait3A_99 : memref<1x40x128xi32, #tpu.memory_space<hbm>> -> memref<40x128xi32, #tpu.memory_space<hbm>>
      %dma_wait3A_101 = arith.constant 0 : i32
      %dma_wait3A_102 = tpu.memref_slice %arg3[%run_scoped3A_50, %add3A_49, %dma_wait3A_101] : memref<2x2560x128xi32, #tpu.memory_space<hbm>> -> memref<1x40x128xi32, #tpu.memory_space<hbm>>
      %dma_wait3A_103 = tpu.memref_squeeze %dma_wait3A_102 : memref<1x40x128xi32, #tpu.memory_space<hbm>> -> memref<40x128xi32, #tpu.memory_space<hbm>>
      tpu.wait_dma2 semaphore(%run_scoped3A_92 : memref<!tpu.dma_semaphore, #tpu.memory_space<semaphore_mem>>) src(%dma_wait3A_103 : memref<40x128xi32, #tpu.memory_space<hbm>>) dst(%arg5 : memref<40x128xi32, #tpu.memory_space<vmem>>)
      tpu.yield
    }) : () -> ()
    %run_scoped3A_51 = arith.constant 1 : i32
    "tpu.region"() ({
      %run_scoped3A_92 = tpu.sem_alloc : memref<!tpu.dma_semaphore, #tpu.memory_space<semaphore_mem>>
      %dma_start3A_93 = arith.constant 0 : i32
      %dma_start3A_94 = tpu.memref_slice %arg3[%run_scoped3A_51, %add3A_49, %dma_start3A_93] : memref<2x2560x128xi32, #tpu.memory_space<hbm>> -> memref<1x40x128xi32, #tpu.memory_space<hbm>>
      %dma_start3A_95 = tpu.memref_squeeze %dma_start3A_94 : memref<1x40x128xi32, #tpu.memory_space<hbm>> -> memref<40x128xi32, #tpu.memory_space<hbm>>
      %dma_start3A_96 = arith.constant 0 : i32
      %dma_start3A_97 = tpu.memref_slice %arg3[%run_scoped3A_51, %add3A_49, %dma_start3A_96] : memref<2x2560x128xi32, #tpu.memory_space<hbm>> -> memref<1x40x128xi32, #tpu.memory_space<hbm>>
      %dma_start3A_98 = tpu.memref_squeeze %dma_start3A_97 : memref<1x40x128xi32, #tpu.memory_space<hbm>> -> memref<40x128xi32, #tpu.memory_space<hbm>>
      tpu.enqueue_dma source(%dma_start3A_98 : memref<40x128xi32, #tpu.memory_space<hbm>>) target(%arg6 : memref<40x128xi32, #tpu.memory_space<vmem>>) target_semaphore(%run_scoped3A_92 : memref<!tpu.dma_semaphore, #tpu.memory_space<semaphore_mem>>)
      %dma_wait3A = arith.constant 0 : i32
      %dma_wait3A_99 = tpu.memref_slice %arg3[%run_scoped3A_51, %add3A_49, %dma_wait3A] : memref<2x2560x128xi32, #tpu.memory_space<hbm>> -> memref<1x40x128xi32, #tpu.memory_space<hbm>>
      %dma_wait3A_100 = tpu.memref_squeeze %dma_wait3A_99 : memref<1x40x128xi32, #tpu.memory_space<hbm>> -> memref<40x128xi32, #tpu.memory_space<hbm>>
      %dma_wait3A_101 = arith.constant 0 : i32
      %dma_wait3A_102 = tpu.memref_slice %arg3[%run_scoped3A_51, %add3A_49, %dma_wait3A_101] : memref<2x2560x128xi32, #tpu.memory_space<hbm>> -> memref<1x40x128xi32, #tpu.memory_space<hbm>>
      %dma_wait3A_103 = tpu.memref_squeeze %dma_wait3A_102 : memref<1x40x128xi32, #tpu.memory_space<hbm>> -> memref<40x128xi32, #tpu.memory_space<hbm>>
      tpu.wait_dma2 semaphore(%run_scoped3A_92 : memref<!tpu.dma_semaphore, #tpu.memory_space<semaphore_mem>>) src(%dma_wait3A_103 : memref<40x128xi32, #tpu.memory_space<hbm>>) dst(%arg6 : memref<40x128xi32, #tpu.memory_space<vmem>>)
      tpu.yield
    }) : () -> ()
    %dma_start3A_52 = arith.constant 0 : i32
    %dma_start3A_53 = arith.constant 0 : i32
    %dma_start3A_54 = arith.constant 0 : i32
    %dma_start3A_55 = arith.constant 0 : i32
    %dma_start3A_56 = tpu.memref_slice %arg7[%dma_start3A_53, %dma_start3A_54, %dma_start3A_55] : memref<2x128x64xf32, #tpu.memory_space<vmem>> -> memref<1x128x64xf32, #tpu.memory_space<vmem>>
    %dma_start3A_57 = tpu.memref_squeeze %dma_start3A_56 : memref<1x128x64xf32, #tpu.memory_space<vmem>> -> memref<128x64xf32, #tpu.memory_space<vmem>>
    %dma_start3A_58 = arith.constant 0 : i32
    %dma_start3A_59 = tpu.memref_slice %arg5[%dma_start3A_52, %dma_start3A_58] : memref<40x128xi32, #tpu.memory_space<vmem>> -> memref<1x128xi32, #tpu.memory_space<vmem>>
    %dma_start3A_60 = tpu.memref_squeeze %dma_start3A_59 : memref<1x128xi32, #tpu.memory_space<vmem>> -> memref<128xi32, #tpu.memory_space<vmem>>
    %dma_start3A_61 = arith.constant 0 : i32
    %dma_start3A_62 = arith.constant 0 : i32
    %dma_start3A_63 = tpu.memref_slice %arg2[%dma_start3A_61, %dma_start3A_62] : memref<10240x64xf32, #tpu.memory_space<hbm>> -> memref<10240x64xf32, #tpu.memory_space<hbm>>
    tpu.enqueue_indirect_dma source(%dma_start3A_63 : memref<10240x64xf32, #tpu.memory_space<hbm>>) target(%dma_start3A_57 : memref<128x64xf32, #tpu.memory_space<vmem>>) offsets(%dma_start3A_60 : memref<128xi32, #tpu.memory_space<vmem>>) semaphore(%arg9 : memref<!tpu.dma_semaphore, #tpu.memory_space<semaphore_mem>>)
    %scan3A_64 = arith.constant 0 : i32
    %scan3A_65 = arith.constant 0 : i32
    %scan3A_66 = arith.constant 40 : i32
    %scan3A_67 = arith.addi %scan3A_65, %scan3A_66 : i32
    %scan3A_68 = arith.constant 1 : i32
    %scan3A_69 = scf.for %scan3A_92 = %scan3A_65 to %scan3A_67 step %scan3A_68 iter_args(%scan3A_93 = %scan3A_64) -> (i32)  : i32 {
      %dma_wait3A = arith.constant 0 : i32
      %dma_wait3A_94 = arith.constant 0 : i32
      %dma_wait3A_95 = arith.constant 0 : i32
      %dma_wait3A_96 = tpu.memref_slice %arg7[%dma_wait3A, %dma_wait3A_94, %dma_wait3A_95] : memref<2x128x64xf32, #tpu.memory_space<vmem>> -> memref<1x128x64xf32, #tpu.memory_space<vmem>>
      %dma_wait3A_97 = tpu.memref_squeeze %dma_wait3A_96 : memref<1x128x64xf32, #tpu.memory_space<vmem>> -> memref<128x64xf32, #tpu.memory_space<vmem>>
      %dma_wait3A_98 = arith.constant 0 : i32
      %dma_wait3A_99 = arith.constant 0 : i32
      %dma_wait3A_100 = tpu.memref_slice %arg2[%dma_wait3A_98, %dma_wait3A_99] : memref<10240x64xf32, #tpu.memory_space<hbm>> -> memref<128x64xf32, #tpu.memory_space<hbm>>
      %dma_wait3A_101 = arith.constant 0 : i32
      %dma_wait3A_102 = arith.constant 0 : i32
      %dma_wait3A_103 = tpu.memref_slice %arg7[%dma_wait3A, %dma_wait3A_101, %dma_wait3A_102] : memref<2x128x64xf32, #tpu.memory_space<vmem>> -> memref<1x128x64xf32, #tpu.memory_space<vmem>>
      %dma_wait3A_104 = tpu.memref_squeeze %dma_wait3A_103 : memref<1x128x64xf32, #tpu.memory_space<vmem>> -> memref<128x64xf32, #tpu.memory_space<vmem>>
      %dma_wait3A_105 = arith.constant 0 : i32
      %dma_wait3A_106 = arith.constant 0 : i32
      %dma_wait3A_107 = tpu.memref_slice %arg2[%dma_wait3A_105, %dma_wait3A_106] : memref<10240x64xf32, #tpu.memory_space<hbm>> -> memref<128x64xf32, #tpu.memory_space<hbm>>
      tpu.wait_dma2 semaphore(%arg9 : memref<!tpu.dma_semaphore, #tpu.memory_space<semaphore_mem>>) src(%dma_wait3A_107 : memref<128x64xf32, #tpu.memory_space<hbm>>) dst(%dma_wait3A_104 : memref<128x64xf32, #tpu.memory_space<vmem>>)
      %add3A_108 = arith.constant 2 : i32
      %add3A_109 = arith.addi %scan3A_92, %add3A_108 : i32
      %sub3A = arith.constant 1 : i32
      %sub3A_110 = arith.subi %add3A_109, %sub3A : i32
      %lt3A = arith.constant 40 : i32
      %lt3A_111 = arith.cmpi slt, %sub3A_110, %lt3A : i32
      %convert_element_type3A = arith.extui %lt3A_111 : i1 to i32
      %cond3A = arith.constant 0 : i32
      %cond3A_112 = arith.cmpi ne, %convert_element_type3A, %cond3A : i32
      scf.if %cond3A_112 {
        %add3A_124 = arith.constant 2 : i32
        %add3A_125 = arith.addi %scan3A_92, %add3A_124 : i32
        %sub3A_126 = arith.constant 1 : i32
        %sub3A_127 = arith.subi %add3A_125, %sub3A_126 : i32
        %jit3A_128 = arith.constant 2 : i32
        %eq3A_129 = arith.constant 0 : i32
        %eq3A_130 = arith.cmpi eq, %jit3A_128, %eq3A_129 : i32
        %jit3A_131 = arith.constant 1 : i32
        %select_n3A_132 = arith.select %eq3A_130, %jit3A_131, %jit3A_128 : i32
        %rem3A_133 = arith.remsi %sub3A_127, %select_n3A_132 : i32
        %ne3A_134 = arith.constant 0 : i32
        %ne3A_135 = arith.cmpi ne, %rem3A_133, %ne3A_134 : i32
        %lt3A_136 = arith.constant 0 : i32
        %lt3A_137 = arith.cmpi slt, %rem3A_133, %lt3A_136 : i32
        %lt3A_138 = arith.constant 0 : i32
        %lt3A_139 = arith.cmpi slt, %select_n3A_132, %lt3A_138 : i32
        %ne3A_140 = arith.xori %lt3A_137, %lt3A_139 : i1
        %and3A_141 = arith.andi %ne3A_140, %ne3A_135 : i1
        %add3A_142 = arith.addi %rem3A_133, %select_n3A_132 : i32
        %select_n3A_143 = arith.select %and3A_141, %add3A_142, %rem3A_133 : i32
        %dma_start3A_144 = arith.constant 0 : i32
        %dma_start3A_145 = arith.constant 0 : i32
        %dma_start3A_146 = tpu.memref_slice %arg7[%select_n3A_143, %dma_start3A_144, %dma_start3A_145] : memref<2x128x64xf32, #tpu.memory_space<vmem>> -> memref<1x128x64xf32, #tpu.memory_space<vmem>>
        %dma_start3A_147 = tpu.memref_squeeze %dma_start3A_146 : memref<1x128x64xf32, #tpu.memory_space<vmem>> -> memref<128x64xf32, #tpu.memory_space<vmem>>
        %dma_start3A_148 = arith.constant 0 : i32
        %dma_start3A_149 = tpu.memref_slice %arg5[%sub3A_127, %dma_start3A_148] : memref<40x128xi32, #tpu.memory_space<vmem>> -> memref<1x128xi32, #tpu.memory_space<vmem>>
        %dma_start3A_150 = tpu.memref_squeeze %dma_start3A_149 : memref<1x128xi32, #tpu.memory_space<vmem>> -> memref<128xi32, #tpu.memory_space<vmem>>
        %dma_start3A_151 = arith.constant 0 : i32
        %dma_start3A_152 = arith.constant 0 : i32
        %dma_start3A_153 = tpu.memref_slice %arg2[%dma_start3A_151, %dma_start3A_152] : memref<10240x64xf32, #tpu.memory_space<hbm>> -> memref<10240x64xf32, #tpu.memory_space<hbm>>
        tpu.enqueue_indirect_dma source(%dma_start3A_153 : memref<10240x64xf32, #tpu.memory_space<hbm>>) target(%dma_start3A_147 : memref<128x64xf32, #tpu.memory_space<vmem>>) offsets(%dma_start3A_150 : memref<128xi32, #tpu.memory_space<vmem>>) semaphore(%arg9 : memref<!tpu.dma_semaphore, #tpu.memory_space<semaphore_mem>>)
      } else {
      }
      %jit3A = arith.constant 2 : i32
      %eq3A = arith.constant 0 : i32
      %eq3A_113 = arith.cmpi eq, %jit3A, %eq3A : i32
      %jit3A_114 = arith.constant 1 : i32
      %select_n3A = arith.select %eq3A_113, %jit3A_114, %jit3A : i32
      %rem3A = arith.remsi %scan3A_92, %select_n3A : i32
      %ne3A = arith.constant 0 : i32
      %ne3A_115 = arith.cmpi ne, %rem3A, %ne3A : i32
      %lt3A_116 = arith.constant 0 : i32
      %lt3A_117 = arith.cmpi slt, %rem3A, %lt3A_116 : i32
      %lt3A_118 = arith.constant 0 : i32
      %lt3A_119 = arith.cmpi slt, %select_n3A, %lt3A_118 : i32
      %ne3A_120 = arith.xori %lt3A_117, %lt3A_119 : i1
      %and3A = arith.andi %ne3A_120, %ne3A_115 : i1
      %add3A_121 = arith.addi %rem3A, %select_n3A : i32
      %select_n3A_122 = arith.select %and3A, %add3A_121, %rem3A : i32
      "tpu.region"() ({
        %run_scoped3A_124 = tpu.sem_alloc : memref<!tpu.dma_semaphore, #tpu.memory_space<semaphore_mem>>
        %dma_start3A_125 = arith.constant 0 : i32
        %dma_start3A_126 = arith.constant 0 : i32
        %dma_start3A_127 = tpu.memref_slice %arg7[%select_n3A_122, %dma_start3A_125, %dma_start3A_126] : memref<2x128x64xf32, #tpu.memory_space<vmem>> -> memref<1x128x64xf32, #tpu.memory_space<vmem>>
        %dma_start3A_128 = tpu.memref_squeeze %dma_start3A_127 : memref<1x128x64xf32, #tpu.memory_space<vmem>> -> memref<128x64xf32, #tpu.memory_space<vmem>>
        %dma_start3A_129 = arith.constant 0 : i32
        %dma_start3A_130 = tpu.memref_slice %arg6[%scan3A_92, %dma_start3A_129] : memref<40x128xi32, #tpu.memory_space<vmem>> -> memref<1x128xi32, #tpu.memory_space<vmem>>
        %dma_start3A_131 = tpu.memref_squeeze %dma_start3A_130 : memref<1x128xi32, #tpu.memory_space<vmem>> -> memref<128xi32, #tpu.memory_space<vmem>>
        %dma_start3A_132 = arith.constant 0 : i32
        %dma_start3A_133 = arith.constant 0 : i32
        %dma_start3A_134 = tpu.memref_slice %arg8[%dma_start3A_132, %dma_start3A_133] : memref<10240x64xf32, #tpu.memory_space<vmem_shared>> -> memref<10240x64xf32, #tpu.memory_space<vmem_shared>>
        tpu.enqueue_indirect_dma source(%dma_start3A_128 : memref<128x64xf32, #tpu.memory_space<vmem>>) target(%dma_start3A_134 : memref<10240x64xf32, #tpu.memory_space<vmem_shared>>) offsets(%dma_start3A_131 : memref<128xi32, #tpu.memory_space<vmem>>) semaphore(%run_scoped3A_124 : memref<!tpu.dma_semaphore, #tpu.memory_space<semaphore_mem>>) {add = true}
        %dma_wait3A_135 = arith.constant 0 : i32
        %dma_wait3A_136 = arith.constant 0 : i32
        %dma_wait3A_137 = tpu.memref_slice %arg7[%select_n3A_122, %dma_wait3A_135, %dma_wait3A_136] : memref<2x128x64xf32, #tpu.memory_space<vmem>> -> memref<1x128x64xf32, #tpu.memory_space<vmem>>
        %dma_wait3A_138 = tpu.memref_squeeze %dma_wait3A_137 : memref<1x128x64xf32, #tpu.memory_space<vmem>> -> memref<128x64xf32, #tpu.memory_space<vmem>>
        %dma_wait3A_139 = arith.constant 0 : i32
        %dma_wait3A_140 = tpu.memref_slice %arg6[%scan3A_92, %dma_wait3A_139] : memref<40x128xi32, #tpu.memory_space<vmem>> -> memref<1x128xi32, #tpu.memory_space<vmem>>
        %dma_wait3A_141 = tpu.memref_squeeze %dma_wait3A_140 : memref<1x128xi32, #tpu.memory_space<vmem>> -> memref<128xi32, #tpu.memory_space<vmem>>
        %dma_wait3A_142 = arith.constant 0 : i32
        %dma_wait3A_143 = arith.constant 0 : i32
        %dma_wait3A_144 = tpu.memref_slice %arg8[%dma_wait3A_142, %dma_wait3A_143] : memref<10240x64xf32, #tpu.memory_space<vmem_shared>> -> memref<10240x64xf32, #tpu.memory_space<vmem_shared>>
        tpu.wait_indirect_dma semaphore(%run_scoped3A_124 : memref<!tpu.dma_semaphore, #tpu.memory_space<semaphore_mem>>) src(%dma_wait3A_138 : memref<128x64xf32, #tpu.memory_space<vmem>>) dst(%dma_wait3A_144 : memref<10240x64xf32, #tpu.memory_space<vmem_shared>>)
        tpu.yield
      }) : () -> ()
      %scan3A_123 = arith.constant 0 : i32
      scf.yield %scan3A_123 : i32
    }
    %scan3A_70 = arith.constant 40 : i32
    %barrier3A_71 = arith.constant 0 : index
    tpu.barrier barrier_id(%barrier3A_71)
    %add3A_72 = arith.constant 0 : i32
    %add3A_73 = arith.addi %mul3A_11, %add3A_72 : i32
    %add3A_74 = arith.constant 0 : i32
    %add3A_75 = arith.addi %mul3A_11, %add3A_74 : i32
    "tpu.region"() ({
      %run_scoped3A_92 = tpu.sem_alloc : memref<!tpu.dma_semaphore, #tpu.memory_space<semaphore_mem>>
      %dma_start3A_93 = arith.constant 0 : i32
      %dma_start3A_94 = tpu.memref_slice %arg4[%arg0, %add3A_75, %dma_start3A_93] : memref<2x10240x64xf32, #tpu.memory_space<hbm>> -> memref<1x128x64xf32, #tpu.memory_space<hbm>>
      %dma_start3A_95 = tpu.memref_squeeze %dma_start3A_94 : memref<1x128x64xf32, #tpu.memory_space<hbm>> -> memref<128x64xf32, #tpu.memory_space<hbm>>
      %dma_start3A_96 = arith.constant 0 : i32
      %dma_start3A_97 = tpu.memref_slice %arg8[%add3A_73, %dma_start3A_96] : memref<10240x64xf32, #tpu.memory_space<vmem_shared>> -> memref<128x64xf32, #tpu.memory_space<vmem_shared>>
      tpu.enqueue_dma source(%dma_start3A_97 : memref<128x64xf32, #tpu.memory_space<vmem_shared>>) target(%dma_start3A_95 : memref<128x64xf32, #tpu.memory_space<hbm>>) target_semaphore(%run_scoped3A_92 : memref<!tpu.dma_semaphore, #tpu.memory_space<semaphore_mem>>)
      %dma_wait3A = arith.constant 0 : i32
      %dma_wait3A_98 = tpu.memref_slice %arg4[%arg0, %add3A_75, %dma_wait3A] : memref<2x10240x64xf32, #tpu.memory_space<hbm>> -> memref<1x128x64xf32, #tpu.memory_space<hbm>>
      %dma_wait3A_99 = tpu.memref_squeeze %dma_wait3A_98 : memref<1x128x64xf32, #tpu.memory_space<hbm>> -> memref<128x64xf32, #tpu.memory_space<hbm>>
      %dma_wait3A_100 = arith.constant 0 : i32
      %dma_wait3A_101 = tpu.memref_slice %arg8[%add3A_73, %dma_wait3A_100] : memref<10240x64xf32, #tpu.memory_space<vmem_shared>> -> memref<128x64xf32, #tpu.memory_space<vmem_shared>>
      tpu.wait_dma2 semaphore(%run_scoped3A_92 : memref<!tpu.dma_semaphore, #tpu.memory_space<semaphore_mem>>) src(%dma_wait3A_101 : memref<128x64xf32, #tpu.memory_space<vmem_shared>>) dst(%dma_wait3A_99 : memref<128x64xf32, #tpu.memory_space<hbm>>)
      tpu.yield
    }) : () -> ()
    %add3A_76 = arith.constant 128 : i32
    %add3A_77 = arith.addi %mul3A_11, %add3A_76 : i32
    %add3A_78 = arith.constant 128 : i32
    %add3A_79 = arith.addi %mul3A_11, %add3A_78 : i32
    "tpu.region"() ({
      %run_scoped3A_92 = tpu.sem_alloc : memref<!tpu.dma_semaphore, #tpu.memory_space<semaphore_mem>>
      %dma_start3A_93 = arith.constant 0 : i32
      %dma_start3A_94 = tpu.memref_slice %arg4[%arg0, %add3A_79, %dma_start3A_93] : memref<2x10240x64xf32, #tpu.memory_space<hbm>> -> memref<1x128x64xf32, #tpu.memory_space<hbm>>
      %dma_start3A_95 = tpu.memref_squeeze %dma_start3A_94 : memref<1x128x64xf32, #tpu.memory_space<hbm>> -> memref<128x64xf32, #tpu.memory_space<hbm>>
      %dma_start3A_96 = arith.constant 0 : i32
      %dma_start3A_97 = tpu.memref_slice %arg8[%add3A_77, %dma_start3A_96] : memref<10240x64xf32, #tpu.memory_space<vmem_shared>> -> memref<128x64xf32, #tpu.memory_space<vmem_shared>>
      tpu.enqueue_dma source(%dma_start3A_97 : memref<128x64xf32, #tpu.memory_space<vmem_shared>>) target(%dma_start3A_95 : memref<128x64xf32, #tpu.memory_space<hbm>>) target_semaphore(%run_scoped3A_92 : memref<!tpu.dma_semaphore, #tpu.memory_space<semaphore_mem>>)
      %dma_wait3A = arith.constant 0 : i32
      %dma_wait3A_98 = tpu.memref_slice %arg4[%arg0, %add3A_79, %dma_wait3A] : memref<2x10240x64xf32, #tpu.memory_space<hbm>> -> memref<1x128x64xf32, #tpu.memory_space<hbm>>
      %dma_wait3A_99 = tpu.memref_squeeze %dma_wait3A_98 : memref<1x128x64xf32, #tpu.memory_space<hbm>> -> memref<128x64xf32, #tpu.memory_space<hbm>>
      %dma_wait3A_100 = arith.constant 0 : i32
      %dma_wait3A_101 = tpu.memref_slice %arg8[%add3A_77, %dma_wait3A_100] : memref<10240x64xf32, #tpu.memory_space<vmem_shared>> -> memref<128x64xf32, #tpu.memory_space<vmem_shared>>
      tpu.wait_dma2 semaphore(%run_scoped3A_92 : memref<!tpu.dma_semaphore, #tpu.memory_space<semaphore_mem>>) src(%dma_wait3A_101 : memref<128x64xf32, #tpu.memory_space<vmem_shared>>) dst(%dma_wait3A_99 : memref<128x64xf32, #tpu.memory_space<hbm>>)
      tpu.yield
    }) : () -> ()
    %add3A_80 = arith.constant 256 : i32
    %add3A_81 = arith.addi %mul3A_11, %add3A_80 : i32
    %add3A_82 = arith.constant 256 : i32
    %add3A_83 = arith.addi %mul3A_11, %add3A_82 : i32
    "tpu.region"() ({
      %run_scoped3A_92 = tpu.sem_alloc : memref<!tpu.dma_semaphore, #tpu.memory_space<semaphore_mem>>
      %dma_start3A_93 = arith.constant 0 : i32
      %dma_start3A_94 = tpu.memref_slice %arg4[%arg0, %add3A_83, %dma_start3A_93] : memref<2x10240x64xf32, #tpu.memory_space<hbm>> -> memref<1x128x64xf32, #tpu.memory_space<hbm>>
      %dma_start3A_95 = tpu.memref_squeeze %dma_start3A_94 : memref<1x128x64xf32, #tpu.memory_space<hbm>> -> memref<128x64xf32, #tpu.memory_space<hbm>>
      %dma_start3A_96 = arith.constant 0 : i32
      %dma_start3A_97 = tpu.memref_slice %arg8[%add3A_81, %dma_start3A_96] : memref<10240x64xf32, #tpu.memory_space<vmem_shared>> -> memref<128x64xf32, #tpu.memory_space<vmem_shared>>
      tpu.enqueue_dma source(%dma_start3A_97 : memref<128x64xf32, #tpu.memory_space<vmem_shared>>) target(%dma_start3A_95 : memref<128x64xf32, #tpu.memory_space<hbm>>) target_semaphore(%run_scoped3A_92 : memref<!tpu.dma_semaphore, #tpu.memory_space<semaphore_mem>>)
      %dma_wait3A = arith.constant 0 : i32
      %dma_wait3A_98 = tpu.memref_slice %arg4[%arg0, %add3A_83, %dma_wait3A] : memref<2x10240x64xf32, #tpu.memory_space<hbm>> -> memref<1x128x64xf32, #tpu.memory_space<hbm>>
      %dma_wait3A_99 = tpu.memref_squeeze %dma_wait3A_98 : memref<1x128x64xf32, #tpu.memory_space<hbm>> -> memref<128x64xf32, #tpu.memory_space<hbm>>
      %dma_wait3A_100 = arith.constant 0 : i32
      %dma_wait3A_101 = tpu.memref_slice %arg8[%add3A_81, %dma_wait3A_100] : memref<10240x64xf32, #tpu.memory_space<vmem_shared>> -> memref<128x64xf32, #tpu.memory_space<vmem_shared>>
      tpu.wait_dma2 semaphore(%run_scoped3A_92 : memref<!tpu.dma_semaphore, #tpu.memory_space<semaphore_mem>>) src(%dma_wait3A_101 : memref<128x64xf32, #tpu.memory_space<vmem_shared>>) dst(%dma_wait3A_99 : memref<128x64xf32, #tpu.memory_space<hbm>>)
      tpu.yield
    }) : () -> ()
    %add3A_84 = arith.constant 384 : i32
    %add3A_85 = arith.addi %mul3A_11, %add3A_84 : i32
    %add3A_86 = arith.constant 384 : i32
    %add3A_87 = arith.addi %mul3A_11, %add3A_86 : i32
    "tpu.region"() ({
      %run_scoped3A_92 = tpu.sem_alloc : memref<!tpu.dma_semaphore, #tpu.memory_space<semaphore_mem>>
      %dma_start3A_93 = arith.constant 0 : i32
      %dma_start3A_94 = tpu.memref_slice %arg4[%arg0, %add3A_87, %dma_start3A_93] : memref<2x10240x64xf32, #tpu.memory_space<hbm>> -> memref<1x128x64xf32, #tpu.memory_space<hbm>>
      %dma_start3A_95 = tpu.memref_squeeze %dma_start3A_94 : memref<1x128x64xf32, #tpu.memory_space<hbm>> -> memref<128x64xf32, #tpu.memory_space<hbm>>
      %dma_start3A_96 = arith.constant 0 : i32
      %dma_start3A_97 = tpu.memref_slice %arg8[%add3A_85, %dma_start3A_96] : memref<10240x64xf32, #tpu.memory_space<vmem_shared>> -> memref<128x64xf32, #tpu.memory_space<vmem_shared>>
      tpu.enqueue_dma source(%dma_start3A_97 : memref<128x64xf32, #tpu.memory_space<vmem_shared>>) target(%dma_start3A_95 : memref<128x64xf32, #tpu.memory_space<hbm>>) target_semaphore(%run_scoped3A_92 : memref<!tpu.dma_semaphore, #tpu.memory_space<semaphore_mem>>)
      %dma_wait3A = arith.constant 0 : i32
      %dma_wait3A_98 = tpu.memref_slice %arg4[%arg0, %add3A_87, %dma_wait3A] : memref<2x10240x64xf32, #tpu.memory_space<hbm>> -> memref<1x128x64xf32, #tpu.memory_space<hbm>>
      %dma_wait3A_99 = tpu.memref_squeeze %dma_wait3A_98 : memref<1x128x64xf32, #tpu.memory_space<hbm>> -> memref<128x64xf32, #tpu.memory_space<hbm>>
      %dma_wait3A_100 = arith.constant 0 : i32
      %dma_wait3A_101 = tpu.memref_slice %arg8[%add3A_85, %dma_wait3A_100] : memref<10240x64xf32, #tpu.memory_space<vmem_shared>> -> memref<128x64xf32, #tpu.memory_space<vmem_shared>>
      tpu.wait_dma2 semaphore(%run_scoped3A_92 : memref<!tpu.dma_semaphore, #tpu.memory_space<semaphore_mem>>) src(%dma_wait3A_101 : memref<128x64xf32, #tpu.memory_space<vmem_shared>>) dst(%dma_wait3A_99 : memref<128x64xf32, #tpu.memory_space<hbm>>)
      tpu.yield
    }) : () -> ()
    %add3A_88 = arith.constant 512 : i32
    %add3A_89 = arith.addi %mul3A_11, %add3A_88 : i32
    %add3A_90 = arith.constant 512 : i32
    %add3A_91 = arith.addi %mul3A_11, %add3A_90 : i32
    "tpu.region"() ({
      %run_scoped3A_92 = tpu.sem_alloc : memref<!tpu.dma_semaphore, #tpu.memory_space<semaphore_mem>>
      %dma_start3A_93 = arith.constant 0 : i32
      %dma_start3A_94 = tpu.memref_slice %arg4[%arg0, %add3A_91, %dma_start3A_93] : memref<2x10240x64xf32, #tpu.memory_space<hbm>> -> memref<1x128x64xf32, #tpu.memory_space<hbm>>
      %dma_start3A_95 = tpu.memref_squeeze %dma_start3A_94 : memref<1x128x64xf32, #tpu.memory_space<hbm>> -> memref<128x64xf32, #tpu.memory_space<hbm>>
      %dma_start3A_96 = arith.constant 0 : i32
      %dma_start3A_97 = tpu.memref_slice %arg8[%add3A_89, %dma_start3A_96] : memref<10240x64xf32, #tpu.memory_space<vmem_shared>> -> memref<128x64xf32, #tpu.memory_space<vmem_shared>>
      tpu.enqueue_dma source(%dma_start3A_97 : memref<128x64xf32, #tpu.memory_space<vmem_shared>>) target(%dma_start3A_95 : memref<128x64xf32, #tpu.memory_space<hbm>>) target_semaphore(%run_scoped3A_92 : memref<!tpu.dma_semaphore, #tpu.memory_space<semaphore_mem>>)
      %dma_wait3A = arith.constant 0 : i32
      %dma_wait3A_98 = tpu.memref_slice %arg4[%arg0, %add3A_91, %dma_wait3A] : memref<2x10240x64xf32, #tpu.memory_space<hbm>> -> memref<1x128x64xf32, #tpu.memory_space<hbm>>
      %dma_wait3A_99 = tpu.memref_squeeze %dma_wait3A_98 : memref<1x128x64xf32, #tpu.memory_space<hbm>> -> memref<128x64xf32, #tpu.memory_space<hbm>>
      %dma_wait3A_100 = arith.constant 0 : i32
      %dma_wait3A_101 = tpu.memref_slice %arg8[%add3A_89, %dma_wait3A_100] : memref<10240x64xf32, #tpu.memory_space<vmem_shared>> -> memref<128x64xf32, #tpu.memory_space<vmem_shared>>
      tpu.wait_dma2 semaphore(%run_scoped3A_92 : memref<!tpu.dma_semaphore, #tpu.memory_space<semaphore_mem>>) src(%dma_wait3A_101 : memref<128x64xf32, #tpu.memory_space<vmem_shared>>) dst(%dma_wait3A_99 : memref<128x64xf32, #tpu.memory_space<hbm>>)
      tpu.yield
    }) : () -> ()
    return
  }
}

module attributes {stable_mosaic.version = 14 : i64} {
  func.func @body(%arg0: i32, %arg1: memref<32x1280xf32, #tpu.memory_space<vmem>>, %arg2: memref<1280x128xf32, #tpu.memory_space<vmem>>, %arg3: memref<128x128xf32, #tpu.memory_space<vmem>>, %arg4: memref<1280x128xf32, #tpu.memory_space<vmem>>) attributes {dimension_semantics = [#tpu.dimension_semantics<arbitrary>], iteration_bounds = array<i64: 8>, scalar_prefetch = 0 : i64, scratch_operands = 0 : i64, tpu.core_type = #tpu.core_type<tc>, window_params = [{transform_indices = @transform_0, window_bounds = array<i64: 32, 1280>}, {transform_indices = @transform_1, window_bounds = array<i64: 1280, 128>}, {pipeline_mode = #tpu.pipeline_mode<synchronous>, transform_indices = @transform_2, window_bounds = array<i64: 128, 128>}, {transform_indices = @transform_3, window_bounds = array<i64: 1280, 128>}]} {
    %get3A = arith.constant 0 : index
    %get3A_0 = arith.constant 0 : index
    %get3A_1 = vector.load %arg1[%get3A, %get3A_0] : memref<32x1280xf32, #tpu.memory_space<vmem>>, vector<32x1280xf32>
    %reduce_sum3A = arith.constant dense<0.000000e+00> : vector<1280xf32>
    %reduce_sum3A_2 = vector.multi_reduction <add>, %get3A_1, %reduce_sum3A [0] : vector<32x1280xf32> to vector<1280xf32>
    %add3A = arith.constant 1.000000e+00 : f32
    %add3A_3 = vector.broadcast %add3A : f32 to vector<1280xf32>
    %add3A_4 = arith.addf %reduce_sum3A_2, %add3A_3 : vector<1280xf32>
    %rsqrt3A = math.rsqrt %add3A_4 : vector<1280xf32>
    %get3A_5 = arith.constant 0 : index
    %get3A_6 = arith.constant 0 : index
    %get3A_7 = vector.load %arg2[%get3A_5, %get3A_6] : memref<1280x128xf32, #tpu.memory_space<vmem>>, vector<1280x128xf32>
    %get3A_8 = arith.constant 0 : index
    %get3A_9 = arith.constant 0 : index
    %get3A_10 = vector.load %arg3[%get3A_8, %get3A_9] : memref<128x128xf32, #tpu.memory_space<vmem>>, vector<128x128xf32>
    %dot_general3A = arith.constant dense<0.000000e+00> : vector<1280x128xf32>
    %dot_general3A_11 = tpu.matmul %get3A_7, %get3A_10, %dot_general3A {dimension_numbers = #tpu.dot_dimension_numbers<[1], [0], [0], [1], [0, 0, 1, 1], [], []>, transpose_lhs_hint = false} : vector<1280x128xf32>, vector<128x128xf32>, vector<1280x128xf32> -> vector<1280x128xf32>
    %broadcast_in_dim3A = vector.shape_cast %rsqrt3A : vector<1280xf32> to vector<1280x1xf32>
    %mul3A = vector.broadcast %broadcast_in_dim3A : vector<1280x1xf32> to vector<1280x128xf32>
    %mul3A_12 = arith.mulf %dot_general3A_11, %mul3A : vector<1280x128xf32>
    %swap3A = arith.constant 0 : index
    %swap3A_13 = arith.constant 0 : index
    %swap3A_14 = vector.load %arg4[%swap3A, %swap3A_13] : memref<1280x128xf32, #tpu.memory_space<vmem>>, vector<1280x128xf32>
    tpu.vector_store %arg4[%swap3A, %swap3A_13], %mul3A_12 {strides = array<i32>} : memref<1280x128xf32, #tpu.memory_space<vmem>>, vector<1280x128xf32>,
    return
  }
  func.func @transform_0(%arg0: i32) -> (i32, i32) {
    %c0_i32 = arith.constant 0 : i32
    %c0_i32_0 = arith.constant 0 : i32
    return %c0_i32, %arg0 : i32, i32
  }
  func.func @transform_1(%arg0: i32) -> (i32, i32) {
    %c0_i32 = arith.constant 0 : i32
    %c0_i32_0 = arith.constant 0 : i32
    return %arg0, %c0_i32 : i32, i32
  }
  func.func @transform_2(%arg0: i32) -> (i32, i32) {
    %c0_i32 = arith.constant 0 : i32
    %c0_i32_0 = arith.constant 0 : i32
    %c0_i32_1 = arith.constant 0 : i32
    return %c0_i32, %c0_i32_0 : i32, i32
  }
  func.func @transform_3(%arg0: i32) -> (i32, i32) {
    %c0_i32 = arith.constant 0 : i32
    %c0_i32_0 = arith.constant 0 : i32
    return %arg0, %c0_i32 : i32, i32
  }
}

module attributes {stable_mosaic.version = 14 : i64} {
  func.func @body(%arg0: i32, %arg1: memref<32x1280xf32, #tpu.memory_space<vmem>>, %arg2: memref<2x1280x128xf32, #tpu.memory_space<vmem>>, %arg3: memref<1280x128xf32, #tpu.memory_space<vmem>>, %arg4: memref<1x128xf32, #tpu.memory_space<vmem>>, %arg5: memref<128x64xf32, #tpu.memory_space<vmem>>, %arg6: memref<1280x64xf32, #tpu.memory_space<vmem>>) attributes {dimension_semantics = [#tpu.dimension_semantics<arbitrary>], iteration_bounds = array<i64: 8>, scalar_prefetch = 0 : i64, scratch_operands = 0 : i64, tpu.core_type = #tpu.core_type<tc>, window_params = [{transform_indices = @transform_0, window_bounds = array<i64: 32, 1280>}, {transform_indices = @transform_1, window_bounds = array<i64: 2, 1280, 128>}, {transform_indices = @transform_2, window_bounds = array<i64: 1280, 128>}, {pipeline_mode = #tpu.pipeline_mode<synchronous>, transform_indices = @transform_3, window_bounds = array<i64: 1, 128>}, {pipeline_mode = #tpu.pipeline_mode<synchronous>, transform_indices = @transform_4, window_bounds = array<i64: 128, 64>}, {transform_indices = @transform_5, window_bounds = array<i64: 1280, 64>}]} {
    %get3A = arith.constant 0 : index
    %get3A_0 = arith.constant 0 : index
    %get3A_1 = vector.load %arg1[%get3A, %get3A_0] : memref<32x1280xf32, #tpu.memory_space<vmem>>, vector<32x1280xf32>
    %reduce_sum3A = arith.constant dense<0.000000e+00> : vector<1280xf32>
    %reduce_sum3A_2 = vector.multi_reduction <add>, %get3A_1, %reduce_sum3A [0] : vector<32x1280xf32> to vector<1280xf32>
    %add3A = arith.constant 1.000000e+00 : f32
    %add3A_3 = vector.broadcast %add3A : f32 to vector<1280xf32>
    %add3A_4 = arith.addf %reduce_sum3A_2, %add3A_3 : vector<1280xf32>
    %rsqrt3A = math.rsqrt %add3A_4 : vector<1280xf32>
    %get3A_5 = arith.constant 0 : index
    %get3A_6 = arith.constant 0 : index
    %get3A_7 = arith.constant 0 : index
    %get3A_8 = vector.load %arg2[%get3A_5, %get3A_6, %get3A_7] : memref<2x1280x128xf32, #tpu.memory_space<vmem>>, vector<1x1280x128xf32>
    %get3A_9 = vector.shape_cast %get3A_8 : vector<1x1280x128xf32> to vector<1280x128xf32>
    %get3A_10 = arith.constant 1 : index
    %get3A_11 = arith.constant 0 : index
    %get3A_12 = arith.constant 0 : index
    %get3A_13 = vector.load %arg2[%get3A_10, %get3A_11, %get3A_12] : memref<2x1280x128xf32, #tpu.memory_space<vmem>>, vector<1x1280x128xf32>
    %get3A_14 = vector.shape_cast %get3A_13 : vector<1x1280x128xf32> to vector<1280x128xf32>
    %add3A_15 = arith.addf %get3A_9, %get3A_14 : vector<1280x128xf32>
    %get3A_16 = arith.constant 0 : index
    %get3A_17 = arith.constant 0 : index
    %get3A_18 = vector.load %arg3[%get3A_16, %get3A_17] : memref<1280x128xf32, #tpu.memory_space<vmem>>, vector<1280x128xf32>
    %add3A_19 = arith.addf %add3A_15, %get3A_18 : vector<1280x128xf32>
    %broadcast_in_dim3A = vector.shape_cast %rsqrt3A : vector<1280xf32> to vector<1280x1xf32>
    %mul3A = vector.broadcast %broadcast_in_dim3A : vector<1280x1xf32> to vector<1280x128xf32>
    %mul3A_20 = arith.mulf %add3A_19, %mul3A : vector<1280x128xf32>
    %get3A_21 = arith.constant 0 : index
    %get3A_22 = arith.constant 0 : index
    %get3A_23 = vector.load %arg4[%get3A_21, %get3A_22] : memref<1x128xf32, #tpu.memory_space<vmem>>, vector<1x128xf32>
    %add3A_24 = vector.broadcast %get3A_23 : vector<1x128xf32> to vector<1280x128xf32>
    %add3A_25 = arith.addf %mul3A_20, %add3A_24 : vector<1280x128xf32>
    %max3A = arith.constant 0.000000e+00 : f32
    %max3A_26 = vector.broadcast %max3A : f32 to vector<1280x128xf32>
    %max3A_27 = arith.maximumf %add3A_25, %max3A_26 : vector<1280x128xf32>
    %get3A_28 = arith.constant 0 : index
    %get3A_29 = arith.constant 0 : index
    %get3A_30 = vector.load %arg5[%get3A_28, %get3A_29] : memref<128x64xf32, #tpu.memory_space<vmem>>, vector<128x64xf32>
    %dot_general3A = arith.constant dense<0.000000e+00> : vector<1280x64xf32>
    %dot_general3A_31 = tpu.matmul %max3A_27, %get3A_30, %dot_general3A {dimension_numbers = #tpu.dot_dimension_numbers<[1], [0], [0], [1], [0, 0, 1, 1], [], []>, transpose_lhs_hint = false} : vector<1280x128xf32>, vector<128x64xf32>, vector<1280x64xf32> -> vector<1280x64xf32>
    %broadcast_in_dim3A_32 = vector.shape_cast %rsqrt3A : vector<1280xf32> to vector<1280x1xf32>
    %mul3A_33 = vector.broadcast %broadcast_in_dim3A_32 : vector<1280x1xf32> to vector<1280x64xf32>
    %mul3A_34 = arith.mulf %dot_general3A_31, %mul3A_33 : vector<1280x64xf32>
    %swap3A = arith.constant 0 : index
    %swap3A_35 = arith.constant 0 : index
    %swap3A_36 = vector.load %arg6[%swap3A, %swap3A_35] : memref<1280x64xf32, #tpu.memory_space<vmem>>, vector<1280x64xf32>
    tpu.vector_store %arg6[%swap3A, %swap3A_35], %mul3A_34 {strides = array<i32>} : memref<1280x64xf32, #tpu.memory_space<vmem>>, vector<1280x64xf32>,
    return
  }
  func.func @transform_0(%arg0: i32) -> (i32, i32) {
    %c0_i32 = arith.constant 0 : i32
    %c0_i32_0 = arith.constant 0 : i32
    return %c0_i32, %arg0 : i32, i32
  }
  func.func @transform_1(%arg0: i32) -> (i32, i32, i32) {
    %c0_i32 = arith.constant 0 : i32
    %c0_i32_0 = arith.constant 0 : i32
    %c0_i32_1 = arith.constant 0 : i32
    return %c0_i32, %arg0, %c0_i32_0 : i32, i32, i32
  }
  func.func @transform_2(%arg0: i32) -> (i32, i32) {
    %c0_i32 = arith.constant 0 : i32
    %c0_i32_0 = arith.constant 0 : i32
    return %arg0, %c0_i32 : i32, i32
  }
  func.func @transform_3(%arg0: i32) -> (i32, i32) {
    %c0_i32 = arith.constant 0 : i32
    %c0_i32_0 = arith.constant 0 : i32
    %c0_i32_1 = arith.constant 0 : i32
    return %c0_i32, %c0_i32_0 : i32, i32
  }
  func.func @transform_4(%arg0: i32) -> (i32, i32) {
    %c0_i32 = arith.constant 0 : i32
    %c0_i32_0 = arith.constant 0 : i32
    %c0_i32_1 = arith.constant 0 : i32
    return %c0_i32, %c0_i32_0 : i32, i32
  }
  func.func @transform_5(%arg0: i32) -> (i32, i32) {
    %c0_i32 = arith.constant 0 : i32
    %c0_i32_0 = arith.constant 0 : i32
    return %arg0, %c0_i32 : i32, i32
  }
}

module attributes {stable_mosaic.version = 14 : i64} {
  func.func @body(%arg0: i32, %arg1: memref<32x1280xf32, #tpu.memory_space<vmem>>, %arg2: memref<2x1280x64xf32, #tpu.memory_space<vmem>>, %arg3: memref<1280x64xf32, #tpu.memory_space<vmem>>, %arg4: memref<1x64xf32, #tpu.memory_space<vmem>>, %arg5: memref<1280x64xf32, #tpu.memory_space<vmem>>) attributes {dimension_semantics = [#tpu.dimension_semantics<arbitrary>], iteration_bounds = array<i64: 8>, scalar_prefetch = 0 : i64, scratch_operands = 0 : i64, tpu.core_type = #tpu.core_type<tc>, window_params = [{transform_indices = @transform_0, window_bounds = array<i64: 32, 1280>}, {transform_indices = @transform_1, window_bounds = array<i64: 2, 1280, 64>}, {transform_indices = @transform_2, window_bounds = array<i64: 1280, 64>}, {pipeline_mode = #tpu.pipeline_mode<synchronous>, transform_indices = @transform_3, window_bounds = array<i64: 1, 64>}, {transform_indices = @transform_4, window_bounds = array<i64: 1280, 64>}]} {
    %get3A = arith.constant 0 : index
    %get3A_0 = arith.constant 0 : index
    %get3A_1 = vector.load %arg1[%get3A, %get3A_0] : memref<32x1280xf32, #tpu.memory_space<vmem>>, vector<32x1280xf32>
    %reduce_sum3A = arith.constant dense<0.000000e+00> : vector<1280xf32>
    %reduce_sum3A_2 = vector.multi_reduction <add>, %get3A_1, %reduce_sum3A [0] : vector<32x1280xf32> to vector<1280xf32>
    %add3A = arith.constant 1.000000e+00 : f32
    %add3A_3 = vector.broadcast %add3A : f32 to vector<1280xf32>
    %add3A_4 = arith.addf %reduce_sum3A_2, %add3A_3 : vector<1280xf32>
    %rsqrt3A = math.rsqrt %add3A_4 : vector<1280xf32>
    %get3A_5 = arith.constant 0 : index
    %get3A_6 = arith.constant 0 : index
    %get3A_7 = arith.constant 0 : index
    %get3A_8 = vector.load %arg2[%get3A_5, %get3A_6, %get3A_7] : memref<2x1280x64xf32, #tpu.memory_space<vmem>>, vector<1x1280x64xf32>
    %get3A_9 = vector.shape_cast %get3A_8 : vector<1x1280x64xf32> to vector<1280x64xf32>
    %get3A_10 = arith.constant 1 : index
    %get3A_11 = arith.constant 0 : index
    %get3A_12 = arith.constant 0 : index
    %get3A_13 = vector.load %arg2[%get3A_10, %get3A_11, %get3A_12] : memref<2x1280x64xf32, #tpu.memory_space<vmem>>, vector<1x1280x64xf32>
    %get3A_14 = vector.shape_cast %get3A_13 : vector<1x1280x64xf32> to vector<1280x64xf32>
    %add3A_15 = arith.addf %get3A_9, %get3A_14 : vector<1280x64xf32>
    %get3A_16 = arith.constant 0 : index
    %get3A_17 = arith.constant 0 : index
    %get3A_18 = vector.load %arg3[%get3A_16, %get3A_17] : memref<1280x64xf32, #tpu.memory_space<vmem>>, vector<1280x64xf32>
    %add3A_19 = arith.addf %add3A_15, %get3A_18 : vector<1280x64xf32>
    %broadcast_in_dim3A = vector.shape_cast %rsqrt3A : vector<1280xf32> to vector<1280x1xf32>
    %mul3A = vector.broadcast %broadcast_in_dim3A : vector<1280x1xf32> to vector<1280x64xf32>
    %mul3A_20 = arith.mulf %add3A_19, %mul3A : vector<1280x64xf32>
    %get3A_21 = arith.constant 0 : index
    %get3A_22 = arith.constant 0 : index
    %get3A_23 = vector.load %arg4[%get3A_21, %get3A_22] : memref<1x64xf32, #tpu.memory_space<vmem>>, vector<1x64xf32>
    %add3A_24 = vector.broadcast %get3A_23 : vector<1x64xf32> to vector<1280x64xf32>
    %add3A_25 = arith.addf %mul3A_20, %add3A_24 : vector<1280x64xf32>
    %swap3A = arith.constant 0 : index
    %swap3A_26 = arith.constant 0 : index
    %swap3A_27 = vector.load %arg5[%swap3A, %swap3A_26] : memref<1280x64xf32, #tpu.memory_space<vmem>>, vector<1280x64xf32>
    tpu.vector_store %arg5[%swap3A, %swap3A_26], %add3A_25 {strides = array<i32>} : memref<1280x64xf32, #tpu.memory_space<vmem>>, vector<1280x64xf32>,
    return
  }
  func.func @transform_0(%arg0: i32) -> (i32, i32) {
    %c0_i32 = arith.constant 0 : i32
    %c0_i32_0 = arith.constant 0 : i32
    return %c0_i32, %arg0 : i32, i32
  }
  func.func @transform_1(%arg0: i32) -> (i32, i32, i32) {
    %c0_i32 = arith.constant 0 : i32
    %c0_i32_0 = arith.constant 0 : i32
    %c0_i32_1 = arith.constant 0 : i32
    return %c0_i32, %arg0, %c0_i32_0 : i32, i32, i32
  }
  func.func @transform_2(%arg0: i32) -> (i32, i32) {
    %c0_i32 = arith.constant 0 : i32
    %c0_i32_0 = arith.constant 0 : i32
    return %arg0, %c0_i32 : i32, i32
  }
  func.func @transform_3(%arg0: i32) -> (i32, i32) {
    %c0_i32 = arith.constant 0 : i32
    %c0_i32_0 = arith.constant 0 : i32
    %c0_i32_1 = arith.constant 0 : i32
    return %c0_i32, %c0_i32_0 : i32, i32
  }
  func.func @transform_4(%arg0: i32) -> (i32, i32) {
    %c0_i32 = arith.constant 0 : i32
    %c0_i32_0 = arith.constant 0 : i32
    return %arg0, %c0_i32 : i32, i32
  }
}

</mosaic_0001>

<sc_bundles>
// kernel: kernel.11.cloned.1.call-start
scs
__scs_entry_jumppad:
0x0: {  	(pc) =	sbr.rel $0x88, $3  }
0x1: {  	(tag) =	ssettag $0x0;
	lr =	simm.s32 $0x1  }
0x2: {  	[smem:$0x3F9B] =	sst lr;
	_ =	strace $0xD0000000  }
0x3: {  	_ = 	snop  }
0x4: {  	_ = 	snop  }
0x5: {  	_ = 	snop  }
0x6: {  	_ = 	snop  }
0x7: {  	_ = 	snop  }
__scs_overlays_trampoline_lowered:
0x8: {  	[smem:$0x3FAA] =	sst s0  }
0x9: {  	[smem:$0x3FAB] =	sst s1  }
0xa: {  	[smem:$0x3FAC] =	sst s2  }
0xb: {  	[smem:$0x3FAD] =	sst s3  }
0xc: {  	[smem:$0x3FAE] =	sst s4  }
0xd: {  	[smem:$0x3FAF] =	sst s5  }
0xe: {  	[smem:$0x3FB0] =	sst s6  }
0xf: {  	[smem:$0x3FB1] =	sst s7  }
0x10: {  	[smem:$0x3FB2] =	sst s8  }
0x11: {  	[smem:$0x3FB3] =	sst s9;
	s0 =	simm.s32 @!p0 $0x0  }
0x12: {  	s1 =	sld [smem:$0x3F99];
	s0 =	simm.s32 @p0 $0x1  }
0x13: {  	[smem:$0x3FB4] =	sst s0;
	s0 =	simm.s32 @!p1 $0x0  }
0x14: {  	s2 =	sld [smem:$0x3F98];
	s0 =	simm.s32 @p1 $0x1  }
0x15: {  	[smem:$0x3FB5] =	sst s0;
	s0 =	simm.s32 @!p2 $0x0  }
0x16: {  	s3 =	sld [smem:$0x3FDB];
	s0 =	simm.s32 @p2 $0x1  }
0x17: {  	s4 =	simm.s32 $0x1BF5;
	[smem:$0x3FB7] =	sst s0  }
0x18: {  	s0 =	sld [smem:$0x3F9A];
	_ =	swait.ge [sflag:s4], $0x0  }
0x19: {  	s7 =	sld [smem:$0x3F9B]  }
0x1a: {  	s8 =	sadd.s32 $0xFFFFE003, lr  }
0x1b: {  	s9 =	sadd.s32 $0xFFFFFEF7, lr;
	s5 =	simm.s32 $0xFFFFFFFF;
	p2 =	slt.u32 s8, $0xFFFFF086  }
0x1c: {  	p1 =	slt.u32 s9, $0xF7A;
	s5 =	simm.s32 @!p2 $0x0  }
0x1d: {  	s5 =	simm.s32 @p1 $0x1;
	p0 =	seq.s32 s7, s2  }
0x1e: {  	s7 =	smul.u32 @!p0 $0xF7A, s2;
	p2 =	seq.s32 @!p0 s5, $0x0  }
0x1f: {  	s9 =	smul.u32 $0xF7A, s1;
	s8 =	simm.s32 @!p0 $0x1BF5;
	p2 =	por !p2, p0  }
0x20: {  	[sflag:s8] =	ssyncset.s32 @!p0 $0xFFFFF086;
	s6 =	sadd.s32 @!p0 s3, s7;
	s7 =	simm.s32 @!p0 $0x108  }
0x21: {  	s3 =	sadd.s32 s3, s9;
	s6 =	sadd.s32 @!p0 $0x88, s6;
	s7 =	simm.s32 @p2 $0x1082  }
0x22: {  	[simem:s7], [sflag:s8] =	dma.local @!p0 [hbm:s6], $0xF7A  }
0x23: {  	s9 =	sor.u32 $0xD0000000, s2;
	s6 =	simm.s32 $0x108;
	_ =	swait.ge @!p0 [sflag:s8], $0x0  }
0x24: {  	s3 =	sadd.s32 $0x88, s3;
	s6 =	simm.s32 @!p1 $0x1082;
	[sflag:s4] =	ssyncset.s32 $0xFFFFF086  }
0x25: {  	[simem:s6], [sflag:s4] =	dma.local [hbm:s3], $0xF7A  }
0x26: {  	[smem:$0x3F9B] =	sst s1;
	(tag) =	ssettag s2;
	_ =	strace s9  }
0x27: {  	s1 =	sld [smem:$0x3FAB]  }
0x28: {  	s2 =	sld [smem:$0x3FAC]  }
0x29: {  	s4 =	sld [smem:$0x3FAE]  }
0x2a: {  	p0 =	seq.s32 s5, $0x0;
	s5 =	sld [smem:$0x3FAF]  }
0x2b: {  	s6 =	sld [smem:$0x3FB0]  }
0x2c: {  	s7 =	sld [smem:$0x3FB1]  }
0x2d: {  	s3 =	simm.s32 $0x108;
	s8 =	sld [smem:$0x3FB2]  }
0x2e: {  	s3 =	simm.s32 @!p0 $0x1082;
	s9 =	sld [smem:$0x3FB3]  }
0x2f: {  	lr =	sadd.s32 s0, s3;
	s0 =	sld [smem:$0x3FAA]  }
0x30: {  	s3 =	sld [smem:$0x3FAD]  }
0x31: {  	[smem:$0x3FB6] =	sst s10  }
0x32: {  	s10 =	sld [smem:$0x3FB4];
	_ =	sdelay $0x3  }
0x33: {  	p0 =	seq.s32 s10, $0x1;
	s10 =	sld [smem:$0x3FB6];
	_ =	sdelay $0x3  }
0x34: {  	[smem:$0x3FB6] =	sst s10  }
0x35: {  	s10 =	sld [smem:$0x3FB5];
	_ =	sdelay $0x3  }
0x36: {  	p1 =	seq.s32 s10, $0x1;
	s10 =	sld [smem:$0x3FB6];
	_ =	sdelay $0x3  }
0x37: {  	[smem:$0x3FB6] =	sst s10  }
0x38: {  	s10 =	sld [smem:$0x3FB7]  }
0x39: {  	_ = 	snop;
	(pc) =	sbr.ind lr, $3  }
0x3a: {  	_ = 	snop  }
0x3b: {  	_ = 	snop  }
0x3c: {  	p2 =	seq.s32 s10, $0x1;
	s10 =	sld [smem:$0x3FB6]  }
0x3d: {  	_ =	shalt  }
0x3e: {  	_ =	shalt  }
0x3f: {  	_ =	shalt  }
0x40: {  	_ =	shalt  }
0x41: {  	_ =	shalt  }
0x42: {  	_ =	shalt  }
0x43: {  	_ =	shalt  }
0x44: {  	_ =	shalt  }
0x45: {  	_ =	shalt  }
0x46: {  	_ =	shalt  }
0x47: {  	_ =	shalt  }
0x48: {  	_ =	shalt  }
0x49: {  	_ =	shalt  }
0x4a: {  	_ =	shalt  }
0x4b: {  	_ =	shalt  }
0x4c: {  	_ =	shalt  }
0x4d: {  	_ =	shalt  }
0x4e: {  	_ =	shalt  }
0x4f: {  	_ =	shalt  }
0x50: {  	_ =	shalt  }
0x51: {  	_ =	shalt  }
0x52: {  	_ =	shalt  }
0x53: {  	_ =	shalt  }
0x54: {  	_ =	shalt  }
0x55: {  	_ =	shalt  }
0x56: {  	_ =	shalt  }
0x57: {  	_ =	shalt  }
0x58: {  	_ =	shalt  }
0x59: {  	_ =	shalt  }
0x5a: {  	_ =	shalt  }
0x5b: {  	_ =	shalt  }
0x5c: {  	_ =	shalt  }
0x5d: {  	_ =	shalt  }
0x5e: {  	_ =	shalt  }
0x5f: {  	_ =	shalt  }
0x60: {  	_ =	shalt  }
0x61: {  	_ =	shalt  }
0x62: {  	_ =	shalt  }
0x63: {  	_ =	shalt  }
0x64: {  	_ =	shalt  }
0x65: {  	_ =	shalt  }
0x66: {  	_ =	shalt  }
0x67: {  	_ =	shalt  }
0x68: {  	_ =	shalt  }
0x69: {  	_ =	shalt  }
0x6a: {  	_ =	shalt  }
0x6b: {  	_ =	shalt  }
0x6c: {  	_ =	shalt  }
0x6d: {  	_ =	shalt  }
0x6e: {  	_ =	shalt  }
0x6f: {  	_ =	shalt  }
0x70: {  	_ =	shalt  }
0x71: {  	_ =	shalt  }
0x72: {  	_ =	shalt  }
0x73: {  	_ =	shalt  }
0x74: {  	_ =	shalt  }
0x75: {  	_ =	shalt  }
0x76: {  	_ =	shalt  }
0x77: {  	_ =	shalt  }
0x78: {  	_ =	shalt  }
0x79: {  	_ =	shalt  }
0x7a: {  	_ =	shalt  }
0x7b: {  	_ =	shalt  }
0x7c: {  	_ =	shalt  }
0x7d: {  	_ =	shalt  }
0x7e: {  	_ =	shalt  }
0x7f: {  	_ =	shalt  }
0x80: {  	_ =	shalt  }
0x81: {  	_ =	shalt  }
0x82: {  	_ =	shalt  }
0x83: {  	_ =	shalt  }
0x84: {  	_ =	shalt  }
0x85: {  	_ =	shalt  }
0x86: {  	_ =	shalt  }
0x87: {  	_ =	shalt  }
.Lfunc_end0:
.L_simem_size_0:
called_computation.1_lowered:
.L_overlay_start_0:
0x88: {  	s2 =	sld [smem:$0x3FD9]  }
0x89: {  	s3 =	sld [smem:$0x3FFE];
	_ =	sdelay $0x1  }
0x8a: {  	s1 =	srdreg.scid  }
0x8b: {  	s0 =	sand.u32 $0x1, s1  }
0x8c: {  	s16 =	sshll.u32 s0, $0xA;
	s2 =	sadd.s32 s3, s2  }
0x8d: {  	s2 =	sadd.s32 s2, s16  }
0x8e: {  	[smem:$0x3FC2] =	sst s2  }
0x8f: {  	_ = 	snop  }
0x90: {  	(tm) =	ssettm $0x1  }
0x91: {  	s17 =	sld [smem:$0x3FFB];
	_ =	sdelay $0x3  }
0x92: {  	_ =	strace s17  }
0x93: {  	s2 =	sld [smem:$0x3FFC];
	_ =	sdelay $0x3  }
0x94: {  	_ =	strace s2  }
0x95: {  	s2 =	sld [smem:$0x3FFD];
	_ =	sdelay $0x3  }
0x96: {  	_ =	strace s2  }
0x97: {  	_ =	strace $0x8FFFFFFF  }
0x98: {  	s18 =	sld [smem:$0x3FDB];
	_ =	sdelay $0x1  }
0x99: {  	s19 =	simm.s32 $_scs_section_size  }
0x9a: {  	s4 =	simm.s32 $_size__tile_overlayer_lowered;
	s5 =	simm.s32 $_tile_overlayer_lowered  }
0x9b: {  	s22 =	simm.s32 $0x1BFF;
	s21 =	sshll.u32 s5, $0x1;
	s2 =	sadd.s32 s19, s18  }
0x9c: {  	s6 =	simm.s32 $0x0;
	s20 =	sshll.u32 s4, $0x1;
	s4 =	sadd.s32 s21, s2  }
0x9d: {  	[timem:s6], [sflag:s22] =	dma.local [hbm:s4], s20  }
0x9e: {  	_ =	swait.ge [sflag:s22], s20  }
0x9f: {  	s3 =	ssub.s32 $0x0, s20;
	[sflag:s22] =	ssyncset.done $0x0  }
0xa0: {  	[sflag:s22] =	ssyncadd.s32 s3;
	_ =	sdelay $0x1  }
0xa1: {  	s23 =	simm.s32 $0x1B8B  }
0xa2: {  	_ =	swait.ge [sflag:s23], $0x1  }
0xa3: {  	[sflag:s23] =	ssyncset.done $0x0  }
0xa4: {  	s25 =	simm.s32 $0x1B8E;
	s24 =	sld [smem:$0x3FFE];
	[sflag:s23] =	ssyncadd.s32 $0xFFFFFFFF  }
0xa5: {  	s26 =	simm.s32 $execute0_lowered;
	[smem:$0x3FD2] =	sst s25  }
0xa6: {  	s4 =	sshll.u32 s26, $0x1;
	_ =	strace $0x80000049;
	[dreg:$0x1] =	wrdreg $0xFFFFFFFF  }
0xa7: {  	s28 =	simm.s32 $_size_execute0_lowered;
	s2 =	sadd.s32 s2, s4;
	[dreg:$0x0] =	wrdreg $0x0  }
0xa8: {  	s4 =	sshll.u32 s28, $0x1;
	[dreg:$0x2] =	wrdreg s2  }
0xa9: {  	[dreg:$0x3] =	wrdreg s4  }
0xaa: {  	[dreg:$0x4] =	wrdreg $0xC0  }
0xab: {  	_ =	task [dreg:s6], $0x5FFFF  }
0xac: {  	[dreg:$0x1] =	wrdreg $0xFFFFFFFF  }
0xad: {  	[dreg:$0x0] =	wrdreg $0x60  }
0xae: {  	[dreg:$0x2] =	wrdreg s24  }
0xaf: {  	[dreg:$0x3] =	wrdreg $0xA8000  }
0xb0: {  	[dreg:$0x4] =	wrdreg $0x9  }
0xb1: {  	_ =	task.clear_ibuf [dreg:s6], $0x5FFFF;
	_ =	strace $0x90000049  }
0xb2: {  	s29 =	simm.s32 $0x9;
	_ =	strace $0x8000004B  }
0xb3: {  	_ =	swait.ge [sflag:s29], $0x1  }
0xb4: {  	[sflag:s29] =	ssyncadd.s32 $0xFFFFFFFF  }
0xb5: {  	_ =	strace $0x9000004B  }
0xb6: {  	_ =	sfence  }
0xb7: {  	s30 =	sld [smem:$0x0];
	_ =	sdelay $0x2  }
0xb8: {  	s31 =	sshll.u32 s1, $0xD;
	s1 =	sshrl.u32 s1, $0x2  }
0xb9: {  	s3 =	sand.u32 $0x4000, s31;
	s1 =	sadd.s32 s1, s30  }
0xba: {  	s0 =	sor.u32 s3, s0;
	s1 =	sshll.u32 s1, $0x11  }
0xbb: {  	s0 =	sor.u32 s1, s0  }
0xbc: {  	s0 =	sadd.s32 $0x8F2B, s0  }
0xbd: {  	[sflag:s0] =	ssyncadd.remote.s32 $0x1  }
0xbe: {  	_ =	sfence.sel $0xFFFF  }
0xbf: {  	[dreg:$0x0] =	wrdreg $0xFFFFFFFF;
	(pc) =	sbr.abs _section_cstart, $3  }
0xc0: {  	[dreg:$0x1] =	wrdreg $0xFFFFFFFF  }
0xc1: {  	_ =	task.clear_ibuf [dreg:s6], $0x2FFFF;
	_ =	strace $0x9FFFFFFF  }
0xc2: {  	(tm) =	ssettm $0x7FFFFFFF  }
0xc3: {  	_ =	shalt  }
tec
execute0_lowered:
.L_overlay_start_1:
0x0: {  	(tag) =	ssettag $0x1  }
0x1: {  	s5 =	rddreg [dreg:$0x0]  }
0x2: {  	s0 =	srdreg.scid;
	s2 =	rddreg [dreg:$0x1]  }
0x3: {  	s1 =	stileid.u32;
	s3 =	simm.s32 $0x0;
	s22 =	simm.s32 $0x1  }
0x4: {  	s23 =	simm.s32 $0x80;
	s24 =	simm.s32 $0x2780;
	s25 =	simm.s32 $0x6800  }
0x5: {  	s9 =	sand.u32 $0x1, s0;
	[smem:$0x7FF] =	sst s3;
	s8 =	smul.u32 $0x50000, s1  }
0x6: {  	s14 =	smul.u32 $0x14000, s1;
	s18 =	sadd.s32 $0x3E400, s5;
	s4 =	sshll.u32 s9, $0x4  }
0x7: {  	_ =	strace $0x8000004A;
	s7 =	ssub.s32 $0x2, s9;
	s21 =	smul.u32 $0x140000, s9  }
0x8: {  	s4 =	sor.u32 s1, s4;
	s30 =	sshrl.u32 s7, $0x1;
	s31 =	sshrl.u32 s8, $0x2  }
0x9: {  	s15 =	sadd.s32 $0x4000, s14;
	s16 =	sadd.s32 $0x8000, s14;
	s17 =	sadd.s32 $0xC000, s14  }
0xa: {  	s20 =	sadd.s32 $0x10000, s14;
	s6 =	smul.u32 $0x2800, s4;
	s4 =	sadd.s32 $0x16400, s5  }
0xb: {  	s19 =	ssub.s32 s7, s30;
	s7 =	sadd.s32 s16, s2;
	s8 =	sadd.s32 s17, s2  }
0xc: {  	s9 =	sadd.s32 s20, s2;
	s14 =	sadd.s32 s14, s21;
	s16 =	sadd.s32 s21, s16  }
0xd: {  	s17 =	sadd.s32 s21, s17;
	s20 =	sadd.s32 s21, s20;
	s14 =	sshrl.u32 s14, $0x3  }
0xe: {  	s16 =	sshrl.u32 s16, $0x3;
	s17 =	sshrl.u32 s17, $0x3;
	s20 =	sshrl.u32 s20, $0x3  }
0xf: {  	s19 =	smax.u32 s19, $0x1;
	s6 =	sshrl.u32 s6, $0x3;
	s14 =	sadd.s32 s18, s14  }
0x10: {  	s16 =	sadd.s32 s18, s16;
	s17 =	sadd.s32 s18, s17;
	s13 =	sadd.s32 s6, s5  }
0x11: {  	s5 =	sadd.s32 s31, s2;
	s6 =	sadd.s32 s15, s2;
	s15 =	sadd.s32 s21, s15  }
0x12: {  	s21 =	simm.s32 $0x2;
	s10 =	sadd.s32 $0x2400, s13;
	s11 =	sadd.s32 $0xC400, s13  }
0x13: {  	s12 =	sadd.s32 $0x2680, s13;
	s13 =	sadd.s32 $0xC680, s13;
	s15 =	sshrl.u32 s15, $0x3  }
0x14: {  	v0 =	vimm.f32 $0.0e+00;
	s15 =	sadd.s32 s18, s15;
	s18 =	sadd.s32 s18, s20;
	s20 =	simm.s32 $0x2800  }
.LBB2_1:
0x15: {  	s26 =	simm.s32 $0x0;
	s28 =	simm.s32 $0x200  }
.LBB2_2:
0x16: {  	p0 =	sne.s32 s28, $0xFE00;
	[tilespmem:s26+$0x2870] =	vst v0  }
0x17: {  	[tilespmem:s26+$0x2800] =	vst v0  }
0x18: {  	[tilespmem:s26+$0x2810] =	vst v0  }
.Ltmp0:
0x19: {  	[tilespmem:s26+$0x2820] =	vst v0;
	(pc) =	sbr.rel @p0 .LBB2_2-.Ltmp0, $4  }
0x1a: {  	[tilespmem:s26+$0x2830] =	vst v0  }
0x1b: {  	[tilespmem:s26+$0x2840] =	vst v0  }
0x1c: {  	[tilespmem:s26+$0x2850] =	vst v0  }
0x1d: {  	[tilespmem:s26+$0x2860] =	vst v0;
	s26 =	sshra.s32 s28, $0x2;
	s28 =	sadd.s32 $0x200, s28  }
0x1e: {  	[tilespmem:s26+$0x2870] =	vst v0  }
0x1f: {  	[tilespmem:s26+$0x2800] =	vst v0  }
0x20: {  	[tilespmem:s26+$0x2810] =	vst v0  }
0x21: {  	[tilespmem:s26+$0x2820] =	vst v0  }
0x22: {  	[tilespmem:s26+$0x2830] =	vst v0  }
0x23: {  	[tilespmem:s26+$0x2840] =	vst v0  }
0x24: {  	[tilespmem:s26+$0x2850] =	vst v0  }
0x25: {  	[tilespmem:s26+$0x2860] =	vst v0  }
0x26: {  	[spmem:s5] =	stream.linear.scatter [tilespmem:s20], [sflag:$0x2], $0x4000, $0x38;
	[tilespmem:$0x1E800] =	vst v63  }
0x27: {  	_ =	swait.ge [sflag:s21], $0x4000  }
0x28: {  	[sflag:s21] =	ssyncset.done $0x0  }
0x29: {  	[sflag:s21] =	ssyncadd.s32 $0xFFFFC000  }
0x2a: {  	[spmem:s6] =	stream.linear.scatter [tilespmem:s20], [sflag:$0x2], $0x4000, $0x38;
	[tilespmem:$0x1E800] =	vst v63  }
0x2b: {  	_ =	swait.ge [sflag:s21], $0x4000  }
0x2c: {  	[sflag:s21] =	ssyncset.done $0x0  }
0x2d: {  	[sflag:s21] =	ssyncadd.s32 $0xFFFFC000  }
0x2e: {  	[spmem:s7] =	stream.linear.scatter [tilespmem:s20], [sflag:$0x2], $0x4000, $0x38;
	[tilespmem:$0x1E800] =	vst v63  }
0x2f: {  	_ =	swait.ge [sflag:s21], $0x4000  }
0x30: {  	[sflag:s21] =	ssyncset.done $0x0  }
0x31: {  	[sflag:s21] =	ssyncadd.s32 $0xFFFFC000  }
0x32: {  	[spmem:s8] =	stream.linear.scatter [tilespmem:s20], [sflag:$0x2], $0x4000, $0x38;
	[tilespmem:$0x1E800] =	vst v63  }
0x33: {  	_ =	swait.ge [sflag:s21], $0x4000  }
0x34: {  	[sflag:s21] =	ssyncset.done $0x0  }
0x35: {  	[sflag:s21] =	ssyncadd.s32 $0xFFFFC000  }
0x36: {  	[spmem:s9] =	stream.linear.scatter [tilespmem:s20], [sflag:$0x2], $0x4000, $0x38;
	[tilespmem:$0x1E800] =	vst v63  }
0x37: {  	_ =	swait.ge [sflag:s21], $0x4000  }
0x38: {  	[sflag:s21] =	ssyncset.done $0x0  }
0x39: {  	[sflag:s21] =	ssyncadd.s32 $0xFFFFC000  }
0x3a: {  	s28 =	simm.s32 $0x0;
	[bflag:$0x0] =	sbarrier.arrive $0xFFFF  }
0x3b: {  	[tilespmem:s28], [sflag:$0x2] =	stream.linear.gather [hbm4b:s10+s28], $0x1400, $0x38;
	[tilespmem:$0x1E800] =	vst v63  }
0x3c: {  	_ =	swait.ge [sflag:s21], $0x1400  }
0x3d: {  	[sflag:s21] =	ssyncset.done $0x0  }
0x3e: {  	s26 =	simm.s32 $0x1400;
	[sflag:s21] =	ssyncadd.s32 $0xFFFFEC00  }
0x3f: {  	[tilespmem:s26], [sflag:$0x2] =	stream.linear.gather [hbm4b:s11+s28], $0x1400, $0x38;
	[tilespmem:$0x1E800] =	vst v63  }
0x40: {  	_ =	swait.ge [sflag:s21], $0x1400  }
0x41: {  	[sflag:s21] =	ssyncset.done $0x0  }
0x42: {  	s30 =	simm.s32 $0x80;
	[sflag:s21] =	ssyncadd.s32 $0xFFFFEC00  }
0x43: {  	[tilespmem:s20], [sflag:$0x1] =	stream.indirect.gather [hbm4b:s4+s30], $0x80, s28, s30, $0xb8;
	[tilespmem:$0x1E800] =	vst v63  }
0x44: {  	s29 =	simm.s32 $0x4000;
	_ =	swait.ge [sflag:s22], $0x4000  }
0x45: {  	s31 =	sand.u32 $0x4000, s29;
	[sflag:s22] =	ssyncset.done $0x0  }
0x46: {  	s31 =	sor.u32 $0x2800, s31;
	s28 =	sand.u32 $0x4000, s28;
	[sflag:s22] =	ssyncadd.s32 $0xFFFFC000  }
0x47: {  	[tilespmem:s31], [sflag:$0x1] =	stream.indirect.gather [hbm4b:s4+s23], $0x80, s30, s23, $0xb8;
	[tilespmem:$0x1E800] =	vst v63  }
0x48: {  	s28 =	sor.u32 $0x2800, s28  }
0x49: {  	[spmem:s2] =	stream.indirect.scatter.add.f32 [tilespmem:s28], [sflag:$0x2], $0x80, s26, s23, $0xb8;
	[tilespmem:$0x1E800] =	vst v63  }
0x4a: {  	_ =	swait.ge [sflag:s21], $0x4000  }
0x4b: {  	s28 =	simm.s32 $0x100;
	[sflag:s21] =	ssyncset.done $0x0  }
.LBB2_4:
0x4c: {  	[sflag:s21] =	ssyncadd.s32 $0xFFFFC000  }
0x4d: {  	s26 =	sadd.s32 $0x80, s26;
	s30 =	smov.u32 s29;
	s31 =	sadd.s32 $0x4000, s29  }
0x4e: {  	p0 =	sne.s32 s29, $0x98000;
	s0 =	sand.u32 $0x4000, s31  }
0x4f: {  	_ =	swait.ge [sflag:s22], $0x4000  }
0x50: {  	[sflag:s22] =	ssyncset.done $0x0  }
0x51: {  	s29 =	sand.u32 $0x4000, s30;
	s0 =	sor.u32 $0x2800, s0;
	[sflag:s22] =	ssyncadd.s32 $0xFFFFC000  }
0x52: {  	[tilespmem:s0], [sflag:$0x1] =	stream.indirect.gather [hbm4b:s4+s23], $0x80, s28, s23, $0xb8;
	[tilespmem:$0x1E800] =	vst v63  }
.Ltmp1:
0x53: {  	_ = 	snop;
	(pc) =	sbr.rel @p0 .LBB2_4-.Ltmp1, $4  }
0x54: {  	s0 =	sor.u32 $0x2800, s29  }
0x55: {  	[spmem:s2] =	stream.indirect.scatter.add.f32 [tilespmem:s0], [sflag:$0x2], $0x80, s26, s23, $0xb8;
	[tilespmem:$0x1E800] =	vst v63  }
0x56: {  	_ =	swait.ge [sflag:s21], $0x4000  }
0x57: {  	s28 =	sadd.s32 $0x80, s28;
	s29 =	smov.u32 s31;
	[sflag:s21] =	ssyncset.done $0x0  }
0x58: {  	[sflag:s21] =	ssyncadd.s32 $0xFFFFC000  }
0x59: {  	_ =	swait.ge [sflag:s22], $0x4000  }
0x5a: {  	[sflag:s22] =	ssyncset.done $0x0  }
0x5b: {  	s0 =	simm.s32 $0x80;
	[sflag:s22] =	ssyncadd.s32 $0xFFFFC000  }
0x5c: {  	[spmem:s2] =	stream.indirect.scatter.add.f32 [tilespmem:s25], [sflag:$0x2], $0x80, s24, s0, $0xb8;
	[tilespmem:$0x1E800] =	vst v63  }
0x5d: {  	_ =	swait.ge [sflag:s21], $0x4000  }
0x5e: {  	[sflag:s21] =	ssyncset.done $0x0  }
0x5f: {  	s28 =	simm.s32 $0x0;
	[sflag:s21] =	ssyncadd.s32 $0xFFFFC000  }
0x60: {  	[tilespmem:s28], [sflag:$0x2] =	stream.linear.gather [hbm4b:s12+s28], $0x1400, $0x38;
	[tilespmem:$0x1E800] =	vst v63  }
0x61: {  	_ =	swait.ge [sflag:s21], $0x1400  }
0x62: {  	[sflag:s21] =	ssyncset.done $0x0  }
0x63: {  	s26 =	simm.s32 $0x1400;
	[sflag:s21] =	ssyncadd.s32 $0xFFFFEC00  }
0x64: {  	[tilespmem:s26], [sflag:$0x2] =	stream.linear.gather [hbm4b:s13+s28], $0x1400, $0x38;
	[tilespmem:$0x1E800] =	vst v63  }
0x65: {  	_ =	swait.ge [sflag:s21], $0x1400  }
0x66: {  	[sflag:s21] =	ssyncset.done $0x0  }
0x67: {  	[sflag:s21] =	ssyncadd.s32 $0xFFFFEC00  }
0x68: {  	[tilespmem:s20], [sflag:$0x1] =	stream.indirect.gather [hbm4b:s4+s0], $0x80, s28, s0, $0xb8;
	[tilespmem:$0x1E800] =	vst v63  }
0x69: {  	s29 =	simm.s32 $0x4000;
	_ =	swait.ge [sflag:s22], $0x4000  }
0x6a: {  	s30 =	sand.u32 $0x4000, s29;
	[sflag:s22] =	ssyncset.done $0x0  }
0x6b: {  	s30 =	sor.u32 $0x2800, s30;
	s28 =	sand.u32 $0x4000, s28;
	[sflag:s22] =	ssyncadd.s32 $0xFFFFC000  }
0x6c: {  	[tilespmem:s30], [sflag:$0x1] =	stream.indirect.gather [hbm4b:s4+s23], $0x80, s0, s23, $0xb8;
	[tilespmem:$0x1E800] =	vst v63  }
0x6d: {  	s31 =	sor.u32 $0x2800, s28  }
0x6e: {  	[spmem:s2] =	stream.indirect.scatter.add.f32 [tilespmem:s31], [sflag:$0x2], $0x80, s26, s23, $0xb8;
	[tilespmem:$0x1E800] =	vst v63  }
0x6f: {  	_ =	swait.ge [sflag:s21], $0x4000  }
0x70: {  	s28 =	simm.s32 $0x100;
	[sflag:s21] =	ssyncset.done $0x0  }
.LBB2_6:
0x71: {  	[sflag:s21] =	ssyncadd.s32 $0xFFFFC000  }
0x72: {  	s26 =	sadd.s32 $0x80, s26;
	s0 =	smov.u32 s29;
	s30 =	sadd.s32 $0x4000, s29  }
0x73: {  	p0 =	sne.s32 s29, $0x98000;
	s31 =	sand.u32 $0x4000, s30  }
0x74: {  	_ =	swait.ge [sflag:s22], $0x4000  }
0x75: {  	[sflag:s22] =	ssyncset.done $0x0  }
0x76: {  	s0 =	sand.u32 $0x4000, s0;
	s29 =	sor.u32 $0x2800, s31;
	[sflag:s22] =	ssyncadd.s32 $0xFFFFC000  }
0x77: {  	[tilespmem:s29], [sflag:$0x1] =	stream.indirect.gather [hbm4b:s4+s23], $0x80, s28, s23, $0xb8;
	[tilespmem:$0x1E800] =	vst v63  }
.Ltmp2:
0x78: {  	_ = 	snop;
	(pc) =	sbr.rel @p0 .LBB2_6-.Ltmp2, $4  }
0x79: {  	s0 =	sor.u32 $0x2800, s0  }
0x7a: {  	[spmem:s2] =	stream.indirect.scatter.add.f32 [tilespmem:s0], [sflag:$0x2], $0x80, s26, s23, $0xb8;
	[tilespmem:$0x1E800] =	vst v63  }
0x7b: {  	_ =	swait.ge [sflag:s21], $0x4000  }
0x7c: {  	s28 =	sadd.s32 $0x80, s28;
	s29 =	smov.u32 s30;
	[sflag:s21] =	ssyncset.done $0x0  }
0x7d: {  	[sflag:s21] =	ssyncadd.s32 $0xFFFFC000  }
0x7e: {  	_ =	swait.ge [sflag:s22], $0x4000  }
0x7f: {  	[sflag:s22] =	ssyncset.done $0x0  }
0x80: {  	[sflag:s22] =	ssyncadd.s32 $0xFFFFC000  }
0x81: {  	[spmem:s2] =	stream.indirect.scatter.add.f32 [tilespmem:s25], [sflag:$0x2], $0x80, s24, s23, $0xb8;
	[tilespmem:$0x1E800] =	vst v63  }
0x82: {  	_ =	swait.ge [sflag:s21], $0x4000  }
0x83: {  	[sflag:s21] =	ssyncset.done $0x0  }
0x84: {  	s0 =	sshll.u32 s1, $0x6;
	[sflag:s21] =	ssyncadd.s32 $0xFFFFC000  }
0x85: {  	s26 =	sshrl.u32 s5, $0x3;
	s0 =	sor.u32 $0x1C02, s0;
	[bflag:$0x0] =	sbarrier.arrive $0xFFFF  }
0x86: {  	[hbm:s14], [sflag:s0] =	dma.local [spmem:s26], $0x800  }
0x87: {  	_ =	swait.ge [sflag:s21], $0x800  }
0x88: {  	[sflag:s21] =	ssyncset.done $0x0  }
0x89: {  	s28 =	sshrl.u32 s6, $0x3;
	[sflag:s21] =	ssyncadd.s32 $0xFFFFF800  }
0x8a: {  	[hbm:s15], [sflag:s0] =	dma.local [spmem:s28], $0x800  }
0x8b: {  	_ =	swait.ge [sflag:s21], $0x800  }
0x8c: {  	[sflag:s21] =	ssyncset.done $0x0  }
0x8d: {  	s29 =	sshrl.u32 s7, $0x3;
	[sflag:s21] =	ssyncadd.s32 $0xFFFFF800  }
0x8e: {  	[hbm:s16], [sflag:s0] =	dma.local [spmem:s29], $0x800  }
0x8f: {  	_ =	swait.ge [sflag:s21], $0x800  }
0x90: {  	[sflag:s21] =	ssyncset.done $0x0  }
0x91: {  	s30 =	sshrl.u32 s8, $0x3;
	[sflag:s21] =	ssyncadd.s32 $0xFFFFF800  }
0x92: {  	[hbm:s17], [sflag:s0] =	dma.local [spmem:s30], $0x800  }
0x93: {  	s3 =	sadd.s32 $0x1, s3;
	_ =	swait.ge [sflag:s21], $0x800  }
0x94: {  	p0 =	sne.s32 s3, s19;
	[sflag:s21] =	ssyncset.done $0x0  }
.Ltmp3:
0x95: {  	s31 =	sshrl.u32 s9, $0x3;
	[sflag:s21] =	ssyncadd.s32 $0xFFFFF800;
	(pc) =	sbr.rel @p0 .LBB2_1-.Ltmp3, $4  }
0x96: {  	[hbm:s18], [sflag:s0] =	dma.local [spmem:s31], $0x800  }
0x97: {  	_ =	swait.ge [sflag:s21], $0x800  }
0x98: {  	[sflag:s21] =	ssyncset.done $0x0  }
0x99: {  	[sflag:s21] =	ssyncadd.s32 $0xFFFFF800  }
0x9a: {  	_ =	sfence.sel $0x180000  }
0x9b: {  	[bflag:$0x0] =	sbarrier.arrive $0xFFFF  }
0x9c: {  	_ =	strace $0x9000004A  }
0x9d: {  	[bflag:$0x2] =	sbarrier.arrive $0xFFFF  }
0x9e: {  	p0 =	sne.s32 s1, $0x0;
	s0 =	rddreg [dreg:$0x2]  }
0x9f: {  	s0 =	sadd.s32 @!p0 $0x100000, s0  }
0xa0: {  	[sflag:s0] =	ssyncadd.tile.s32 @!p0 $0x1;
	_ =	shalt  }
.Lfunc_end2:
_tile_overlayer_lowered:
.L_overlay_start_2:
0xa1: {  	(tag) =	ssettag $0x2  }
0xa2: {  	s0 =	rddreg [dreg:$0x0];
	s2 =	stileid.u32  }
0xa3: {  	s1 =	rddreg [dreg:$0x1];
	p0 =	sne.s32 s2, $0x0  }
0xa4: {  	s3 =	rddreg [dreg:$0x2];
	[bflag:$0x3] =	sbarrier.arrive $0xFFFF;
	s2 =	simm.s32 @!p0 $0x1C02  }
0xa5: {  	[timem:s3], [sflag:s2] =	dma.local @!p0 [hbm:s0], s1  }
0xa6: {  	s0 =	simm.s32 @!p0 $0x2  }
0xa7: {  	_ =	swait.ge @!p0 [sflag:s0], s1  }
0xa8: {  	s1 =	ssub.s32 @!p0 $0x0, s1;
	[sflag:s0] =	ssyncset.done @!p0 $0x0  }
0xa9: {  	[sflag:s0] =	ssyncadd.s32 @!p0 s1  }
0xaa: {  	[bflag:$0x3] =	sbarrier.arrive $0xFFFF  }
0xab: {  	_ =	shalt  }

// kernel: kernel.14.cloned.1.call-start
scs
__scs_entry_jumppad:
0x0: {  	(pc) =	sbr.rel $0x88, $3  }
0x1: {  	(tag) =	ssettag $0x0;
	lr =	simm.s32 $0x1  }
0x2: {  	[smem:$0x3F9B] =	sst lr;
	_ =	strace $0xD0000000  }
0x3: {  	_ = 	snop  }
0x4: {  	_ = 	snop  }
0x5: {  	_ = 	snop  }
0x6: {  	_ = 	snop  }
0x7: {  	_ = 	snop  }
__scs_overlays_trampoline_lowered:
0x8: {  	[smem:$0x3FAA] =	sst s0  }
0x9: {  	[smem:$0x3FAB] =	sst s1  }
0xa: {  	[smem:$0x3FAC] =	sst s2  }
0xb: {  	[smem:$0x3FAD] =	sst s3  }
0xc: {  	[smem:$0x3FAE] =	sst s4  }
0xd: {  	[smem:$0x3FAF] =	sst s5  }
0xe: {  	[smem:$0x3FB0] =	sst s6  }
0xf: {  	[smem:$0x3FB1] =	sst s7  }
0x10: {  	[smem:$0x3FB2] =	sst s8  }
0x11: {  	[smem:$0x3FB3] =	sst s9;
	s0 =	simm.s32 @!p0 $0x0  }
0x12: {  	s1 =	sld [smem:$0x3F99];
	s0 =	simm.s32 @p0 $0x1  }
0x13: {  	[smem:$0x3FB4] =	sst s0;
	s0 =	simm.s32 @!p1 $0x0  }
0x14: {  	s2 =	sld [smem:$0x3F98];
	s0 =	simm.s32 @p1 $0x1  }
0x15: {  	[smem:$0x3FB5] =	sst s0;
	s0 =	simm.s32 @!p2 $0x0  }
0x16: {  	s3 =	sld [smem:$0x3FDB];
	s0 =	simm.s32 @p2 $0x1  }
0x17: {  	s4 =	simm.s32 $0x1BF5;
	[smem:$0x3FB7] =	sst s0  }
0x18: {  	s0 =	sld [smem:$0x3F9A];
	_ =	swait.ge [sflag:s4], $0x0  }
0x19: {  	s7 =	sld [smem:$0x3F9B]  }
0x1a: {  	s8 =	sadd.s32 $0xFFFFE003, lr  }
0x1b: {  	s9 =	sadd.s32 $0xFFFFFEF7, lr;
	s5 =	simm.s32 $0xFFFFFFFF;
	p2 =	slt.u32 s8, $0xFFFFF086  }
0x1c: {  	p1 =	slt.u32 s9, $0xF7A;
	s5 =	simm.s32 @!p2 $0x0  }
0x1d: {  	s5 =	simm.s32 @p1 $0x1;
	p0 =	seq.s32 s7, s2  }
0x1e: {  	s7 =	smul.u32 @!p0 $0xF7A, s2;
	p2 =	seq.s32 @!p0 s5, $0x0  }
0x1f: {  	s9 =	smul.u32 $0xF7A, s1;
	s8 =	simm.s32 @!p0 $0x1BF5;
	p2 =	por !p2, p0  }
0x20: {  	[sflag:s8] =	ssyncset.s32 @!p0 $0xFFFFF086;
	s6 =	sadd.s32 @!p0 s3, s7;
	s7 =	simm.s32 @!p0 $0x108  }
0x21: {  	s3 =	sadd.s32 s3, s9;
	s6 =	sadd.s32 @!p0 $0x88, s6;
	s7 =	simm.s32 @p2 $0x1082  }
0x22: {  	[simem:s7], [sflag:s8] =	dma.local @!p0 [hbm:s6], $0xF7A  }
0x23: {  	s9 =	sor.u32 $0xD0000000, s2;
	s6 =	simm.s32 $0x108;
	_ =	swait.ge @!p0 [sflag:s8], $0x0  }
0x24: {  	s3 =	sadd.s32 $0x88, s3;
	s6 =	simm.s32 @!p1 $0x1082;
	[sflag:s4] =	ssyncset.s32 $0xFFFFF086  }
0x25: {  	[simem:s6], [sflag:s4] =	dma.local [hbm:s3], $0xF7A  }
0x26: {  	[smem:$0x3F9B] =	sst s1;
	(tag) =	ssettag s2;
	_ =	strace s9  }
0x27: {  	s1 =	sld [smem:$0x3FAB]  }
0x28: {  	s2 =	sld [smem:$0x3FAC]  }
0x29: {  	s4 =	sld [smem:$0x3FAE]  }
0x2a: {  	p0 =	seq.s32 s5, $0x0;
	s5 =	sld [smem:$0x3FAF]  }
0x2b: {  	s6 =	sld [smem:$0x3FB0]  }
0x2c: {  	s7 =	sld [smem:$0x3FB1]  }
0x2d: {  	s3 =	simm.s32 $0x108;
	s8 =	sld [smem:$0x3FB2]  }
0x2e: {  	s3 =	simm.s32 @!p0 $0x1082;
	s9 =	sld [smem:$0x3FB3]  }
0x2f: {  	lr =	sadd.s32 s0, s3;
	s0 =	sld [smem:$0x3FAA]  }
0x30: {  	s3 =	sld [smem:$0x3FAD]  }
0x31: {  	[smem:$0x3FB6] =	sst s10  }
0x32: {  	s10 =	sld [smem:$0x3FB4];
	_ =	sdelay $0x3  }
0x33: {  	p0 =	seq.s32 s10, $0x1;
	s10 =	sld [smem:$0x3FB6];
	_ =	sdelay $0x3  }
0x34: {  	[smem:$0x3FB6] =	sst s10  }
0x35: {  	s10 =	sld [smem:$0x3FB5];
	_ =	sdelay $0x3  }
0x36: {  	p1 =	seq.s32 s10, $0x1;
	s10 =	sld [smem:$0x3FB6];
	_ =	sdelay $0x3  }
0x37: {  	[smem:$0x3FB6] =	sst s10  }
0x38: {  	s10 =	sld [smem:$0x3FB7]  }
0x39: {  	_ = 	snop;
	(pc) =	sbr.ind lr, $3  }
0x3a: {  	_ = 	snop  }
0x3b: {  	_ = 	snop  }
0x3c: {  	p2 =	seq.s32 s10, $0x1;
	s10 =	sld [smem:$0x3FB6]  }
0x3d: {  	_ =	shalt  }
0x3e: {  	_ =	shalt  }
0x3f: {  	_ =	shalt  }
0x40: {  	_ =	shalt  }
0x41: {  	_ =	shalt  }
0x42: {  	_ =	shalt  }
0x43: {  	_ =	shalt  }
0x44: {  	_ =	shalt  }
0x45: {  	_ =	shalt  }
0x46: {  	_ =	shalt  }
0x47: {  	_ =	shalt  }
0x48: {  	_ =	shalt  }
0x49: {  	_ =	shalt  }
0x4a: {  	_ =	shalt  }
0x4b: {  	_ =	shalt  }
0x4c: {  	_ =	shalt  }
0x4d: {  	_ =	shalt  }
0x4e: {  	_ =	shalt  }
0x4f: {  	_ =	shalt  }
0x50: {  	_ =	shalt  }
0x51: {  	_ =	shalt  }
0x52: {  	_ =	shalt  }
0x53: {  	_ =	shalt  }
0x54: {  	_ =	shalt  }
0x55: {  	_ =	shalt  }
0x56: {  	_ =	shalt  }
0x57: {  	_ =	shalt  }
0x58: {  	_ =	shalt  }
0x59: {  	_ =	shalt  }
0x5a: {  	_ =	shalt  }
0x5b: {  	_ =	shalt  }
0x5c: {  	_ =	shalt  }
0x5d: {  	_ =	shalt  }
0x5e: {  	_ =	shalt  }
0x5f: {  	_ =	shalt  }
0x60: {  	_ =	shalt  }
0x61: {  	_ =	shalt  }
0x62: {  	_ =	shalt  }
0x63: {  	_ =	shalt  }
0x64: {  	_ =	shalt  }
0x65: {  	_ =	shalt  }
0x66: {  	_ =	shalt  }
0x67: {  	_ =	shalt  }
0x68: {  	_ =	shalt  }
0x69: {  	_ =	shalt  }
0x6a: {  	_ =	shalt  }
0x6b: {  	_ =	shalt  }
0x6c: {  	_ =	shalt  }
0x6d: {  	_ =	shalt  }
0x6e: {  	_ =	shalt  }
0x6f: {  	_ =	shalt  }
0x70: {  	_ =	shalt  }
0x71: {  	_ =	shalt  }
0x72: {  	_ =	shalt  }
0x73: {  	_ =	shalt  }
0x74: {  	_ =	shalt  }
0x75: {  	_ =	shalt  }
0x76: {  	_ =	shalt  }
0x77: {  	_ =	shalt  }
0x78: {  	_ =	shalt  }
0x79: {  	_ =	shalt  }
0x7a: {  	_ =	shalt  }
0x7b: {  	_ =	shalt  }
0x7c: {  	_ =	shalt  }
0x7d: {  	_ =	shalt  }
0x7e: {  	_ =	shalt  }
0x7f: {  	_ =	shalt  }
0x80: {  	_ =	shalt  }
0x81: {  	_ =	shalt  }
0x82: {  	_ =	shalt  }
0x83: {  	_ =	shalt  }
0x84: {  	_ =	shalt  }
0x85: {  	_ =	shalt  }
0x86: {  	_ =	shalt  }
0x87: {  	_ =	shalt  }
.Lfunc_end0:
.L_simem_size_0:
called_computation.2_lowered:
.L_overlay_start_0:
0x88: {  	s2 =	sld [smem:$0x3FD9]  }
0x89: {  	s3 =	sld [smem:$0x3FFE];
	_ =	sdelay $0x1  }
0x8a: {  	s1 =	srdreg.scid  }
0x8b: {  	s0 =	sand.u32 $0x1, s1  }
0x8c: {  	s16 =	sshll.u32 s0, $0xA;
	s2 =	sadd.s32 s3, s2  }
0x8d: {  	s2 =	sadd.s32 s2, s16  }
0x8e: {  	[smem:$0x3FC2] =	sst s2  }
0x8f: {  	_ = 	snop  }
0x90: {  	(tm) =	ssettm $0x1  }
0x91: {  	s17 =	sld [smem:$0x3FFB];
	_ =	sdelay $0x3  }
0x92: {  	_ =	strace s17  }
0x93: {  	s2 =	sld [smem:$0x3FFC];
	_ =	sdelay $0x3  }
0x94: {  	_ =	strace s2  }
0x95: {  	s2 =	sld [smem:$0x3FFD];
	_ =	sdelay $0x3  }
0x96: {  	_ =	strace s2  }
0x97: {  	_ =	strace $0x8FFFFFFF  }
0x98: {  	s18 =	sld [smem:$0x3FDB];
	_ =	sdelay $0x1  }
0x99: {  	s19 =	simm.s32 $_scs_section_size  }
0x9a: {  	s4 =	simm.s32 $_size__tile_overlayer_lowered;
	s5 =	simm.s32 $_tile_overlayer_lowered  }
0x9b: {  	s22 =	simm.s32 $0x1BFF;
	s21 =	sshll.u32 s5, $0x1;
	s2 =	sadd.s32 s19, s18  }
0x9c: {  	s6 =	simm.s32 $0x0;
	s20 =	sshll.u32 s4, $0x1;
	s4 =	sadd.s32 s21, s2  }
0x9d: {  	[timem:s6], [sflag:s22] =	dma.local [hbm:s4], s20  }
0x9e: {  	_ =	swait.ge [sflag:s22], s20  }
0x9f: {  	s3 =	ssub.s32 $0x0, s20;
	[sflag:s22] =	ssyncset.done $0x0  }
0xa0: {  	[sflag:s22] =	ssyncadd.s32 s3;
	_ =	sdelay $0x1  }
0xa1: {  	s23 =	simm.s32 $0x1B8B  }
0xa2: {  	_ =	swait.ge [sflag:s23], $0x1  }
0xa3: {  	[sflag:s23] =	ssyncset.done $0x0  }
0xa4: {  	s25 =	simm.s32 $0x1B8E;
	s24 =	sld [smem:$0x3FFE];
	[sflag:s23] =	ssyncadd.s32 $0xFFFFFFFF  }
0xa5: {  	s26 =	simm.s32 $execute0_lowered;
	[smem:$0x3FD2] =	sst s25  }
0xa6: {  	s4 =	sshll.u32 s26, $0x1;
	_ =	strace $0x8000004C;
	[dreg:$0x1] =	wrdreg $0xFFFFFFFF  }
0xa7: {  	s28 =	simm.s32 $_size_execute0_lowered;
	s2 =	sadd.s32 s2, s4;
	[dreg:$0x0] =	wrdreg $0x0  }
0xa8: {  	s4 =	sshll.u32 s28, $0x1;
	[dreg:$0x2] =	wrdreg s2  }
0xa9: {  	[dreg:$0x3] =	wrdreg s4  }
0xaa: {  	[dreg:$0x4] =	wrdreg $0xC0  }
0xab: {  	_ =	task [dreg:s6], $0x5FFFF  }
0xac: {  	[dreg:$0x1] =	wrdreg $0xFFFFFFFF  }
0xad: {  	[dreg:$0x0] =	wrdreg $0x60  }
0xae: {  	[dreg:$0x2] =	wrdreg s24  }
0xaf: {  	[dreg:$0x3] =	wrdreg $0x68000  }
0xb0: {  	[dreg:$0x4] =	wrdreg $0x9  }
0xb1: {  	_ =	task.clear_ibuf [dreg:s6], $0x5FFFF;
	_ =	strace $0x9000004C  }
0xb2: {  	s29 =	simm.s32 $0x9;
	_ =	strace $0x8000004E  }
0xb3: {  	_ =	swait.ge [sflag:s29], $0x1  }
0xb4: {  	[sflag:s29] =	ssyncadd.s32 $0xFFFFFFFF  }
0xb5: {  	_ =	strace $0x9000004E  }
0xb6: {  	_ =	sfence  }
0xb7: {  	s30 =	sld [smem:$0x0];
	_ =	sdelay $0x2  }
0xb8: {  	s31 =	sshll.u32 s1, $0xD;
	s1 =	sshrl.u32 s1, $0x2  }
0xb9: {  	s3 =	sand.u32 $0x4000, s31;
	s1 =	sadd.s32 s1, s30  }
0xba: {  	s0 =	sor.u32 s3, s0;
	s1 =	sshll.u32 s1, $0x11  }
0xbb: {  	s0 =	sor.u32 s1, s0  }
0xbc: {  	s0 =	sadd.s32 $0x8F2B, s0  }
0xbd: {  	[sflag:s0] =	ssyncadd.remote.s32 $0x1  }
0xbe: {  	_ =	sfence.sel $0xFFFF  }
0xbf: {  	[dreg:$0x0] =	wrdreg $0xFFFFFFFF;
	(pc) =	sbr.abs _section_cstart, $3  }
0xc0: {  	[dreg:$0x1] =	wrdreg $0xFFFFFFFF  }
0xc1: {  	_ =	task.clear_ibuf [dreg:s6], $0x2FFFF;
	_ =	strace $0x9FFFFFFF  }
0xc2: {  	(tm) =	ssettm $0x7FFFFFFF  }
0xc3: {  	_ =	shalt  }
tec
execute0_lowered:
.L_overlay_start_1:
0x0: {  	(tag) =	ssettag $0x1  }
0x1: {  	s0 =	srdreg.scid;
	s5 =	rddreg [dreg:$0x0]  }
0x2: {  	s2 =	rddreg [dreg:$0x1];
	s1 =	stileid.u32  }
0x3: {  	s3 =	simm.s32 $0x0;
	s23 =	simm.s32 $0x80;
	s24 =	simm.s32 $0x2780  }
0x4: {  	s25 =	simm.s32 $0x4800;
	s9 =	sand.u32 $0x1, s0;
	[smem:$0x7FF] =	sst s3  }
0x5: {  	s13 =	smul.u32 $0xA000, s1;
	s18 =	sadd.s32 $0x2A400, s5;
	s4 =	sshll.u32 s9, $0x4  }
0x6: {  	_ =	strace $0x8000004D;
	s7 =	ssub.s32 $0x2, s9;
	s21 =	smul.u32 $0xA0000, s9  }
0x7: {  	s4 =	sor.u32 s1, s4;
	s8 =	sshrl.u32 s7, $0x1;
	s15 =	sadd.s32 $0x2000, s13  }
0x8: {  	s16 =	sadd.s32 $0x4000, s13;
	s17 =	sadd.s32 $0x6000, s13;
	s20 =	sadd.s32 $0x8000, s13  }
0x9: {  	s6 =	smul.u32 $0x2800, s4;
	s4 =	sadd.s32 $0x16400, s5;
	s19 =	ssub.s32 s7, s8  }
0xa: {  	s7 =	sadd.s32 s16, s2;
	s8 =	sadd.s32 s17, s2;
	s9 =	sadd.s32 s20, s2  }
0xb: {  	s22 =	sadd.s32 s13, s21;
	s16 =	sadd.s32 s21, s16;
	s17 =	sadd.s32 s21, s17  }
0xc: {  	s20 =	sadd.s32 s21, s20;
	s31 =	sshrl.u32 s22, $0x3;
	s16 =	sshrl.u32 s16, $0x3  }
0xd: {  	s17 =	sshrl.u32 s17, $0x3;
	s20 =	sshrl.u32 s20, $0x3;
	s19 =	smax.u32 s19, $0x1  }
0xe: {  	s22 =	simm.s32 $0x1;
	s6 =	sshrl.u32 s6, $0x3;
	s16 =	sadd.s32 s18, s16  }
0xf: {  	s17 =	sadd.s32 s18, s17;
	s14 =	sadd.s32 s6, s5;
	s5 =	sadd.s32 s13, s2  }
0x10: {  	s6 =	sadd.s32 s15, s2;
	s15 =	sadd.s32 s21, s15;
	s21 =	simm.s32 $0x2  }
0x11: {  	s10 =	sadd.s32 $0x2400, s14;
	s11 =	sadd.s32 $0xC400, s14;
	s12 =	sadd.s32 $0x2680, s14  }
0x12: {  	s13 =	sadd.s32 $0xC680, s14;
	s15 =	sshrl.u32 s15, $0x3;
	s14 =	sadd.s32 s18, s31  }
0x13: {  	v0 =	vimm.f32 $0.0e+00;
	s15 =	sadd.s32 s18, s15;
	s18 =	sadd.s32 s18, s20;
	s20 =	simm.s32 $0x2800  }
.LBB2_1:
0x14: {  	s28 =	simm.s32 $0x100;
	s26 =	simm.s32 $0x0  }
.LBB2_2:
0x15: {  	p0 =	sne.s32 s28, $0x7F00;
	[tilespmem:s26+$0x2830] =	vst v0;
	s29 =	smov.u32 s28;
	s28 =	sadd.s32 $0x100, s28  }
.Ltmp0:
0x16: {  	[tilespmem:s26+$0x2820] =	vst v0;
	(pc) =	sbr.rel @p0 .LBB2_2-.Ltmp0, $3  }
0x17: {  	[tilespmem:s26+$0x2800] =	vst v0  }
0x18: {  	[tilespmem:s26+$0x2810] =	vst v0;
	_ =	sdelay $0x1  }
0x19: {  	s26 =	sshra.s32 s29, $0x2  }
0x1a: {  	[tilespmem:s26+$0x2830] =	vst v0  }
0x1b: {  	[tilespmem:s26+$0x2820] =	vst v0  }
0x1c: {  	[tilespmem:s26+$0x2800] =	vst v0  }
0x1d: {  	[tilespmem:s26+$0x2810] =	vst v0  }
0x1e: {  	[spmem:s5] =	stream.linear.scatter [tilespmem:s20], [sflag:$0x2], $0x2000, $0x38;
	[tilespmem:$0x10800] =	vst v63  }
0x1f: {  	_ =	swait.ge [sflag:s21], $0x2000  }
0x20: {  	[sflag:s21] =	ssyncset.done $0x0  }
0x21: {  	[sflag:s21] =	ssyncadd.s32 $0xFFFFE000  }
0x22: {  	[spmem:s6] =	stream.linear.scatter [tilespmem:s20], [sflag:$0x2], $0x2000, $0x38;
	[tilespmem:$0x10800] =	vst v63  }
0x23: {  	_ =	swait.ge [sflag:s21], $0x2000  }
0x24: {  	[sflag:s21] =	ssyncset.done $0x0  }
0x25: {  	[sflag:s21] =	ssyncadd.s32 $0xFFFFE000  }
0x26: {  	[spmem:s7] =	stream.linear.scatter [tilespmem:s20], [sflag:$0x2], $0x2000, $0x38;
	[tilespmem:$0x10800] =	vst v63  }
0x27: {  	_ =	swait.ge [sflag:s21], $0x2000  }
0x28: {  	[sflag:s21] =	ssyncset.done $0x0  }
0x29: {  	[sflag:s21] =	ssyncadd.s32 $0xFFFFE000  }
0x2a: {  	[spmem:s8] =	stream.linear.scatter [tilespmem:s20], [sflag:$0x2], $0x2000, $0x38;
	[tilespmem:$0x10800] =	vst v63  }
0x2b: {  	_ =	swait.ge [sflag:s21], $0x2000  }
0x2c: {  	[sflag:s21] =	ssyncset.done $0x0  }
0x2d: {  	[sflag:s21] =	ssyncadd.s32 $0xFFFFE000  }
0x2e: {  	[spmem:s9] =	stream.linear.scatter [tilespmem:s20], [sflag:$0x2], $0x2000, $0x38;
	[tilespmem:$0x10800] =	vst v63  }
0x2f: {  	_ =	swait.ge [sflag:s21], $0x2000  }
0x30: {  	[sflag:s21] =	ssyncset.done $0x0  }
0x31: {  	[sflag:s21] =	ssyncadd.s32 $0xFFFFE000  }
0x32: {  	s28 =	simm.s32 $0x0;
	[bflag:$0x0] =	sbarrier.arrive $0xFFFF  }
0x33: {  	[tilespmem:s28], [sflag:$0x2] =	stream.linear.gather [hbm4b:s10+s28], $0x1400, $0x38;
	[tilespmem:$0x10800] =	vst v63  }
0x34: {  	_ =	swait.ge [sflag:s21], $0x1400  }
0x35: {  	[sflag:s21] =	ssyncset.done $0x0  }
0x36: {  	s26 =	simm.s32 $0x1400;
	[sflag:s21] =	ssyncadd.s32 $0xFFFFEC00  }
0x37: {  	[tilespmem:s26], [sflag:$0x2] =	stream.linear.gather [hbm4b:s11+s28], $0x1400, $0x38;
	[tilespmem:$0x10800] =	vst v63  }
0x38: {  	_ =	swait.ge [sflag:s21], $0x1400  }
0x39: {  	[sflag:s21] =	ssyncset.done $0x0  }
0x3a: {  	s30 =	simm.s32 $0x80;
	[sflag:s21] =	ssyncadd.s32 $0xFFFFEC00  }
0x3b: {  	[tilespmem:s20], [sflag:$0x1] =	stream.indirect.gather [hbm4b:s4+s30], $0x40, s28, s30, $0xb8;
	[tilespmem:$0x10800] =	vst v63  }
0x3c: {  	s29 =	simm.s32 $0x2000;
	_ =	swait.ge [sflag:s22], $0x2000  }
0x3d: {  	s31 =	sand.u32 $0x2000, s29;
	[sflag:s22] =	ssyncset.done $0x0  }
0x3e: {  	s31 =	sadd.s32 $0x2800, s31;
	s28 =	sand.u32 $0x2000, s28;
	[sflag:s22] =	ssyncadd.s32 $0xFFFFE000  }
0x3f: {  	[tilespmem:s31], [sflag:$0x1] =	stream.indirect.gather [hbm4b:s4+s23], $0x40, s30, s23, $0xb8;
	[tilespmem:$0x10800] =	vst v63  }
0x40: {  	s28 =	sadd.s32 $0x2800, s28  }
0x41: {  	[spmem:s2] =	stream.indirect.scatter.add.f32 [tilespmem:s28], [sflag:$0x2], $0x40, s26, s23, $0xb8;
	[tilespmem:$0x10800] =	vst v63  }
0x42: {  	_ =	swait.ge [sflag:s21], $0x2000  }
0x43: {  	s28 =	simm.s32 $0x100;
	[sflag:s21] =	ssyncset.done $0x0  }
.LBB2_4:
0x44: {  	[sflag:s21] =	ssyncadd.s32 $0xFFFFE000  }
0x45: {  	s26 =	sadd.s32 $0x80, s26;
	s30 =	smov.u32 s29;
	s31 =	sadd.s32 $0x2000, s29  }
0x46: {  	p0 =	sne.s32 s29, $0x4C000;
	s0 =	sand.u32 $0x2000, s31  }
0x47: {  	_ =	swait.ge [sflag:s22], $0x2000  }
0x48: {  	[sflag:s22] =	ssyncset.done $0x0  }
0x49: {  	s29 =	sand.u32 $0x2000, s30;
	s0 =	sadd.s32 $0x2800, s0;
	[sflag:s22] =	ssyncadd.s32 $0xFFFFE000  }
0x4a: {  	[tilespmem:s0], [sflag:$0x1] =	stream.indirect.gather [hbm4b:s4+s23], $0x40, s28, s23, $0xb8;
	[tilespmem:$0x10800] =	vst v63  }
.Ltmp1:
0x4b: {  	_ = 	snop;
	(pc) =	sbr.rel @p0 .LBB2_4-.Ltmp1, $4  }
0x4c: {  	s0 =	sadd.s32 $0x2800, s29  }
0x4d: {  	[spmem:s2] =	stream.indirect.scatter.add.f32 [tilespmem:s0], [sflag:$0x2], $0x40, s26, s23, $0xb8;
	[tilespmem:$0x10800] =	vst v63  }
0x4e: {  	_ =	swait.ge [sflag:s21], $0x2000  }
0x4f: {  	s28 =	sadd.s32 $0x80, s28;
	s29 =	smov.u32 s31;
	[sflag:s21] =	ssyncset.done $0x0  }
0x50: {  	[sflag:s21] =	ssyncadd.s32 $0xFFFFE000  }
0x51: {  	_ =	swait.ge [sflag:s22], $0x2000  }
0x52: {  	[sflag:s22] =	ssyncset.done $0x0  }
0x53: {  	s0 =	simm.s32 $0x80;
	[sflag:s22] =	ssyncadd.s32 $0xFFFFE000  }
0x54: {  	[spmem:s2] =	stream.indirect.scatter.add.f32 [tilespmem:s25], [sflag:$0x2], $0x40, s24, s0, $0xb8;
	[tilespmem:$0x10800] =	vst v63  }
0x55: {  	_ =	swait.ge [sflag:s21], $0x2000  }
0x56: {  	[sflag:s21] =	ssyncset.done $0x0  }
0x57: {  	s28 =	simm.s32 $0x0;
	[sflag:s21] =	ssyncadd.s32 $0xFFFFE000  }
0x58: {  	[tilespmem:s28], [sflag:$0x2] =	stream.linear.gather [hbm4b:s12+s28], $0x1400, $0x38;
	[tilespmem:$0x10800] =	vst v63  }
0x59: {  	_ =	swait.ge [sflag:s21], $0x1400  }
0x5a: {  	[sflag:s21] =	ssyncset.done $0x0  }
0x5b: {  	s26 =	simm.s32 $0x1400;
	[sflag:s21] =	ssyncadd.s32 $0xFFFFEC00  }
0x5c: {  	[tilespmem:s26], [sflag:$0x2] =	stream.linear.gather [hbm4b:s13+s28], $0x1400, $0x38;
	[tilespmem:$0x10800] =	vst v63  }
0x5d: {  	_ =	swait.ge [sflag:s21], $0x1400  }
0x5e: {  	[sflag:s21] =	ssyncset.done $0x0  }
0x5f: {  	[sflag:s21] =	ssyncadd.s32 $0xFFFFEC00  }
0x60: {  	[tilespmem:s20], [sflag:$0x1] =	stream.indirect.gather [hbm4b:s4+s0], $0x40, s28, s0, $0xb8;
	[tilespmem:$0x10800] =	vst v63  }
0x61: {  	s29 =	simm.s32 $0x2000;
	_ =	swait.ge [sflag:s22], $0x2000  }
0x62: {  	s30 =	sand.u32 $0x2000, s29;
	[sflag:s22] =	ssyncset.done $0x0  }
0x63: {  	s30 =	sadd.s32 $0x2800, s30;
	s28 =	sand.u32 $0x2000, s28;
	[sflag:s22] =	ssyncadd.s32 $0xFFFFE000  }
0x64: {  	[tilespmem:s30], [sflag:$0x1] =	stream.indirect.gather [hbm4b:s4+s23], $0x40, s0, s23, $0xb8;
	[tilespmem:$0x10800] =	vst v63  }
0x65: {  	s31 =	sadd.s32 $0x2800, s28  }
0x66: {  	[spmem:s2] =	stream.indirect.scatter.add.f32 [tilespmem:s31], [sflag:$0x2], $0x40, s26, s23, $0xb8;
	[tilespmem:$0x10800] =	vst v63  }
0x67: {  	_ =	swait.ge [sflag:s21], $0x2000  }
0x68: {  	s28 =	simm.s32 $0x100;
	[sflag:s21] =	ssyncset.done $0x0  }
.LBB2_6:
0x69: {  	[sflag:s21] =	ssyncadd.s32 $0xFFFFE000  }
0x6a: {  	s26 =	sadd.s32 $0x80, s26;
	s0 =	smov.u32 s29;
	s30 =	sadd.s32 $0x2000, s29  }
0x6b: {  	p0 =	sne.s32 s29, $0x4C000;
	s31 =	sand.u32 $0x2000, s30  }
0x6c: {  	_ =	swait.ge [sflag:s22], $0x2000  }
0x6d: {  	[sflag:s22] =	ssyncset.done $0x0  }
0x6e: {  	s0 =	sand.u32 $0x2000, s0;
	s29 =	sadd.s32 $0x2800, s31;
	[sflag:s22] =	ssyncadd.s32 $0xFFFFE000  }
0x6f: {  	[tilespmem:s29], [sflag:$0x1] =	stream.indirect.gather [hbm4b:s4+s23], $0x40, s28, s23, $0xb8;
	[tilespmem:$0x10800] =	vst v63  }
.Ltmp2:
0x70: {  	_ = 	snop;
	(pc) =	sbr.rel @p0 .LBB2_6-.Ltmp2, $4  }
0x71: {  	s0 =	sadd.s32 $0x2800, s0  }
0x72: {  	[spmem:s2] =	stream.indirect.scatter.add.f32 [tilespmem:s0], [sflag:$0x2], $0x40, s26, s23, $0xb8;
	[tilespmem:$0x10800] =	vst v63  }
0x73: {  	_ =	swait.ge [sflag:s21], $0x2000  }
0x74: {  	s28 =	sadd.s32 $0x80, s28;
	s29 =	smov.u32 s30;
	[sflag:s21] =	ssyncset.done $0x0  }
0x75: {  	[sflag:s21] =	ssyncadd.s32 $0xFFFFE000  }
0x76: {  	_ =	swait.ge [sflag:s22], $0x2000  }
0x77: {  	[sflag:s22] =	ssyncset.done $0x0  }
0x78: {  	[sflag:s22] =	ssyncadd.s32 $0xFFFFE000  }
0x79: {  	[spmem:s2] =	stream.indirect.scatter.add.f32 [tilespmem:s25], [sflag:$0x2], $0x40, s24, s23, $0xb8;
	[tilespmem:$0x10800] =	vst v63  }
0x7a: {  	_ =	swait.ge [sflag:s21], $0x2000  }
0x7b: {  	[sflag:s21] =	ssyncset.done $0x0  }
0x7c: {  	s0 =	sshll.u32 s1, $0x6;
	[sflag:s21] =	ssyncadd.s32 $0xFFFFE000  }
0x7d: {  	s26 =	sshrl.u32 s5, $0x3;
	s0 =	sor.u32 $0x1C02, s0;
	[bflag:$0x0] =	sbarrier.arrive $0xFFFF  }
0x7e: {  	[hbm:s14], [sflag:s0] =	dma.local [spmem:s26], $0x400  }
0x7f: {  	_ =	swait.ge [sflag:s21], $0x400  }
0x80: {  	[sflag:s21] =	ssyncset.done $0x0  }
0x81: {  	s28 =	sshrl.u32 s6, $0x3;
	[sflag:s21] =	ssyncadd.s32 $0xFFFFFC00  }
0x82: {  	[hbm:s15], [sflag:s0] =	dma.local [spmem:s28], $0x400  }
0x83: {  	_ =	swait.ge [sflag:s21], $0x400  }
0x84: {  	[sflag:s21] =	ssyncset.done $0x0  }
0x85: {  	s29 =	sshrl.u32 s7, $0x3;
	[sflag:s21] =	ssyncadd.s32 $0xFFFFFC00  }
0x86: {  	[hbm:s16], [sflag:s0] =	dma.local [spmem:s29], $0x400  }
0x87: {  	_ =	swait.ge [sflag:s21], $0x400  }
0x88: {  	[sflag:s21] =	ssyncset.done $0x0  }
0x89: {  	s30 =	sshrl.u32 s8, $0x3;
	[sflag:s21] =	ssyncadd.s32 $0xFFFFFC00  }
0x8a: {  	[hbm:s17], [sflag:s0] =	dma.local [spmem:s30], $0x400  }
0x8b: {  	s3 =	sadd.s32 $0x1, s3;
	_ =	swait.ge [sflag:s21], $0x400  }
0x8c: {  	p0 =	sne.s32 s3, s19;
	[sflag:s21] =	ssyncset.done $0x0  }
.Ltmp3:
0x8d: {  	s31 =	sshrl.u32 s9, $0x3;
	[sflag:s21] =	ssyncadd.s32 $0xFFFFFC00;
	(pc) =	sbr.rel @p0 .LBB2_1-.Ltmp3, $4  }
0x8e: {  	[hbm:s18], [sflag:s0] =	dma.local [spmem:s31], $0x400  }
0x8f: {  	_ =	swait.ge [sflag:s21], $0x400  }
0x90: {  	[sflag:s21] =	ssyncset.done $0x0  }
0x91: {  	[sflag:s21] =	ssyncadd.s32 $0xFFFFFC00  }
0x92: {  	_ =	sfence.sel $0x180000  }
0x93: {  	[bflag:$0x0] =	sbarrier.arrive $0xFFFF  }
0x94: {  	_ =	strace $0x9000004D  }
0x95: {  	[bflag:$0x2] =	sbarrier.arrive $0xFFFF  }
0x96: {  	p0 =	sne.s32 s1, $0x0;
	s0 =	rddreg [dreg:$0x2]  }
0x97: {  	s0 =	sadd.s32 @!p0 $0x100000, s0  }
0x98: {  	[sflag:s0] =	ssyncadd.tile.s32 @!p0 $0x1;
	_ =	shalt  }
.Lfunc_end2:
_tile_overlayer_lowered:
.L_overlay_start_2:
0x99: {  	(tag) =	ssettag $0x2  }
0x9a: {  	s0 =	rddreg [dreg:$0x0];
	s2 =	stileid.u32  }
0x9b: {  	s1 =	rddreg [dreg:$0x1];
	p0 =	sne.s32 s2, $0x0  }
0x9c: {  	s3 =	rddreg [dreg:$0x2];
	[bflag:$0x3] =	sbarrier.arrive $0xFFFF;
	s2 =	simm.s32 @!p0 $0x1C02  }
0x9d: {  	[timem:s3], [sflag:s2] =	dma.local @!p0 [hbm:s0], s1  }
0x9e: {  	s0 =	simm.s32 @!p0 $0x2  }
0x9f: {  	_ =	swait.ge @!p0 [sflag:s0], s1  }
0xa0: {  	s1 =	ssub.s32 @!p0 $0x0, s1;
	[sflag:s0] =	ssyncset.done @!p0 $0x0  }
0xa1: {  	[sflag:s0] =	ssyncadd.s32 @!p0 s1  }
0xa2: {  	[bflag:$0x3] =	sbarrier.arrive $0xFFFF  }
0xa3: {  	_ =	shalt  }

// kernel: kernel.8.cloned.1.call-start
scs
__scs_entry_jumppad:
0x0: {  	(pc) =	sbr.rel $0x88, $3  }
0x1: {  	(tag) =	ssettag $0x0;
	lr =	simm.s32 $0x1  }
0x2: {  	[smem:$0x3F9B] =	sst lr;
	_ =	strace $0xD0000000  }
0x3: {  	_ = 	snop  }
0x4: {  	_ = 	snop  }
0x5: {  	_ = 	snop  }
0x6: {  	_ = 	snop  }
0x7: {  	_ = 	snop  }
__scs_overlays_trampoline_lowered:
0x8: {  	[smem:$0x3FAA] =	sst s0  }
0x9: {  	[smem:$0x3FAB] =	sst s1  }
0xa: {  	[smem:$0x3FAC] =	sst s2  }
0xb: {  	[smem:$0x3FAD] =	sst s3  }
0xc: {  	[smem:$0x3FAE] =	sst s4  }
0xd: {  	[smem:$0x3FAF] =	sst s5  }
0xe: {  	[smem:$0x3FB0] =	sst s6  }
0xf: {  	[smem:$0x3FB1] =	sst s7  }
0x10: {  	[smem:$0x3FB2] =	sst s8  }
0x11: {  	[smem:$0x3FB3] =	sst s9;
	s0 =	simm.s32 @!p0 $0x0  }
0x12: {  	s1 =	sld [smem:$0x3F99];
	s0 =	simm.s32 @p0 $0x1  }
0x13: {  	[smem:$0x3FB4] =	sst s0;
	s0 =	simm.s32 @!p1 $0x0  }
0x14: {  	s2 =	sld [smem:$0x3F98];
	s0 =	simm.s32 @p1 $0x1  }
0x15: {  	[smem:$0x3FB5] =	sst s0;
	s0 =	simm.s32 @!p2 $0x0  }
0x16: {  	s3 =	sld [smem:$0x3FDB];
	s0 =	simm.s32 @p2 $0x1  }
0x17: {  	s4 =	simm.s32 $0x1BF5;
	[smem:$0x3FB7] =	sst s0  }
0x18: {  	s0 =	sld [smem:$0x3F9A];
	_ =	swait.ge [sflag:s4], $0x0  }
0x19: {  	s7 =	sld [smem:$0x3F9B]  }
0x1a: {  	s8 =	sadd.s32 $0xFFFFE003, lr  }
0x1b: {  	s9 =	sadd.s32 $0xFFFFFEF7, lr;
	s5 =	simm.s32 $0xFFFFFFFF;
	p2 =	slt.u32 s8, $0xFFFFF086  }
0x1c: {  	p1 =	slt.u32 s9, $0xF7A;
	s5 =	simm.s32 @!p2 $0x0  }
0x1d: {  	s5 =	simm.s32 @p1 $0x1;
	p0 =	seq.s32 s7, s2  }
0x1e: {  	s7 =	smul.u32 @!p0 $0xF7A, s2;
	p2 =	seq.s32 @!p0 s5, $0x0  }
0x1f: {  	s9 =	smul.u32 $0xF7A, s1;
	s8 =	simm.s32 @!p0 $0x1BF5;
	p2 =	por !p2, p0  }
0x20: {  	[sflag:s8] =	ssyncset.s32 @!p0 $0xFFFFF086;
	s6 =	sadd.s32 @!p0 s3, s7;
	s7 =	simm.s32 @!p0 $0x108  }
0x21: {  	s3 =	sadd.s32 s3, s9;
	s6 =	sadd.s32 @!p0 $0x88, s6;
	s7 =	simm.s32 @p2 $0x1082  }
0x22: {  	[simem:s7], [sflag:s8] =	dma.local @!p0 [hbm:s6], $0xF7A  }
0x23: {  	s9 =	sor.u32 $0xD0000000, s2;
	s6 =	simm.s32 $0x108;
	_ =	swait.ge @!p0 [sflag:s8], $0x0  }
0x24: {  	s3 =	sadd.s32 $0x88, s3;
	s6 =	simm.s32 @!p1 $0x1082;
	[sflag:s4] =	ssyncset.s32 $0xFFFFF086  }
0x25: {  	[simem:s6], [sflag:s4] =	dma.local [hbm:s3], $0xF7A  }
0x26: {  	[smem:$0x3F9B] =	sst s1;
	(tag) =	ssettag s2;
	_ =	strace s9  }
0x27: {  	s1 =	sld [smem:$0x3FAB]  }
0x28: {  	s2 =	sld [smem:$0x3FAC]  }
0x29: {  	s4 =	sld [smem:$0x3FAE]  }
0x2a: {  	p0 =	seq.s32 s5, $0x0;
	s5 =	sld [smem:$0x3FAF]  }
0x2b: {  	s6 =	sld [smem:$0x3FB0]  }
0x2c: {  	s7 =	sld [smem:$0x3FB1]  }
0x2d: {  	s3 =	simm.s32 $0x108;
	s8 =	sld [smem:$0x3FB2]  }
0x2e: {  	s3 =	simm.s32 @!p0 $0x1082;
	s9 =	sld [smem:$0x3FB3]  }
0x2f: {  	lr =	sadd.s32 s0, s3;
	s0 =	sld [smem:$0x3FAA]  }
0x30: {  	s3 =	sld [smem:$0x3FAD]  }
0x31: {  	[smem:$0x3FB6] =	sst s10  }
0x32: {  	s10 =	sld [smem:$0x3FB4];
	_ =	sdelay $0x3  }
0x33: {  	p0 =	seq.s32 s10, $0x1;
	s10 =	sld [smem:$0x3FB6];
	_ =	sdelay $0x3  }
0x34: {  	[smem:$0x3FB6] =	sst s10  }
0x35: {  	s10 =	sld [smem:$0x3FB5];
	_ =	sdelay $0x3  }
0x36: {  	p1 =	seq.s32 s10, $0x1;
	s10 =	sld [smem:$0x3FB6];
	_ =	sdelay $0x3  }
0x37: {  	[smem:$0x3FB6] =	sst s10  }
0x38: {  	s10 =	sld [smem:$0x3FB7]  }
0x39: {  	_ = 	snop;
	(pc) =	sbr.ind lr, $3  }
0x3a: {  	_ = 	snop  }
0x3b: {  	_ = 	snop  }
0x3c: {  	p2 =	seq.s32 s10, $0x1;
	s10 =	sld [smem:$0x3FB6]  }
0x3d: {  	_ =	shalt  }
0x3e: {  	_ =	shalt  }
0x3f: {  	_ =	shalt  }
0x40: {  	_ =	shalt  }
0x41: {  	_ =	shalt  }
0x42: {  	_ =	shalt  }
0x43: {  	_ =	shalt  }
0x44: {  	_ =	shalt  }
0x45: {  	_ =	shalt  }
0x46: {  	_ =	shalt  }
0x47: {  	_ =	shalt  }
0x48: {  	_ =	shalt  }
0x49: {  	_ =	shalt  }
0x4a: {  	_ =	shalt  }
0x4b: {  	_ =	shalt  }
0x4c: {  	_ =	shalt  }
0x4d: {  	_ =	shalt  }
0x4e: {  	_ =	shalt  }
0x4f: {  	_ =	shalt  }
0x50: {  	_ =	shalt  }
0x51: {  	_ =	shalt  }
0x52: {  	_ =	shalt  }
0x53: {  	_ =	shalt  }
0x54: {  	_ =	shalt  }
0x55: {  	_ =	shalt  }
0x56: {  	_ =	shalt  }
0x57: {  	_ =	shalt  }
0x58: {  	_ =	shalt  }
0x59: {  	_ =	shalt  }
0x5a: {  	_ =	shalt  }
0x5b: {  	_ =	shalt  }
0x5c: {  	_ =	shalt  }
0x5d: {  	_ =	shalt  }
0x5e: {  	_ =	shalt  }
0x5f: {  	_ =	shalt  }
0x60: {  	_ =	shalt  }
0x61: {  	_ =	shalt  }
0x62: {  	_ =	shalt  }
0x63: {  	_ =	shalt  }
0x64: {  	_ =	shalt  }
0x65: {  	_ =	shalt  }
0x66: {  	_ =	shalt  }
0x67: {  	_ =	shalt  }
0x68: {  	_ =	shalt  }
0x69: {  	_ =	shalt  }
0x6a: {  	_ =	shalt  }
0x6b: {  	_ =	shalt  }
0x6c: {  	_ =	shalt  }
0x6d: {  	_ =	shalt  }
0x6e: {  	_ =	shalt  }
0x6f: {  	_ =	shalt  }
0x70: {  	_ =	shalt  }
0x71: {  	_ =	shalt  }
0x72: {  	_ =	shalt  }
0x73: {  	_ =	shalt  }
0x74: {  	_ =	shalt  }
0x75: {  	_ =	shalt  }
0x76: {  	_ =	shalt  }
0x77: {  	_ =	shalt  }
0x78: {  	_ =	shalt  }
0x79: {  	_ =	shalt  }
0x7a: {  	_ =	shalt  }
0x7b: {  	_ =	shalt  }
0x7c: {  	_ =	shalt  }
0x7d: {  	_ =	shalt  }
0x7e: {  	_ =	shalt  }
0x7f: {  	_ =	shalt  }
0x80: {  	_ =	shalt  }
0x81: {  	_ =	shalt  }
0x82: {  	_ =	shalt  }
0x83: {  	_ =	shalt  }
0x84: {  	_ =	shalt  }
0x85: {  	_ =	shalt  }
0x86: {  	_ =	shalt  }
0x87: {  	_ =	shalt  }
.Lfunc_end0:
.L_simem_size_0:
called_computation_lowered:
.L_overlay_start_0:
0x88: {  	s2 =	sld [smem:$0x3FD9]  }
0x89: {  	s3 =	sld [smem:$0x3FFE];
	_ =	sdelay $0x1  }
0x8a: {  	s1 =	srdreg.scid  }
0x8b: {  	s0 =	sand.u32 $0x1, s1  }
0x8c: {  	s17 =	sshll.u32 s0, $0xA;
	s2 =	sadd.s32 s3, s2  }
0x8d: {  	s2 =	sadd.s32 s2, s17  }
0x8e: {  	[smem:$0x3FC2] =	sst s2  }
0x8f: {  	_ = 	snop  }
0x90: {  	s2 =	sld [smem:$0x3FD0];
	(tm) =	ssettm $0x1  }
0x91: {  	s18 =	sld [smem:$0x3FFB];
	_ =	sdelay $0x3  }
0x92: {  	_ =	strace s18  }
0x93: {  	s3 =	sld [smem:$0x3FFC];
	_ =	sdelay $0x3  }
0x94: {  	_ =	strace s3  }
0x95: {  	s3 =	sld [smem:$0x3FFD];
	_ =	sdelay $0x3  }
0x96: {  	_ =	strace s3  }
0x97: {  	_ =	strace $0x8FFFFFFF  }
0x98: {  	s19 =	sld [smem:$0x3FDB];
	_ =	sdelay $0x1  }
0x99: {  	s4 =	simm.s32 $_scs_section_size  }
0x9a: {  	s5 =	simm.s32 $_size__tile_overlayer_lowered;
	s6 =	simm.s32 $_tile_overlayer_lowered  }
0x9b: {  	s22 =	simm.s32 $0x1BFF;
	s21 =	sshll.u32 s6, $0x1;
	s3 =	sadd.s32 s4, s19  }
0x9c: {  	s7 =	simm.s32 $0x0;
	s20 =	sshll.u32 s5, $0x1;
	s5 =	sadd.s32 s21, s3  }
0x9d: {  	[timem:s7], [sflag:s22] =	dma.local [hbm:s5], s20  }
0x9e: {  	_ =	swait.ge [sflag:s22], s20  }
0x9f: {  	s4 =	ssub.s32 $0x0, s20;
	[sflag:s22] =	ssyncset.done $0x0  }
0xa0: {  	[sflag:s22] =	ssyncadd.s32 s4;
	_ =	sdelay $0x1  }
0xa1: {  	s23 =	simm.s32 $0x1B8B  }
0xa2: {  	_ =	swait.ge [sflag:s23], $0x1  }
0xa3: {  	[sflag:s23] =	ssyncset.done $0x0  }
0xa4: {  	s25 =	simm.s32 $0x1B8E;
	s24 =	sld [smem:$0x3FFE];
	[sflag:s23] =	ssyncadd.s32 $0xFFFFFFFF  }
0xa5: {  	s26 =	simm.s32 $execute0_lowered;
	[smem:$0x3FD2] =	sst s25  }
0xa6: {  	s5 =	sshll.u32 s26, $0x1;
	_ =	strace $0x80000046;
	[dreg:$0x1] =	wrdreg $0xFFFFFFFF  }
0xa7: {  	s28 =	simm.s32 $_size_execute0_lowered;
	s3 =	sadd.s32 s3, s5;
	[dreg:$0x0] =	wrdreg $0x0  }
0xa8: {  	s5 =	sshll.u32 s28, $0x1;
	[dreg:$0x2] =	wrdreg s3  }
0xa9: {  	[dreg:$0x3] =	wrdreg s5  }
0xaa: {  	[dreg:$0x4] =	wrdreg $0xC0  }
0xab: {  	_ =	task [dreg:s7], $0x5FFFF  }
0xac: {  	[dreg:$0x1] =	wrdreg $0xFFFFFFFF  }
0xad: {  	[dreg:$0x0] =	wrdreg $0x60  }
0xae: {  	[dreg:$0x2] =	wrdreg s24  }
0xaf: {  	[dreg:$0x3] =	wrdreg s2  }
0xb0: {  	[dreg:$0x4] =	wrdreg $0x9  }
0xb1: {  	_ =	task.clear_ibuf [dreg:s7], $0x5FFFF;
	_ =	strace $0x90000046  }
0xb2: {  	s29 =	simm.s32 $0x9;
	_ =	strace $0x80000048  }
0xb3: {  	_ =	swait.ge [sflag:s29], $0x1  }
0xb4: {  	[sflag:s29] =	ssyncadd.s32 $0xFFFFFFFF  }
0xb5: {  	_ =	strace $0x90000048  }
0xb6: {  	_ =	sfence  }
0xb7: {  	s30 =	sld [smem:$0x0];
	_ =	sdelay $0x2  }
0xb8: {  	s31 =	sshll.u32 s1, $0xD;
	s1 =	sshrl.u32 s1, $0x2  }
0xb9: {  	s3 =	sand.u32 $0x4000, s31;
	s1 =	sadd.s32 s1, s30  }
0xba: {  	s0 =	sor.u32 s3, s0;
	s1 =	sshll.u32 s1, $0x11  }
0xbb: {  	s0 =	sor.u32 s1, s0  }
0xbc: {  	s0 =	sadd.s32 $0x8F2B, s0  }
0xbd: {  	[sflag:s0] =	ssyncadd.remote.s32 $0x1  }
0xbe: {  	_ =	sfence.sel $0xFFFF  }
0xbf: {  	[dreg:$0x0] =	wrdreg $0xFFFFFFFF;
	(pc) =	sbr.abs _section_cstart, $3  }
0xc0: {  	[dreg:$0x1] =	wrdreg $0xFFFFFFFF  }
0xc1: {  	_ =	task.clear_ibuf [dreg:s7], $0x2FFFF;
	_ =	strace $0x9FFFFFFF  }
0xc2: {  	(tm) =	ssettm $0x7FFFFFFF  }
0xc3: {  	_ =	shalt  }
tec
execute0_lowered:
.L_overlay_start_1:
0x0: {  	(tag) =	ssettag $0x1  }
0x1: {  	s0 =	srdreg.scid;
	s3 =	rddreg [dreg:$0x0]  }
0x2: {  	s5 =	rddreg [dreg:$0x1];
	s1 =	stileid.u32  }
0x3: {  	s9 =	simm.s32 $0x400;
	s10 =	simm.s32 $0x0;
	s4 =	sand.u32 $0x1, s0  }
0x4: {  	s0 =	rddreg [dreg:$0x2];
	s8 =	sshll.u32 s1, $0x7;
	s2 =	sshll.u32 s4, $0x4  }
0x5: {  	s8 =	sand.u32 $0x380, s8;
	s4 =	ssub.s32 $0x2, s4;
	s6 =	sor.u32 s1, s2  }
0x6: {  	s2 =	simm.s32 $0x0;
	s7 =	smul.u32 $0x2800, s6;
	s6 =	sshrl.u32 s6, $0x3  }
0x7: {  	s30 =	sshrl.u32 s4, $0x1;
	[smem:$0x7FF] =	sst s2;
	s6 =	smul.u32 $0x14000, s6  }
0x8: {  	s31 =	ssub.s32 s4, s30;
	_ =	strace $0x80000047;
	s7 =	sshrl.u32 s7, $0x3  }
0x9: {  	s6 =	sor.u32 s8, s6;
	s3 =	sadd.s32 s3, s7;
	s7 =	simm.s32 $0x2800  }
0xa: {  	s8 =	simm.s32 $0x80;
	s6 =	sshrl.u32 s6, $0x3;
	s3 =	sadd.s32 $0xC400, s3  }
0xb: {  	v0 =	vimm.f32 $0.0e+00;
	v1 =	vimm.f32 $1.000000000e+00;
	s4 =	sadd.s32 s5, s6;
	s5 =	smax.u32 s31, $0x1;
	s6 =	simm.s32 $0x1  }
.LBB2_1:
0xc: {  	[tilespmem:s2], [sflag:$0x1] =	stream.linear.gather [hbm4b:s3+s2], $0x2800, $0x38;
	[tilespmem:$0x5000] =	vst v63  }
0xd: {  	_ =	swait.ge [sflag:s6], $0x2800  }
0xe: {  	[sflag:s6] =	ssyncset.done $0x0  }
0xf: {  	s11 =	simm.s32 $0x0;
	[sflag:s6] =	ssyncadd.s32 $0xFFFFD800  }
.LBB2_2:
0x10: {  	p0 =	sne.s32 s11, $0x9FC0  }
.Ltmp0:
0x11: {  	_ = 	snop;
	(pc) =	sbr.rel @p0 .LBB2_2-.Ltmp0, $3  }
0x12: {  	_ =	sdelay $0x1  }
0x13: {  	s12 =	sshra.s32 s11, $0x2  }
0x14: {  	s11 =	sadd.s32 $0x40, s11;
	[tilespmem:s12+$0x2800] =	vst v0  }
0x15: {  	s11 =	simm.s32 $0x0  }
.LBB2_4:
0x16: {  	s12 =	sshra.s32 s11, $0x2  }
0x17: {  	v2 =	vld [tilespmem:s12+$0x0];
	_ =	sdelay $0x7  }
0x18: {  	[tilespmem:v2+s7+$0x0] =	vst.idx.add.f32.msk $0xffff, v1  }
0x19: {  	v2 =	vld [tilespmem:s12+$0x10];
	_ =	sdelay $0x7  }
0x1a: {  	[tilespmem:v2+s7+$0x0] =	vst.idx.add.f32.msk $0xffff, v1  }
0x1b: {  	v2 =	vld [tilespmem:s12+$0x20];
	_ =	sdelay $0x7  }
0x1c: {  	[tilespmem:v2+s7+$0x0] =	vst.idx.add.f32.msk $0xffff, v1  }
0x1d: {  	v2 =	vld [tilespmem:s12+$0x30];
	_ =	sdelay $0x7  }
0x1e: {  	[tilespmem:v2+s7+$0x0] =	vst.idx.add.f32.msk $0xffff, v1  }
0x1f: {  	v2 =	vld [tilespmem:s12+$0x40];
	_ =	sdelay $0x7  }
0x20: {  	[tilespmem:v2+s7+$0x0] =	vst.idx.add.f32.msk $0xffff, v1  }
0x21: {  	v2 =	vld [tilespmem:s12+$0x50];
	_ =	sdelay $0x7  }
0x22: {  	[tilespmem:v2+s7+$0x0] =	vst.idx.add.f32.msk $0xffff, v1  }
0x23: {  	v2 =	vld [tilespmem:s12+$0x60];
	_ =	sdelay $0x7  }
0x24: {  	[tilespmem:v2+s7+$0x0] =	vst.idx.add.f32.msk $0xffff, v1  }
0x25: {  	v2 =	vld [tilespmem:s12+$0x70];
	_ =	sdelay $0x2  }
0x26: {  	p0 =	sne.s32 s11, $0x9E00  }
.Ltmp1:
0x27: {  	_ = 	snop;
	(pc) =	sbr.rel @p0 .LBB2_4-.Ltmp1, $2  }
0x28: {  	_ =	sdelay $0x2  }
0x29: {  	s11 =	sadd.s32 $0x200, s11;
	[tilespmem:v2+s7+$0x0] =	vst.idx.add.f32.msk $0xffff, v1  }
0x2a: {  	s10 =	sadd.s32 $0x1, s10  }
0x2b: {  	p0 =	sne.s32 s10, s5  }
.Ltmp2:
0x2c: {  	_ = 	snop;
	(pc) =	sbr.rel @p0 .LBB2_1-.Ltmp2, $4  }
0x2d: {  	[hbm4b:s4+s8] =	stream.strided.scatter [tilespmem:s7], [sflag:$0x1], $0x2800, s9, s8, $0x38;
	[tilespmem:$0x5000] =	vst v63  }
0x2e: {  	_ =	swait.ge [sflag:s6], $0x2800  }
0x2f: {  	[sflag:s6] =	ssyncset.done $0x0  }
0x30: {  	[sflag:s6] =	ssyncadd.s32 $0xFFFFD800  }
0x31: {  	_ =	sfence.sel $0x180000  }
0x32: {  	[bflag:$0x0] =	sbarrier.arrive $0xFFFF  }
0x33: {  	p0 =	sne.s32 s1, $0x0;
	_ =	strace $0x90000047  }
0x34: {  	s0 =	sadd.s32 @!p0 $0x100000, s0;
	[bflag:$0x2] =	sbarrier.arrive $0xFFFF  }
0x35: {  	[sflag:s0] =	ssyncadd.tile.s32 @!p0 $0x1;
	_ =	shalt  }
.Lfunc_end2:
_tile_overlayer_lowered:
.L_overlay_start_2:
0x36: {  	(tag) =	ssettag $0x2  }
0x37: {  	s0 =	rddreg [dreg:$0x0];
	s2 =	stileid.u32  }
0x38: {  	s1 =	rddreg [dreg:$0x1];
	p0 =	sne.s32 s2, $0x0  }
0x39: {  	s3 =	rddreg [dreg:$0x2];
	[bflag:$0x3] =	sbarrier.arrive $0xFFFF;
	s2 =	simm.s32 @!p0 $0x1C01  }
0x3a: {  	[timem:s3], [sflag:s2] =	dma.local @!p0 [hbm:s0], s1  }
0x3b: {  	s0 =	simm.s32 @!p0 $0x1  }
0x3c: {  	_ =	swait.ge @!p0 [sflag:s0], s1  }
0x3d: {  	s1 =	ssub.s32 @!p0 $0x0, s1;
	[sflag:s0] =	ssyncset.done @!p0 $0x0  }
0x3e: {  	[sflag:s0] =	ssyncadd.s32 @!p0 s1  }
0x3f: {  	[bflag:$0x3] =	sbarrier.arrive $0xFFFF  }
0x40: {  	_ =	shalt  }

</sc_bundles>
